<compile_context>
chip_gen: v7x
topology: tpu7x:2x2x1
jax: 0.10.2.dev20260603
libtpu: 0.0.44.dev20260713+nightly
codegen_flags: <defaults>
</compile_context>

<pallas_src>
import jax
import jax.numpy as jnp
from jax import lax
from jax.experimental import pallas as pl
from jax.experimental.pallas import tpu as pltpu
from jax.experimental.pallas import tpu_sc as plsc

_NC = 2
_NS = 16
_NW = _NC * _NS
_L = 16
_C = 80


def _tec_body(pairs_hbm, atom_hbm, bond_hbm, out_hbm,
              idx0a, idx0b, idx1a, idx1b, rows0a, rows0b, rows1a, rows1b,
              comb0, comb1, sg0, sg1, sb0, sb1, ss0, ss1, si0, si1):
    wid = lax.axis_index("s") * _NC + lax.axis_index("c")
    n_bond = out_hbm.shape[0]
    n_chunks = n_bond // _C
    n_rounds = (n_chunks + _NW - 1) // _NW
    n_rounds = n_rounds + (n_rounds % 2)
    d = atom_hbm.shape[1]
    bufs = (((idx0a, idx0b), (rows0a, rows0b), comb0, sg0, sb0, ss0, si0),
            ((idx1a, idx1b), (rows1a, rows1b), comb1, sg1, sb1, ss1, si1))

    def start_idx(k, b):
        (idx_a, idx_b), _, _, _, _, _, si = bufs[b]
        ci = wid + k * _NW

        @pl.when(ci < n_chunks)
        def _():
            base = ci * _C
            pltpu.async_copy(pairs_hbm.at[pl.ds(base, _C)], idx_a, si)
            pltpu.async_copy(pairs_hbm.at[pl.ds(n_bond + base, _C)], idx_b, si)

    def start_gather(k, b):
        (idx_a, idx_b), (rows_a, rows_b), _, sg, _, _, si = bufs[b]
        ci = wid + k * _NW

        @pl.when(ci < n_chunks)
        def _():
            base = ci * _C
            pltpu.make_async_copy(pairs_hbm.at[pl.ds(base, _C)], idx_a, si).wait()
            pltpu.make_async_copy(pairs_hbm.at[pl.ds(n_bond + base, _C)],
                                  idx_b, si).wait()
            pltpu.async_copy(atom_hbm.at[idx_a], rows_a, sg)
            pltpu.async_copy(atom_hbm.at[idx_b], rows_b, sg)

    def start_bond(k, b):
        _, _, comb_v, _, sb, _, _ = bufs[b]
        ci = wid + k * _NW

        @pl.when(ci < n_chunks)
        def _():
            base = ci * _C
            pltpu.async_copy(bond_hbm.at[pl.ds(base, _C)],
                             comb_v.at[:, pl.ds(0, d)], sb)

    def finish(k, b):
        (idx_a, idx_b), (rows_a, rows_b), comb_v, sg, sb, ss, _ = bufs[b]
        ci = wid + k * _NW

        @pl.when(ci < n_chunks)
        def _():
            base = ci * _C
            pltpu.make_async_copy(atom_hbm.at[idx_a], rows_a, sg).wait()
            pltpu.make_async_copy(atom_hbm.at[idx_b], rows_b, sg).wait()

            @plsc.parallel_loop(0, _C, unroll=4)
            def bond_body(i):
                for j in range(d // _L):
                    sl = pl.ds(j * _L, _L)
                    a0 = rows_a[i, sl]
                    a1 = rows_b[i, sl]
                    comb_v[i, pl.ds(d + j * _L, _L)] = (a0 + a1) * 0.5
                    comb_v[i, pl.ds(2 * d + j * _L, _L)] = jnp.abs(a0 - a1)

            pltpu.make_async_copy(bond_hbm.at[pl.ds(base, _C)],
                                  comb_v.at[:, pl.ds(0, d)], sb).wait()
            pltpu.async_copy(comb_v, out_hbm.at[pl.ds(base, _C)], ss)

    def wait_store(k, b):
        _, _, comb_v, _, _, ss, _ = bufs[b]
        ci = wid + k * _NW

        @pl.when(ci < n_chunks)
        def _():
            base = ci * _C
            pltpu.make_async_copy(comb_v, out_hbm.at[pl.ds(base, _C)], ss).wait()

    start_idx(0, 0)
    start_idx(1, 1)
    start_gather(0, 0)
    start_gather(1, 1)
    start_bond(0, 0)
    start_bond(1, 1)

    def round_body(k2, carry):
        k = 2 * k2
        finish(k, 0)
        start_idx(k + 2, 0)
        finish(k + 1, 1)
        start_idx(k + 3, 1)
        start_gather(k + 2, 0)
        wait_store(k, 0)
        start_bond(k + 2, 0)
        start_gather(k + 3, 1)
        wait_store(k + 1, 1)
        start_bond(k + 3, 1)
        return carry

    lax.fori_loop(0, n_rounds // 2, round_body, 0)


def kernel(x_atom, x_bond, atom_pairs):
    n_bond, d = x_bond.shape
    pairs_flat = atom_pairs.T.reshape(-1)
    mesh = plsc.VectorSubcoreMesh(core_axis_name="c", subcore_axis_name="s")
    out = pl.kernel(
        _tec_body,
        out_type=jax.ShapeDtypeStruct((n_bond, 3 * d), jnp.float32),
        mesh=mesh,
        scratch_types=[
            pltpu.VMEM((_C,), jnp.int32),
            pltpu.VMEM((_C,), jnp.int32),
            pltpu.VMEM((_C,), jnp.int32),
            pltpu.VMEM((_C,), jnp.int32),
            pltpu.VMEM((_C, d), jnp.float32),
            pltpu.VMEM((_C, d), jnp.float32),
            pltpu.VMEM((_C, d), jnp.float32),
            pltpu.VMEM((_C, d), jnp.float32),
            pltpu.VMEM((_C, 3 * d), jnp.float32),
            pltpu.VMEM((_C, 3 * d), jnp.float32),
            pltpu.SemaphoreType.DMA,
            pltpu.SemaphoreType.DMA,
            pltpu.SemaphoreType.DMA,
            pltpu.SemaphoreType.DMA,
            pltpu.SemaphoreType.DMA,
            pltpu.SemaphoreType.DMA,
            pltpu.SemaphoreType.DMA,
            pltpu.SemaphoreType.DMA,
        ],
    )(pairs_flat, x_atom, x_bond)
    return out

# --- scband reference (transcript-rebuilt; emitter-appended) ---
"""Pipeline reference for scband-concatenate-mean-abs-diff-18640158064908 (READ-ONLY COPY).

The authoritative reference and input builder live on the scoring server;
editing this copy changes nothing except your own understanding.
"""

import jax, jax.numpy as jnp
import numpy as np

N_ATOM = 100000
N_BOND = 300000
D = 128


def setup_inputs(seed: int = 0) -> dict:
    key = jax.random.key(seed)
    k1, k2, k3 = jax.random.split(key, 3)
    x_atom = jax.random.normal(k1, (N_ATOM, D), dtype=jnp.float32)
    x_bond = jax.random.normal(k2, (N_BOND, D), dtype=jnp.float32)
    # Each bond receives messages from exactly 2 atoms (the a2b scheme).
    atom_pairs = jax.random.randint(k3, (N_BOND, 2), 0, N_ATOM, dtype=jnp.int32)
    return {"x_atom": x_atom, "x_bond": x_bond, "atom_pairs": atom_pairs}


def reference(x_atom, x_bond, atom_pairs):
    # DGL update_all with fn.copy_u('ft','m') on etype ('atom','a2b','bond'):
    # each bond's mailbox holds the features of its 2 incident atoms.
    m = jnp.take(x_atom, atom_pairs, axis=0)          # (N_BOND, 2, D) -- mailbox
    mean_v = jnp.mean(m, axis=1)                      # mean over mailbox dim
    abs_diff = jnp.abs(m[:, 0, :] - m[:, 1, :])       # |x[0] - x[1]| per bond
    # concat (data, mean_v, abs_diff) along feature dim -> (N_BOND, 3*D)
    bond_ft = jnp.concatenate((x_bond, mean_v, abs_diff), axis=1)
    # atom features are returned unchanged by the original module; we return
    # the updated bond features (the only modified node type).
    return bond_ft

if __name__ == "__main__":
    import jax
    _d = setup_inputs()
    print(jax.jit(kernel)(*tuple(_d.values())))

</pallas_src>

<mosaic_0001>
#map = affine_map<(d0, d1) -> (0)>
#map1 = affine_map<(d0, d1) -> (0, 0)>
module attributes {stable_mosaic.version = 14 : i64} {
  func.func @_tec_body(%arg0: i32, %arg1: i32, %arg2: memref<600000xi32, #tpu.memory_space<hbm>>, %arg3: memref<100000x128xf32, #tpu.memory_space<hbm>>, %arg4: memref<300000x128xf32, #tpu.memory_space<hbm>>, %arg5: memref<300000x384xf32, #tpu.memory_space<hbm>>, %arg6: memref<80xi32, #tpu.memory_space<vmem>>, %arg7: memref<80xi32, #tpu.memory_space<vmem>>, %arg8: memref<80xi32, #tpu.memory_space<vmem>>, %arg9: memref<80xi32, #tpu.memory_space<vmem>>, %arg10: memref<80x128xf32, #tpu.memory_space<vmem>>, %arg11: memref<80x128xf32, #tpu.memory_space<vmem>>, %arg12: memref<80x128xf32, #tpu.memory_space<vmem>>, %arg13: memref<80x128xf32, #tpu.memory_space<vmem>>, %arg14: memref<80x384xf32, #tpu.memory_space<vmem>>, %arg15: memref<80x384xf32, #tpu.memory_space<vmem>>, %arg16: memref<!tpu.dma_semaphore, #tpu.memory_space<semaphore_mem>>, %arg17: memref<!tpu.dma_semaphore, #tpu.memory_space<semaphore_mem>>, %arg18: memref<!tpu.dma_semaphore, #tpu.memory_space<semaphore_mem>>, %arg19: memref<!tpu.dma_semaphore, #tpu.memory_space<semaphore_mem>>, %arg20: memref<!tpu.dma_semaphore, #tpu.memory_space<semaphore_mem>>, %arg21: memref<!tpu.dma_semaphore, #tpu.memory_space<semaphore_mem>>, %arg22: memref<!tpu.dma_semaphore, #tpu.memory_space<semaphore_mem>>, %arg23: memref<!tpu.dma_semaphore, #tpu.memory_space<semaphore_mem>>) attributes {dimension_semantics = [#tpu.dimension_semantics<core_parallel>, #tpu.dimension_semantics<subcore_parallel>], iteration_bounds = array<i64: 2, 16>, scalar_prefetch = 0 : i64, scratch_operands = 18 : i64, tpu.core_type = #tpu.core_type<sc_vector_subcore>, window_params = [{transform_indices = #map}, {transform_indices = #map1}, {transform_indices = #map1}, {transform_indices = #map1}]} {
    %mul3A = arith.constant 2 : i32
    %mul3A_0 = arith.muli %arg1, %mul3A : i32
    %add3A = arith.addi %mul3A_0, %arg0 : i32
    %add3A_1 = arith.constant 0 : i32
    %add3A_2 = arith.addi %add3A, %add3A_1 : i32
    %lt3A = arith.constant 3750 : i32
    %lt3A_3 = arith.cmpi slt, %add3A_2, %lt3A : i32
    %convert_element_type3A = arith.extui %lt3A_3 : i1 to i32
    %cond3A = arith.constant 0 : i32
    %cond3A_4 = arith.cmpi ne, %convert_element_type3A, %cond3A : i32
    scf.if %cond3A_4 {
      %mul3A_45 = arith.constant 80 : i32
      %mul3A_46 = arith.muli %add3A_2, %mul3A_45 : i32
      %dma_start3A = tpu.memref_slice %arg2[%mul3A_46] : memref<600000xi32, #tpu.memory_space<hbm>> -> memref<80xi32, #tpu.memory_space<hbm>>
      %dma_start3A_47 = tpu.memref_slice %arg2[%mul3A_46] : memref<600000xi32, #tpu.memory_space<hbm>> -> memref<80xi32, #tpu.memory_space<hbm>>
      tpu.enqueue_dma source(%dma_start3A_47 : memref<80xi32, #tpu.memory_space<hbm>>) target(%arg6 : memref<80xi32, #tpu.memory_space<vmem>>) target_semaphore(%arg22 : memref<!tpu.dma_semaphore, #tpu.memory_space<semaphore_mem>>)
      %add3A_48 = arith.constant 300000 : i32
      %add3A_49 = arith.addi %add3A_48, %mul3A_46 : i32
      %dma_start3A_50 = tpu.memref_slice %arg2[%add3A_49] : memref<600000xi32, #tpu.memory_space<hbm>> -> memref<80xi32, #tpu.memory_space<hbm>>
      %dma_start3A_51 = tpu.memref_slice %arg2[%add3A_49] : memref<600000xi32, #tpu.memory_space<hbm>> -> memref<80xi32, #tpu.memory_space<hbm>>
      tpu.enqueue_dma source(%dma_start3A_51 : memref<80xi32, #tpu.memory_space<hbm>>) target(%arg7 : memref<80xi32, #tpu.memory_space<vmem>>) target_semaphore(%arg22 : memref<!tpu.dma_semaphore, #tpu.memory_space<semaphore_mem>>)
    } else {
    }
    %add3A_5 = arith.constant 32 : i32
    %add3A_6 = arith.addi %add3A, %add3A_5 : i32
    %lt3A_7 = arith.constant 3750 : i32
    %lt3A_8 = arith.cmpi slt, %add3A_6, %lt3A_7 : i32
    %convert_element_type3A_9 = arith.extui %lt3A_8 : i1 to i32
    %cond3A_10 = arith.constant 0 : i32
    %cond3A_11 = arith.cmpi ne, %convert_element_type3A_9, %cond3A_10 : i32
    scf.if %cond3A_11 {
      %mul3A_45 = arith.constant 80 : i32
      %mul3A_46 = arith.muli %add3A_6, %mul3A_45 : i32
      %dma_start3A = tpu.memref_slice %arg2[%mul3A_46] : memref<600000xi32, #tpu.memory_space<hbm>> -> memref<80xi32, #tpu.memory_space<hbm>>
      %dma_start3A_47 = tpu.memref_slice %arg2[%mul3A_46] : memref<600000xi32, #tpu.memory_space<hbm>> -> memref<80xi32, #tpu.memory_space<hbm>>
      tpu.enqueue_dma source(%dma_start3A_47 : memref<80xi32, #tpu.memory_space<hbm>>) target(%arg8 : memref<80xi32, #tpu.memory_space<vmem>>) target_semaphore(%arg23 : memref<!tpu.dma_semaphore, #tpu.memory_space<semaphore_mem>>)
      %add3A_48 = arith.constant 300000 : i32
      %add3A_49 = arith.addi %add3A_48, %mul3A_46 : i32
      %dma_start3A_50 = tpu.memref_slice %arg2[%add3A_49] : memref<600000xi32, #tpu.memory_space<hbm>> -> memref<80xi32, #tpu.memory_space<hbm>>
      %dma_start3A_51 = tpu.memref_slice %arg2[%add3A_49] : memref<600000xi32, #tpu.memory_space<hbm>> -> memref<80xi32, #tpu.memory_space<hbm>>
      tpu.enqueue_dma source(%dma_start3A_51 : memref<80xi32, #tpu.memory_space<hbm>>) target(%arg9 : memref<80xi32, #tpu.memory_space<vmem>>) target_semaphore(%arg23 : memref<!tpu.dma_semaphore, #tpu.memory_space<semaphore_mem>>)
    } else {
    }
    %add3A_12 = arith.constant 0 : i32
    %add3A_13 = arith.addi %add3A, %add3A_12 : i32
    %lt3A_14 = arith.constant 3750 : i32
    %lt3A_15 = arith.cmpi slt, %add3A_13, %lt3A_14 : i32
    %convert_element_type3A_16 = arith.extui %lt3A_15 : i1 to i32
    %cond3A_17 = arith.constant 0 : i32
    %cond3A_18 = arith.cmpi ne, %convert_element_type3A_16, %cond3A_17 : i32
    scf.if %cond3A_18 {
      %mul3A_45 = arith.constant 80 : i32
      %mul3A_46 = arith.muli %add3A_13, %mul3A_45 : i32
      %dma_wait3A = tpu.memref_slice %arg2[%mul3A_46] : memref<600000xi32, #tpu.memory_space<hbm>> -> memref<80xi32, #tpu.memory_space<hbm>>
      %dma_wait3A_47 = tpu.memref_slice %arg2[%mul3A_46] : memref<600000xi32, #tpu.memory_space<hbm>> -> memref<80xi32, #tpu.memory_space<hbm>>
      tpu.wait_dma2 semaphore(%arg22 : memref<!tpu.dma_semaphore, #tpu.memory_space<semaphore_mem>>) src(%dma_wait3A_47 : memref<80xi32, #tpu.memory_space<hbm>>) dst(%arg6 : memref<80xi32, #tpu.memory_space<vmem>>)
      %add3A_48 = arith.constant 300000 : i32
      %add3A_49 = arith.addi %add3A_48, %mul3A_46 : i32
      %dma_wait3A_50 = tpu.memref_slice %arg2[%add3A_49] : memref<600000xi32, #tpu.memory_space<hbm>> -> memref<80xi32, #tpu.memory_space<hbm>>
      %dma_wait3A_51 = tpu.memref_slice %arg2[%add3A_49] : memref<600000xi32, #tpu.memory_space<hbm>> -> memref<80xi32, #tpu.memory_space<hbm>>
      tpu.wait_dma2 semaphore(%arg22 : memref<!tpu.dma_semaphore, #tpu.memory_space<semaphore_mem>>) src(%dma_wait3A_51 : memref<80xi32, #tpu.memory_space<hbm>>) dst(%arg7 : memref<80xi32, #tpu.memory_space<vmem>>)
      %dma_start3A = arith.constant 0 : i32
      %dma_start3A_52 = arith.constant 0 : i32
      %dma_start3A_53 = tpu.memref_slice %arg3[%dma_start3A, %dma_start3A_52] : memref<100000x128xf32, #tpu.memory_space<hbm>> -> memref<100000x128xf32, #tpu.memory_space<hbm>>
      tpu.enqueue_indirect_dma source(%dma_start3A_53 : memref<100000x128xf32, #tpu.memory_space<hbm>>) target(%arg10 : memref<80x128xf32, #tpu.memory_space<vmem>>) offsets(%arg6 : memref<80xi32, #tpu.memory_space<vmem>>) semaphore(%arg16 : memref<!tpu.dma_semaphore, #tpu.memory_space<semaphore_mem>>)
      %dma_start3A_54 = arith.constant 0 : i32
      %dma_start3A_55 = arith.constant 0 : i32
      %dma_start3A_56 = tpu.memref_slice %arg3[%dma_start3A_54, %dma_start3A_55] : memref<100000x128xf32, #tpu.memory_space<hbm>> -> memref<100000x128xf32, #tpu.memory_space<hbm>>
      tpu.enqueue_indirect_dma source(%dma_start3A_56 : memref<100000x128xf32, #tpu.memory_space<hbm>>) target(%arg11 : memref<80x128xf32, #tpu.memory_space<vmem>>) offsets(%arg7 : memref<80xi32, #tpu.memory_space<vmem>>) semaphore(%arg16 : memref<!tpu.dma_semaphore, #tpu.memory_space<semaphore_mem>>)
    } else {
    }
    %add3A_19 = arith.constant 32 : i32
    %add3A_20 = arith.addi %add3A, %add3A_19 : i32
    %lt3A_21 = arith.constant 3750 : i32
    %lt3A_22 = arith.cmpi slt, %add3A_20, %lt3A_21 : i32
    %convert_element_type3A_23 = arith.extui %lt3A_22 : i1 to i32
    %cond3A_24 = arith.constant 0 : i32
    %cond3A_25 = arith.cmpi ne, %convert_element_type3A_23, %cond3A_24 : i32
    scf.if %cond3A_25 {
      %mul3A_45 = arith.constant 80 : i32
      %mul3A_46 = arith.muli %add3A_20, %mul3A_45 : i32
      %dma_wait3A = tpu.memref_slice %arg2[%mul3A_46] : memref<600000xi32, #tpu.memory_space<hbm>> -> memref<80xi32, #tpu.memory_space<hbm>>
      %dma_wait3A_47 = tpu.memref_slice %arg2[%mul3A_46] : memref<600000xi32, #tpu.memory_space<hbm>> -> memref<80xi32, #tpu.memory_space<hbm>>
      tpu.wait_dma2 semaphore(%arg23 : memref<!tpu.dma_semaphore, #tpu.memory_space<semaphore_mem>>) src(%dma_wait3A_47 : memref<80xi32, #tpu.memory_space<hbm>>) dst(%arg8 : memref<80xi32, #tpu.memory_space<vmem>>)
      %add3A_48 = arith.constant 300000 : i32
      %add3A_49 = arith.addi %add3A_48, %mul3A_46 : i32
      %dma_wait3A_50 = tpu.memref_slice %arg2[%add3A_49] : memref<600000xi32, #tpu.memory_space<hbm>> -> memref<80xi32, #tpu.memory_space<hbm>>
      %dma_wait3A_51 = tpu.memref_slice %arg2[%add3A_49] : memref<600000xi32, #tpu.memory_space<hbm>> -> memref<80xi32, #tpu.memory_space<hbm>>
      tpu.wait_dma2 semaphore(%arg23 : memref<!tpu.dma_semaphore, #tpu.memory_space<semaphore_mem>>) src(%dma_wait3A_51 : memref<80xi32, #tpu.memory_space<hbm>>) dst(%arg9 : memref<80xi32, #tpu.memory_space<vmem>>)
      %dma_start3A = arith.constant 0 : i32
      %dma_start3A_52 = arith.constant 0 : i32
      %dma_start3A_53 = tpu.memref_slice %arg3[%dma_start3A, %dma_start3A_52] : memref<100000x128xf32, #tpu.memory_space<hbm>> -> memref<100000x128xf32, #tpu.memory_space<hbm>>
      tpu.enqueue_indirect_dma source(%dma_start3A_53 : memref<100000x128xf32, #tpu.memory_space<hbm>>) target(%arg12 : memref<80x128xf32, #tpu.memory_space<vmem>>) offsets(%arg8 : memref<80xi32, #tpu.memory_space<vmem>>) semaphore(%arg17 : memref<!tpu.dma_semaphore, #tpu.memory_space<semaphore_mem>>)
      %dma_start3A_54 = arith.constant 0 : i32
      %dma_start3A_55 = arith.constant 0 : i32
      %dma_start3A_56 = tpu.memref_slice %arg3[%dma_start3A_54, %dma_start3A_55] : memref<100000x128xf32, #tpu.memory_space<hbm>> -> memref<100000x128xf32, #tpu.memory_space<hbm>>
      tpu.enqueue_indirect_dma source(%dma_start3A_56 : memref<100000x128xf32, #tpu.memory_space<hbm>>) target(%arg13 : memref<80x128xf32, #tpu.memory_space<vmem>>) offsets(%arg9 : memref<80xi32, #tpu.memory_space<vmem>>) semaphore(%arg17 : memref<!tpu.dma_semaphore, #tpu.memory_space<semaphore_mem>>)
    } else {
    }
    %add3A_26 = arith.constant 0 : i32
    %add3A_27 = arith.addi %add3A, %add3A_26 : i32
    %lt3A_28 = arith.constant 3750 : i32
    %lt3A_29 = arith.cmpi slt, %add3A_27, %lt3A_28 : i32
    %convert_element_type3A_30 = arith.extui %lt3A_29 : i1 to i32
    %cond3A_31 = arith.constant 0 : i32
    %cond3A_32 = arith.cmpi ne, %convert_element_type3A_30, %cond3A_31 : i32
    scf.if %cond3A_32 {
      %mul3A_45 = arith.constant 80 : i32
      %mul3A_46 = arith.muli %add3A_27, %mul3A_45 : i32
      %dma_start3A = arith.constant 0 : i32
      %dma_start3A_47 = arith.constant 0 : i32
      %dma_start3A_48 = tpu.memref_slice %arg14[%dma_start3A, %dma_start3A_47] : memref<80x384xf32, #tpu.memory_space<vmem>> -> memref<80x128xf32, #tpu.memory_space<vmem>>
      %dma_start3A_49 = arith.constant 0 : i32
      %dma_start3A_50 = tpu.memref_slice %arg4[%mul3A_46, %dma_start3A_49] : memref<300000x128xf32, #tpu.memory_space<hbm>> -> memref<80x128xf32, #tpu.memory_space<hbm>>
      %dma_start3A_51 = arith.constant 0 : i32
      %dma_start3A_52 = arith.constant 0 : i32
      %dma_start3A_53 = tpu.memref_slice %arg14[%dma_start3A_51, %dma_start3A_52] : memref<80x384xf32, #tpu.memory_space<vmem>> -> memref<80x128xf32, #tpu.memory_space<vmem>>
      %dma_start3A_54 = arith.constant 0 : i32
      %dma_start3A_55 = tpu.memref_slice %arg4[%mul3A_46, %dma_start3A_54] : memref<300000x128xf32, #tpu.memory_space<hbm>> -> memref<80x128xf32, #tpu.memory_space<hbm>>
      tpu.enqueue_dma source(%dma_start3A_55 : memref<80x128xf32, #tpu.memory_space<hbm>>) target(%dma_start3A_53 : memref<80x128xf32, #tpu.memory_space<vmem>>) target_semaphore(%arg18 : memref<!tpu.dma_semaphore, #tpu.memory_space<semaphore_mem>>)
    } else {
    }
    %add3A_33 = arith.constant 32 : i32
    %add3A_34 = arith.addi %add3A, %add3A_33 : i32
    %lt3A_35 = arith.constant 3750 : i32
    %lt3A_36 = arith.cmpi slt, %add3A_34, %lt3A_35 : i32
    %convert_element_type3A_37 = arith.extui %lt3A_36 : i1 to i32
    %cond3A_38 = arith.constant 0 : i32
    %cond3A_39 = arith.cmpi ne, %convert_element_type3A_37, %cond3A_38 : i32
    scf.if %cond3A_39 {
      %mul3A_45 = arith.constant 80 : i32
      %mul3A_46 = arith.muli %add3A_34, %mul3A_45 : i32
      %dma_start3A = arith.constant 0 : i32
      %dma_start3A_47 = arith.constant 0 : i32
      %dma_start3A_48 = tpu.memref_slice %arg15[%dma_start3A, %dma_start3A_47] : memref<80x384xf32, #tpu.memory_space<vmem>> -> memref<80x128xf32, #tpu.memory_space<vmem>>
      %dma_start3A_49 = arith.constant 0 : i32
      %dma_start3A_50 = tpu.memref_slice %arg4[%mul3A_46, %dma_start3A_49] : memref<300000x128xf32, #tpu.memory_space<hbm>> -> memref<80x128xf32, #tpu.memory_space<hbm>>
      %dma_start3A_51 = arith.constant 0 : i32
      %dma_start3A_52 = arith.constant 0 : i32
      %dma_start3A_53 = tpu.memref_slice %arg15[%dma_start3A_51, %dma_start3A_52] : memref<80x384xf32, #tpu.memory_space<vmem>> -> memref<80x128xf32, #tpu.memory_space<vmem>>
      %dma_start3A_54 = arith.constant 0 : i32
      %dma_start3A_55 = tpu.memref_slice %arg4[%mul3A_46, %dma_start3A_54] : memref<300000x128xf32, #tpu.memory_space<hbm>> -> memref<80x128xf32, #tpu.memory_space<hbm>>
      tpu.enqueue_dma source(%dma_start3A_55 : memref<80x128xf32, #tpu.memory_space<hbm>>) target(%dma_start3A_53 : memref<80x128xf32, #tpu.memory_space<vmem>>) target_semaphore(%arg19 : memref<!tpu.dma_semaphore, #tpu.memory_space<semaphore_mem>>)
    } else {
    }
    %scan3A = arith.constant 0 : i32
    %scan3A_40 = arith.constant 0 : i32
    %scan3A_41 = arith.constant 59 : i32
    %scan3A_42 = arith.addi %scan3A_40, %scan3A_41 : i32
    %scan3A_43 = arith.constant 1 : i32
    scf.for %scan3A_45 = %scan3A_40 to %scan3A_42 step %scan3A_43  : i32 {
      %mul3A_46 = arith.constant 2 : i32
      %mul3A_47 = arith.muli %mul3A_46, %scan3A_45 : i32
      %mul3A_48 = arith.constant 32 : i32
      %mul3A_49 = arith.muli %mul3A_47, %mul3A_48 : i32
      %add3A_50 = arith.addi %add3A, %mul3A_49 : i32
      %lt3A_51 = arith.constant 3750 : i32
      %lt3A_52 = arith.cmpi slt, %add3A_50, %lt3A_51 : i32
      %convert_element_type3A_53 = arith.extui %lt3A_52 : i1 to i32
      %cond3A_54 = arith.constant 0 : i32
      %cond3A_55 = arith.cmpi ne, %convert_element_type3A_53, %cond3A_54 : i32
      scf.if %cond3A_55 {
        %mul3A_144 = arith.constant 80 : i32
        %mul3A_145 = arith.muli %add3A_50, %mul3A_144 : i32
        %dma_wait3A = arith.constant 0 : i32
        %dma_wait3A_146 = arith.constant 0 : i32
        %dma_wait3A_147 = tpu.memref_slice %arg3[%dma_wait3A, %dma_wait3A_146] : memref<100000x128xf32, #tpu.memory_space<hbm>> -> memref<100000x128xf32, #tpu.memory_space<hbm>>
        tpu.wait_indirect_dma semaphore(%arg16 : memref<!tpu.dma_semaphore, #tpu.memory_space<semaphore_mem>>) src(%dma_wait3A_147 : memref<100000x128xf32, #tpu.memory_space<hbm>>) dst(%arg10 : memref<80x128xf32, #tpu.memory_space<vmem>>)
        %dma_wait3A_148 = arith.constant 0 : i32
        %dma_wait3A_149 = arith.constant 0 : i32
        %dma_wait3A_150 = tpu.memref_slice %arg3[%dma_wait3A_148, %dma_wait3A_149] : memref<100000x128xf32, #tpu.memory_space<hbm>> -> memref<100000x128xf32, #tpu.memory_space<hbm>>
        tpu.wait_indirect_dma semaphore(%arg16 : memref<!tpu.dma_semaphore, #tpu.memory_space<semaphore_mem>>) src(%dma_wait3A_150 : memref<100000x128xf32, #tpu.memory_space<hbm>>) dst(%arg11 : memref<80x128xf32, #tpu.memory_space<vmem>>)
        %parallel_loop3A = arith.constant 0 : i32
        %parallel_loop3A_151 = arith.constant 80 : i32
        %parallel_loop3A_152 = arith.constant 1 : i32
        scf.for %parallel_loop3A_166 = %parallel_loop3A to %parallel_loop3A_151 step %parallel_loop3A_152  : i32 {
          %parallel_loop3A_167 = arith.index_cast %parallel_loop3A_166 : i32 to index
          %parallel_loop3A_168 = arith.constant 0 : index
          %parallel_loop3A_169 = tpu.vector_load %arg10[%parallel_loop3A_167, %parallel_loop3A_168] {strides = array<i32>} : memref<80x128xf32, #tpu.memory_space<vmem>>, vector<1x16xf32>,
          %parallel_loop3A_170 = vector.shape_cast %parallel_loop3A_169 : vector<1x16xf32> to vector<16xf32>
          %parallel_loop3A_171 = arith.index_cast %parallel_loop3A_166 : i32 to index
          %parallel_loop3A_172 = arith.constant 0 : index
          %parallel_loop3A_173 = tpu.vector_load %arg11[%parallel_loop3A_171, %parallel_loop3A_172] {strides = array<i32>} : memref<80x128xf32, #tpu.memory_space<vmem>>, vector<1x16xf32>,
          %parallel_loop3A_174 = vector.shape_cast %parallel_loop3A_173 : vector<1x16xf32> to vector<16xf32>
          %parallel_loop3A_175 = arith.addf %parallel_loop3A_170, %parallel_loop3A_174 : vector<16xf32>
          %parallel_loop3A_176 = arith.constant 5.000000e-01 : f32
          %parallel_loop3A_177 = vector.broadcast %parallel_loop3A_176 : f32 to vector<16xf32>
          %parallel_loop3A_178 = arith.mulf %parallel_loop3A_175, %parallel_loop3A_177 : vector<16xf32>
          %parallel_loop3A_179 = arith.index_cast %parallel_loop3A_166 : i32 to index
          %parallel_loop3A_180 = arith.constant 128 : index
          %parallel_loop3A_181 = tpu.vector_load %arg14[%parallel_loop3A_179, %parallel_loop3A_180] {strides = array<i32>} : memref<80x384xf32, #tpu.memory_space<vmem>>, vector<1x16xf32>,
          %parallel_loop3A_182 = vector.shape_cast %parallel_loop3A_181 : vector<1x16xf32> to vector<16xf32>
          %parallel_loop3A_183 = vector.shape_cast %parallel_loop3A_178 : vector<16xf32> to vector<1x16xf32>
          tpu.vector_store %arg14[%parallel_loop3A_179, %parallel_loop3A_180], %parallel_loop3A_183 {strides = array<i32>} : memref<80x384xf32, #tpu.memory_space<vmem>>, vector<1x16xf32>,
          %parallel_loop3A_184 = arith.subf %parallel_loop3A_170, %parallel_loop3A_174 : vector<16xf32>
          %parallel_loop3A_185 = math.absf %parallel_loop3A_184 : vector<16xf32>
          %parallel_loop3A_186 = arith.index_cast %parallel_loop3A_166 : i32 to index
          %parallel_loop3A_187 = arith.constant 256 : index
          %parallel_loop3A_188 = tpu.vector_load %arg14[%parallel_loop3A_186, %parallel_loop3A_187] {strides = array<i32>} : memref<80x384xf32, #tpu.memory_space<vmem>>, vector<1x16xf32>,
          %parallel_loop3A_189 = vector.shape_cast %parallel_loop3A_188 : vector<1x16xf32> to vector<16xf32>
          %parallel_loop3A_190 = vector.shape_cast %parallel_loop3A_185 : vector<16xf32> to vector<1x16xf32>
          tpu.vector_store %arg14[%parallel_loop3A_186, %parallel_loop3A_187], %parallel_loop3A_190 {strides = array<i32>} : memref<80x384xf32, #tpu.memory_space<vmem>>, vector<1x16xf32>,
          %parallel_loop3A_191 = arith.index_cast %parallel_loop3A_166 : i32 to index
          %parallel_loop3A_192 = arith.constant 16 : index
          %parallel_loop3A_193 = tpu.vector_load %arg10[%parallel_loop3A_191, %parallel_loop3A_192] {strides = array<i32>} : memref<80x128xf32, #tpu.memory_space<vmem>>, vector<1x16xf32>,
          %parallel_loop3A_194 = vector.shape_cast %parallel_loop3A_193 : vector<1x16xf32> to vector<16xf32>
          %parallel_loop3A_195 = arith.index_cast %parallel_loop3A_166 : i32 to index
          %parallel_loop3A_196 = arith.constant 16 : index
          %parallel_loop3A_197 = tpu.vector_load %arg11[%parallel_loop3A_195, %parallel_loop3A_196] {strides = array<i32>} : memref<80x128xf32, #tpu.memory_space<vmem>>, vector<1x16xf32>,
          %parallel_loop3A_198 = vector.shape_cast %parallel_loop3A_197 : vector<1x16xf32> to vector<16xf32>
          %parallel_loop3A_199 = arith.addf %parallel_loop3A_194, %parallel_loop3A_198 : vector<16xf32>
          %parallel_loop3A_200 = arith.constant 5.000000e-01 : f32
          %parallel_loop3A_201 = vector.broadcast %parallel_loop3A_200 : f32 to vector<16xf32>
          %parallel_loop3A_202 = arith.mulf %parallel_loop3A_199, %parallel_loop3A_201 : vector<16xf32>
          %parallel_loop3A_203 = arith.index_cast %parallel_loop3A_166 : i32 to index
          %parallel_loop3A_204 = arith.constant 144 : index
          %parallel_loop3A_205 = tpu.vector_load %arg14[%parallel_loop3A_203, %parallel_loop3A_204] {strides = array<i32>} : memref<80x384xf32, #tpu.memory_space<vmem>>, vector<1x16xf32>,
          %parallel_loop3A_206 = vector.shape_cast %parallel_loop3A_205 : vector<1x16xf32> to vector<16xf32>
          %parallel_loop3A_207 = vector.shape_cast %parallel_loop3A_202 : vector<16xf32> to vector<1x16xf32>
          tpu.vector_store %arg14[%parallel_loop3A_203, %parallel_loop3A_204], %parallel_loop3A_207 {strides = array<i32>} : memref<80x384xf32, #tpu.memory_space<vmem>>, vector<1x16xf32>,
          %parallel_loop3A_208 = arith.subf %parallel_loop3A_194, %parallel_loop3A_198 : vector<16xf32>
          %parallel_loop3A_209 = math.absf %parallel_loop3A_208 : vector<16xf32>
          %parallel_loop3A_210 = arith.index_cast %parallel_loop3A_166 : i32 to index
          %parallel_loop3A_211 = arith.constant 272 : index
          %parallel_loop3A_212 = tpu.vector_load %arg14[%parallel_loop3A_210, %parallel_loop3A_211] {strides = array<i32>} : memref<80x384xf32, #tpu.memory_space<vmem>>, vector<1x16xf32>,
          %parallel_loop3A_213 = vector.shape_cast %parallel_loop3A_212 : vector<1x16xf32> to vector<16xf32>
          %parallel_loop3A_214 = vector.shape_cast %parallel_loop3A_209 : vector<16xf32> to vector<1x16xf32>
          tpu.vector_store %arg14[%parallel_loop3A_210, %parallel_loop3A_211], %parallel_loop3A_214 {strides = array<i32>} : memref<80x384xf32, #tpu.memory_space<vmem>>, vector<1x16xf32>,
          %parallel_loop3A_215 = arith.index_cast %parallel_loop3A_166 : i32 to index
          %parallel_loop3A_216 = arith.constant 32 : index
          %parallel_loop3A_217 = tpu.vector_load %arg10[%parallel_loop3A_215, %parallel_loop3A_216] {strides = array<i32>} : memref<80x128xf32, #tpu.memory_space<vmem>>, vector<1x16xf32>,
          %parallel_loop3A_218 = vector.shape_cast %parallel_loop3A_217 : vector<1x16xf32> to vector<16xf32>
          %parallel_loop3A_219 = arith.index_cast %parallel_loop3A_166 : i32 to index
          %parallel_loop3A_220 = arith.constant 32 : index
          %parallel_loop3A_221 = tpu.vector_load %arg11[%parallel_loop3A_219, %parallel_loop3A_220] {strides = array<i32>} : memref<80x128xf32, #tpu.memory_space<vmem>>, vector<1x16xf32>,
          %parallel_loop3A_222 = vector.shape_cast %parallel_loop3A_221 : vector<1x16xf32> to vector<16xf32>
          %parallel_loop3A_223 = arith.addf %parallel_loop3A_218, %parallel_loop3A_222 : vector<16xf32>
          %parallel_loop3A_224 = arith.constant 5.000000e-01 : f32
          %parallel_loop3A_225 = vector.broadcast %parallel_loop3A_224 : f32 to vector<16xf32>
          %parallel_loop3A_226 = arith.mulf %parallel_loop3A_223, %parallel_loop3A_225 : vector<16xf32>
          %parallel_loop3A_227 = arith.index_cast %parallel_loop3A_166 : i32 to index
          %parallel_loop3A_228 = arith.constant 160 : index
          %parallel_loop3A_229 = tpu.vector_load %arg14[%parallel_loop3A_227, %parallel_loop3A_228] {strides = array<i32>} : memref<80x384xf32, #tpu.memory_space<vmem>>, vector<1x16xf32>,
          %parallel_loop3A_230 = vector.shape_cast %parallel_loop3A_229 : vector<1x16xf32> to vector<16xf32>
          %parallel_loop3A_231 = vector.shape_cast %parallel_loop3A_226 : vector<16xf32> to vector<1x16xf32>
          tpu.vector_store %arg14[%parallel_loop3A_227, %parallel_loop3A_228], %parallel_loop3A_231 {strides = array<i32>} : memref<80x384xf32, #tpu.memory_space<vmem>>, vector<1x16xf32>,
          %parallel_loop3A_232 = arith.subf %parallel_loop3A_218, %parallel_loop3A_222 : vector<16xf32>
          %parallel_loop3A_233 = math.absf %parallel_loop3A_232 : vector<16xf32>
          %parallel_loop3A_234 = arith.index_cast %parallel_loop3A_166 : i32 to index
          %parallel_loop3A_235 = arith.constant 288 : index
          %parallel_loop3A_236 = tpu.vector_load %arg14[%parallel_loop3A_234, %parallel_loop3A_235] {strides = array<i32>} : memref<80x384xf32, #tpu.memory_space<vmem>>, vector<1x16xf32>,
          %parallel_loop3A_237 = vector.shape_cast %parallel_loop3A_236 : vector<1x16xf32> to vector<16xf32>
          %parallel_loop3A_238 = vector.shape_cast %parallel_loop3A_233 : vector<16xf32> to vector<1x16xf32>
          tpu.vector_store %arg14[%parallel_loop3A_234, %parallel_loop3A_235], %parallel_loop3A_238 {strides = array<i32>} : memref<80x384xf32, #tpu.memory_space<vmem>>, vector<1x16xf32>,
          %parallel_loop3A_239 = arith.index_cast %parallel_loop3A_166 : i32 to index
          %parallel_loop3A_240 = arith.constant 48 : index
          %parallel_loop3A_241 = tpu.vector_load %arg10[%parallel_loop3A_239, %parallel_loop3A_240] {strides = array<i32>} : memref<80x128xf32, #tpu.memory_space<vmem>>, vector<1x16xf32>,
          %parallel_loop3A_242 = vector.shape_cast %parallel_loop3A_241 : vector<1x16xf32> to vector<16xf32>
          %parallel_loop3A_243 = arith.index_cast %parallel_loop3A_166 : i32 to index
          %parallel_loop3A_244 = arith.constant 48 : index
          %parallel_loop3A_245 = tpu.vector_load %arg11[%parallel_loop3A_243, %parallel_loop3A_244] {strides = array<i32>} : memref<80x128xf32, #tpu.memory_space<vmem>>, vector<1x16xf32>,
          %parallel_loop3A_246 = vector.shape_cast %parallel_loop3A_245 : vector<1x16xf32> to vector<16xf32>
          %parallel_loop3A_247 = arith.addf %parallel_loop3A_242, %parallel_loop3A_246 : vector<16xf32>
          %parallel_loop3A_248 = arith.constant 5.000000e-01 : f32
          %parallel_loop3A_249 = vector.broadcast %parallel_loop3A_248 : f32 to vector<16xf32>
          %parallel_loop3A_250 = arith.mulf %parallel_loop3A_247, %parallel_loop3A_249 : vector<16xf32>
          %parallel_loop3A_251 = arith.index_cast %parallel_loop3A_166 : i32 to index
          %parallel_loop3A_252 = arith.constant 176 : index
          %parallel_loop3A_253 = tpu.vector_load %arg14[%parallel_loop3A_251, %parallel_loop3A_252] {strides = array<i32>} : memref<80x384xf32, #tpu.memory_space<vmem>>, vector<1x16xf32>,
          %parallel_loop3A_254 = vector.shape_cast %parallel_loop3A_253 : vector<1x16xf32> to vector<16xf32>
          %parallel_loop3A_255 = vector.shape_cast %parallel_loop3A_250 : vector<16xf32> to vector<1x16xf32>
          tpu.vector_store %arg14[%parallel_loop3A_251, %parallel_loop3A_252], %parallel_loop3A_255 {strides = array<i32>} : memref<80x384xf32, #tpu.memory_space<vmem>>, vector<1x16xf32>,
          %parallel_loop3A_256 = arith.subf %parallel_loop3A_242, %parallel_loop3A_246 : vector<16xf32>
          %parallel_loop3A_257 = math.absf %parallel_loop3A_256 : vector<16xf32>
          %parallel_loop3A_258 = arith.index_cast %parallel_loop3A_166 : i32 to index
          %parallel_loop3A_259 = arith.constant 304 : index
          %parallel_loop3A_260 = tpu.vector_load %arg14[%parallel_loop3A_258, %parallel_loop3A_259] {strides = array<i32>} : memref<80x384xf32, #tpu.memory_space<vmem>>, vector<1x16xf32>,
          %parallel_loop3A_261 = vector.shape_cast %parallel_loop3A_260 : vector<1x16xf32> to vector<16xf32>
          %parallel_loop3A_262 = vector.shape_cast %parallel_loop3A_257 : vector<16xf32> to vector<1x16xf32>
          tpu.vector_store %arg14[%parallel_loop3A_258, %parallel_loop3A_259], %parallel_loop3A_262 {strides = array<i32>} : memref<80x384xf32, #tpu.memory_space<vmem>>, vector<1x16xf32>,
          %parallel_loop3A_263 = arith.index_cast %parallel_loop3A_166 : i32 to index
          %parallel_loop3A_264 = arith.constant 64 : index
          %parallel_loop3A_265 = tpu.vector_load %arg10[%parallel_loop3A_263, %parallel_loop3A_264] {strides = array<i32>} : memref<80x128xf32, #tpu.memory_space<vmem>>, vector<1x16xf32>,
          %parallel_loop3A_266 = vector.shape_cast %parallel_loop3A_265 : vector<1x16xf32> to vector<16xf32>
          %parallel_loop3A_267 = arith.index_cast %parallel_loop3A_166 : i32 to index
          %parallel_loop3A_268 = arith.constant 64 : index
          %parallel_loop3A_269 = tpu.vector_load %arg11[%parallel_loop3A_267, %parallel_loop3A_268] {strides = array<i32>} : memref<80x128xf32, #tpu.memory_space<vmem>>, vector<1x16xf32>,
          %parallel_loop3A_270 = vector.shape_cast %parallel_loop3A_269 : vector<1x16xf32> to vector<16xf32>
          %parallel_loop3A_271 = arith.addf %parallel_loop3A_266, %parallel_loop3A_270 : vector<16xf32>
          %parallel_loop3A_272 = arith.constant 5.000000e-01 : f32
          %parallel_loop3A_273 = vector.broadcast %parallel_loop3A_272 : f32 to vector<16xf32>
          %parallel_loop3A_274 = arith.mulf %parallel_loop3A_271, %parallel_loop3A_273 : vector<16xf32>
          %parallel_loop3A_275 = arith.index_cast %parallel_loop3A_166 : i32 to index
          %parallel_loop3A_276 = arith.constant 192 : index
          %parallel_loop3A_277 = tpu.vector_load %arg14[%parallel_loop3A_275, %parallel_loop3A_276] {strides = array<i32>} : memref<80x384xf32, #tpu.memory_space<vmem>>, vector<1x16xf32>,
          %parallel_loop3A_278 = vector.shape_cast %parallel_loop3A_277 : vector<1x16xf32> to vector<16xf32>
          %parallel_loop3A_279 = vector.shape_cast %parallel_loop3A_274 : vector<16xf32> to vector<1x16xf32>
          tpu.vector_store %arg14[%parallel_loop3A_275, %parallel_loop3A_276], %parallel_loop3A_279 {strides = array<i32>} : memref<80x384xf32, #tpu.memory_space<vmem>>, vector<1x16xf32>,
          %parallel_loop3A_280 = arith.subf %parallel_loop3A_266, %parallel_loop3A_270 : vector<16xf32>
          %parallel_loop3A_281 = math.absf %parallel_loop3A_280 : vector<16xf32>
          %parallel_loop3A_282 = arith.index_cast %parallel_loop3A_166 : i32 to index
          %parallel_loop3A_283 = arith.constant 320 : index
          %parallel_loop3A_284 = tpu.vector_load %arg14[%parallel_loop3A_282, %parallel_loop3A_283] {strides = array<i32>} : memref<80x384xf32, #tpu.memory_space<vmem>>, vector<1x16xf32>,
          %parallel_loop3A_285 = vector.shape_cast %parallel_loop3A_284 : vector<1x16xf32> to vector<16xf32>
          %parallel_loop3A_286 = vector.shape_cast %parallel_loop3A_281 : vector<16xf32> to vector<1x16xf32>
          tpu.vector_store %arg14[%parallel_loop3A_282, %parallel_loop3A_283], %parallel_loop3A_286 {strides = array<i32>} : memref<80x384xf32, #tpu.memory_space<vmem>>, vector<1x16xf32>,
          %parallel_loop3A_287 = arith.index_cast %parallel_loop3A_166 : i32 to index
          %parallel_loop3A_288 = arith.constant 80 : index
          %parallel_loop3A_289 = tpu.vector_load %arg10[%parallel_loop3A_287, %parallel_loop3A_288] {strides = array<i32>} : memref<80x128xf32, #tpu.memory_space<vmem>>, vector<1x16xf32>,
          %parallel_loop3A_290 = vector.shape_cast %parallel_loop3A_289 : vector<1x16xf32> to vector<16xf32>
          %parallel_loop3A_291 = arith.index_cast %parallel_loop3A_166 : i32 to index
          %parallel_loop3A_292 = arith.constant 80 : index
          %parallel_loop3A_293 = tpu.vector_load %arg11[%parallel_loop3A_291, %parallel_loop3A_292] {strides = array<i32>} : memref<80x128xf32, #tpu.memory_space<vmem>>, vector<1x16xf32>,
          %parallel_loop3A_294 = vector.shape_cast %parallel_loop3A_293 : vector<1x16xf32> to vector<16xf32>
          %parallel_loop3A_295 = arith.addf %parallel_loop3A_290, %parallel_loop3A_294 : vector<16xf32>
          %parallel_loop3A_296 = arith.constant 5.000000e-01 : f32
          %parallel_loop3A_297 = vector.broadcast %parallel_loop3A_296 : f32 to vector<16xf32>
          %parallel_loop3A_298 = arith.mulf %parallel_loop3A_295, %parallel_loop3A_297 : vector<16xf32>
          %parallel_loop3A_299 = arith.index_cast %parallel_loop3A_166 : i32 to index
          %parallel_loop3A_300 = arith.constant 208 : index
          %parallel_loop3A_301 = tpu.vector_load %arg14[%parallel_loop3A_299, %parallel_loop3A_300] {strides = array<i32>} : memref<80x384xf32, #tpu.memory_space<vmem>>, vector<1x16xf32>,
          %parallel_loop3A_302 = vector.shape_cast %parallel_loop3A_301 : vector<1x16xf32> to vector<16xf32>
          %parallel_loop3A_303 = vector.shape_cast %parallel_loop3A_298 : vector<16xf32> to vector<1x16xf32>
          tpu.vector_store %arg14[%parallel_loop3A_299, %parallel_loop3A_300], %parallel_loop3A_303 {strides = array<i32>} : memref<80x384xf32, #tpu.memory_space<vmem>>, vector<1x16xf32>,
          %parallel_loop3A_304 = arith.subf %parallel_loop3A_290, %parallel_loop3A_294 : vector<16xf32>
          %parallel_loop3A_305 = math.absf %parallel_loop3A_304 : vector<16xf32>
          %parallel_loop3A_306 = arith.index_cast %parallel_loop3A_166 : i32 to index
          %parallel_loop3A_307 = arith.constant 336 : index
          %parallel_loop3A_308 = tpu.vector_load %arg14[%parallel_loop3A_306, %parallel_loop3A_307] {strides = array<i32>} : memref<80x384xf32, #tpu.memory_space<vmem>>, vector<1x16xf32>,
          %parallel_loop3A_309 = vector.shape_cast %parallel_loop3A_308 : vector<1x16xf32> to vector<16xf32>
          %parallel_loop3A_310 = vector.shape_cast %parallel_loop3A_305 : vector<16xf32> to vector<1x16xf32>
          tpu.vector_store %arg14[%parallel_loop3A_306, %parallel_loop3A_307], %parallel_loop3A_310 {strides = array<i32>} : memref<80x384xf32, #tpu.memory_space<vmem>>, vector<1x16xf32>,
          %parallel_loop3A_311 = arith.index_cast %parallel_loop3A_166 : i32 to index
          %parallel_loop3A_312 = arith.constant 96 : index
          %parallel_loop3A_313 = tpu.vector_load %arg10[%parallel_loop3A_311, %parallel_loop3A_312] {strides = array<i32>} : memref<80x128xf32, #tpu.memory_space<vmem>>, vector<1x16xf32>,
          %parallel_loop3A_314 = vector.shape_cast %parallel_loop3A_313 : vector<1x16xf32> to vector<16xf32>
          %parallel_loop3A_315 = arith.index_cast %parallel_loop3A_166 : i32 to index
          %parallel_loop3A_316 = arith.constant 96 : index
          %parallel_loop3A_317 = tpu.vector_load %arg11[%parallel_loop3A_315, %parallel_loop3A_316] {strides = array<i32>} : memref<80x128xf32, #tpu.memory_space<vmem>>, vector<1x16xf32>,
          %parallel_loop3A_318 = vector.shape_cast %parallel_loop3A_317 : vector<1x16xf32> to vector<16xf32>
          %parallel_loop3A_319 = arith.addf %parallel_loop3A_314, %parallel_loop3A_318 : vector<16xf32>
          %parallel_loop3A_320 = arith.constant 5.000000e-01 : f32
          %parallel_loop3A_321 = vector.broadcast %parallel_loop3A_320 : f32 to vector<16xf32>
          %parallel_loop3A_322 = arith.mulf %parallel_loop3A_319, %parallel_loop3A_321 : vector<16xf32>
          %parallel_loop3A_323 = arith.index_cast %parallel_loop3A_166 : i32 to index
          %parallel_loop3A_324 = arith.constant 224 : index
          %parallel_loop3A_325 = tpu.vector_load %arg14[%parallel_loop3A_323, %parallel_loop3A_324] {strides = array<i32>} : memref<80x384xf32, #tpu.memory_space<vmem>>, vector<1x16xf32>,
          %parallel_loop3A_326 = vector.shape_cast %parallel_loop3A_325 : vector<1x16xf32> to vector<16xf32>
          %parallel_loop3A_327 = vector.shape_cast %parallel_loop3A_322 : vector<16xf32> to vector<1x16xf32>
          tpu.vector_store %arg14[%parallel_loop3A_323, %parallel_loop3A_324], %parallel_loop3A_327 {strides = array<i32>} : memref<80x384xf32, #tpu.memory_space<vmem>>, vector<1x16xf32>,
          %parallel_loop3A_328 = arith.subf %parallel_loop3A_314, %parallel_loop3A_318 : vector<16xf32>
          %parallel_loop3A_329 = math.absf %parallel_loop3A_328 : vector<16xf32>
          %parallel_loop3A_330 = arith.index_cast %parallel_loop3A_166 : i32 to index
          %parallel_loop3A_331 = arith.constant 352 : index
          %parallel_loop3A_332 = tpu.vector_load %arg14[%parallel_loop3A_330, %parallel_loop3A_331] {strides = array<i32>} : memref<80x384xf32, #tpu.memory_space<vmem>>, vector<1x16xf32>,
          %parallel_loop3A_333 = vector.shape_cast %parallel_loop3A_332 : vector<1x16xf32> to vector<16xf32>
          %parallel_loop3A_334 = vector.shape_cast %parallel_loop3A_329 : vector<16xf32> to vector<1x16xf32>
          tpu.vector_store %arg14[%parallel_loop3A_330, %parallel_loop3A_331], %parallel_loop3A_334 {strides = array<i32>} : memref<80x384xf32, #tpu.memory_space<vmem>>, vector<1x16xf32>,
          %parallel_loop3A_335 = arith.index_cast %parallel_loop3A_166 : i32 to index
          %parallel_loop3A_336 = arith.constant 112 : index
          %parallel_loop3A_337 = tpu.vector_load %arg10[%parallel_loop3A_335, %parallel_loop3A_336] {strides = array<i32>} : memref<80x128xf32, #tpu.memory_space<vmem>>, vector<1x16xf32>,
          %parallel_loop3A_338 = vector.shape_cast %parallel_loop3A_337 : vector<1x16xf32> to vector<16xf32>
          %parallel_loop3A_339 = arith.index_cast %parallel_loop3A_166 : i32 to index
          %parallel_loop3A_340 = arith.constant 112 : index
          %parallel_loop3A_341 = tpu.vector_load %arg11[%parallel_loop3A_339, %parallel_loop3A_340] {strides = array<i32>} : memref<80x128xf32, #tpu.memory_space<vmem>>, vector<1x16xf32>,
          %parallel_loop3A_342 = vector.shape_cast %parallel_loop3A_341 : vector<1x16xf32> to vector<16xf32>
          %parallel_loop3A_343 = arith.addf %parallel_loop3A_338, %parallel_loop3A_342 : vector<16xf32>
          %parallel_loop3A_344 = arith.constant 5.000000e-01 : f32
          %parallel_loop3A_345 = vector.broadcast %parallel_loop3A_344 : f32 to vector<16xf32>
          %parallel_loop3A_346 = arith.mulf %parallel_loop3A_343, %parallel_loop3A_345 : vector<16xf32>
          %parallel_loop3A_347 = arith.index_cast %parallel_loop3A_166 : i32 to index
          %parallel_loop3A_348 = arith.constant 240 : index
          %parallel_loop3A_349 = tpu.vector_load %arg14[%parallel_loop3A_347, %parallel_loop3A_348] {strides = array<i32>} : memref<80x384xf32, #tpu.memory_space<vmem>>, vector<1x16xf32>,
          %parallel_loop3A_350 = vector.shape_cast %parallel_loop3A_349 : vector<1x16xf32> to vector<16xf32>
          %parallel_loop3A_351 = vector.shape_cast %parallel_loop3A_346 : vector<16xf32> to vector<1x16xf32>
          tpu.vector_store %arg14[%parallel_loop3A_347, %parallel_loop3A_348], %parallel_loop3A_351 {strides = array<i32>} : memref<80x384xf32, #tpu.memory_space<vmem>>, vector<1x16xf32>,
          %parallel_loop3A_352 = arith.subf %parallel_loop3A_338, %parallel_loop3A_342 : vector<16xf32>
          %parallel_loop3A_353 = math.absf %parallel_loop3A_352 : vector<16xf32>
          %parallel_loop3A_354 = arith.index_cast %parallel_loop3A_166 : i32 to index
          %parallel_loop3A_355 = arith.constant 368 : index
          %parallel_loop3A_356 = tpu.vector_load %arg14[%parallel_loop3A_354, %parallel_loop3A_355] {strides = array<i32>} : memref<80x384xf32, #tpu.memory_space<vmem>>, vector<1x16xf32>,
          %parallel_loop3A_357 = vector.shape_cast %parallel_loop3A_356 : vector<1x16xf32> to vector<16xf32>
          %parallel_loop3A_358 = vector.shape_cast %parallel_loop3A_353 : vector<16xf32> to vector<1x16xf32>
          tpu.vector_store %arg14[%parallel_loop3A_354, %parallel_loop3A_355], %parallel_loop3A_358 {strides = array<i32>} : memref<80x384xf32, #tpu.memory_space<vmem>>, vector<1x16xf32>,
        } {sc.loop_unroll_factor = 4 : i64, sc.parallel_access}
        %dma_wait3A_153 = arith.constant 0 : i32
        %dma_wait3A_154 = arith.constant 0 : i32
        %dma_wait3A_155 = tpu.memref_slice %arg14[%dma_wait3A_153, %dma_wait3A_154] : memref<80x384xf32, #tpu.memory_space<vmem>> -> memref<80x128xf32, #tpu.memory_space<vmem>>
        %dma_wait3A_156 = arith.constant 0 : i32
        %dma_wait3A_157 = tpu.memref_slice %arg4[%mul3A_145, %dma_wait3A_156] : memref<300000x128xf32, #tpu.memory_space<hbm>> -> memref<80x128xf32, #tpu.memory_space<hbm>>
        %dma_wait3A_158 = arith.constant 0 : i32
        %dma_wait3A_159 = arith.constant 0 : i32
        %dma_wait3A_160 = tpu.memref_slice %arg14[%dma_wait3A_158, %dma_wait3A_159] : memref<80x384xf32, #tpu.memory_space<vmem>> -> memref<80x128xf32, #tpu.memory_space<vmem>>
        %dma_wait3A_161 = arith.constant 0 : i32
        %dma_wait3A_162 = tpu.memref_slice %arg4[%mul3A_145, %dma_wait3A_161] : memref<300000x128xf32, #tpu.memory_space<hbm>> -> memref<80x128xf32, #tpu.memory_space<hbm>>
        tpu.wait_dma2 semaphore(%arg18 : memref<!tpu.dma_semaphore, #tpu.memory_space<semaphore_mem>>) src(%dma_wait3A_162 : memref<80x128xf32, #tpu.memory_space<hbm>>) dst(%dma_wait3A_160 : memref<80x128xf32, #tpu.memory_space<vmem>>)
        %dma_start3A = arith.constant 0 : i32
        %dma_start3A_163 = tpu.memref_slice %arg5[%mul3A_145, %dma_start3A] : memref<300000x384xf32, #tpu.memory_space<hbm>> -> memref<80x384xf32, #tpu.memory_space<hbm>>
        %dma_start3A_164 = arith.constant 0 : i32
        %dma_start3A_165 = tpu.memref_slice %arg5[%mul3A_145, %dma_start3A_164] : memref<300000x384xf32, #tpu.memory_space<hbm>> -> memref<80x384xf32, #tpu.memory_space<hbm>>
        tpu.enqueue_dma source(%arg14 : memref<80x384xf32, #tpu.memory_space<vmem>>) target(%dma_start3A_165 : memref<80x384xf32, #tpu.memory_space<hbm>>) target_semaphore(%arg20 : memref<!tpu.dma_semaphore, #tpu.memory_space<semaphore_mem>>)
      } else {
      }
      %add3A_56 = arith.constant 2 : i32
      %add3A_57 = arith.addi %mul3A_47, %add3A_56 : i32
      %mul3A_58 = arith.constant 32 : i32
      %mul3A_59 = arith.muli %add3A_57, %mul3A_58 : i32
      %add3A_60 = arith.addi %add3A, %mul3A_59 : i32
      %lt3A_61 = arith.constant 3750 : i32
      %lt3A_62 = arith.cmpi slt, %add3A_60, %lt3A_61 : i32
      %convert_element_type3A_63 = arith.extui %lt3A_62 : i1 to i32
      %cond3A_64 = arith.constant 0 : i32
      %cond3A_65 = arith.cmpi ne, %convert_element_type3A_63, %cond3A_64 : i32
      scf.if %cond3A_65 {
        %mul3A_144 = arith.constant 80 : i32
        %mul3A_145 = arith.muli %add3A_60, %mul3A_144 : i32
        %dma_start3A = tpu.memref_slice %arg2[%mul3A_145] : memref<600000xi32, #tpu.memory_space<hbm>> -> memref<80xi32, #tpu.memory_space<hbm>>
        %dma_start3A_146 = tpu.memref_slice %arg2[%mul3A_145] : memref<600000xi32, #tpu.memory_space<hbm>> -> memref<80xi32, #tpu.memory_space<hbm>>
        tpu.enqueue_dma source(%dma_start3A_146 : memref<80xi32, #tpu.memory_space<hbm>>) target(%arg6 : memref<80xi32, #tpu.memory_space<vmem>>) target_semaphore(%arg22 : memref<!tpu.dma_semaphore, #tpu.memory_space<semaphore_mem>>)
        %add3A_147 = arith.constant 300000 : i32
        %add3A_148 = arith.addi %add3A_147, %mul3A_145 : i32
        %dma_start3A_149 = tpu.memref_slice %arg2[%add3A_148] : memref<600000xi32, #tpu.memory_space<hbm>> -> memref<80xi32, #tpu.memory_space<hbm>>
        %dma_start3A_150 = tpu.memref_slice %arg2[%add3A_148] : memref<600000xi32, #tpu.memory_space<hbm>> -> memref<80xi32, #tpu.memory_space<hbm>>
        tpu.enqueue_dma source(%dma_start3A_150 : memref<80xi32, #tpu.memory_space<hbm>>) target(%arg7 : memref<80xi32, #tpu.memory_space<vmem>>) target_semaphore(%arg22 : memref<!tpu.dma_semaphore, #tpu.memory_space<semaphore_mem>>)
      } else {
      }
      %add3A_66 = arith.constant 1 : i32
      %add3A_67 = arith.addi %mul3A_47, %add3A_66 : i32
      %mul3A_68 = arith.constant 32 : i32
      %mul3A_69 = arith.muli %add3A_67, %mul3A_68 : i32
      %add3A_70 = arith.addi %add3A, %mul3A_69 : i32
      %lt3A_71 = arith.constant 3750 : i32
      %lt3A_72 = arith.cmpi slt, %add3A_70, %lt3A_71 : i32
      %convert_element_type3A_73 = arith.extui %lt3A_72 : i1 to i32
      %cond3A_74 = arith.constant 0 : i32
      %cond3A_75 = arith.cmpi ne, %convert_element_type3A_73, %cond3A_74 : i32
      scf.if %cond3A_75 {
        %mul3A_144 = arith.constant 80 : i32
        %mul3A_145 = arith.muli %add3A_70, %mul3A_144 : i32
        %dma_wait3A = arith.constant 0 : i32
        %dma_wait3A_146 = arith.constant 0 : i32
        %dma_wait3A_147 = tpu.memref_slice %arg3[%dma_wait3A, %dma_wait3A_146] : memref<100000x128xf32, #tpu.memory_space<hbm>> -> memref<100000x128xf32, #tpu.memory_space<hbm>>
        tpu.wait_indirect_dma semaphore(%arg17 : memref<!tpu.dma_semaphore, #tpu.memory_space<semaphore_mem>>) src(%dma_wait3A_147 : memref<100000x128xf32, #tpu.memory_space<hbm>>) dst(%arg12 : memref<80x128xf32, #tpu.memory_space<vmem>>)
        %dma_wait3A_148 = arith.constant 0 : i32
        %dma_wait3A_149 = arith.constant 0 : i32
        %dma_wait3A_150 = tpu.memref_slice %arg3[%dma_wait3A_148, %dma_wait3A_149] : memref<100000x128xf32, #tpu.memory_space<hbm>> -> memref<100000x128xf32, #tpu.memory_space<hbm>>
        tpu.wait_indirect_dma semaphore(%arg17 : memref<!tpu.dma_semaphore, #tpu.memory_space<semaphore_mem>>) src(%dma_wait3A_150 : memref<100000x128xf32, #tpu.memory_space<hbm>>) dst(%arg13 : memref<80x128xf32, #tpu.memory_space<vmem>>)
        %parallel_loop3A = arith.constant 0 : i32
        %parallel_loop3A_151 = arith.constant 80 : i32
        %parallel_loop3A_152 = arith.constant 1 : i32
        scf.for %parallel_loop3A_166 = %parallel_loop3A to %parallel_loop3A_151 step %parallel_loop3A_152  : i32 {
          %parallel_loop3A_167 = arith.index_cast %parallel_loop3A_166 : i32 to index
          %parallel_loop3A_168 = arith.constant 0 : index
          %parallel_loop3A_169 = tpu.vector_load %arg12[%parallel_loop3A_167, %parallel_loop3A_168] {strides = array<i32>} : memref<80x128xf32, #tpu.memory_space<vmem>>, vector<1x16xf32>,
          %parallel_loop3A_170 = vector.shape_cast %parallel_loop3A_169 : vector<1x16xf32> to vector<16xf32>
          %parallel_loop3A_171 = arith.index_cast %parallel_loop3A_166 : i32 to index
          %parallel_loop3A_172 = arith.constant 0 : index
          %parallel_loop3A_173 = tpu.vector_load %arg13[%parallel_loop3A_171, %parallel_loop3A_172] {strides = array<i32>} : memref<80x128xf32, #tpu.memory_space<vmem>>, vector<1x16xf32>,
          %parallel_loop3A_174 = vector.shape_cast %parallel_loop3A_173 : vector<1x16xf32> to vector<16xf32>
          %parallel_loop3A_175 = arith.addf %parallel_loop3A_170, %parallel_loop3A_174 : vector<16xf32>
          %parallel_loop3A_176 = arith.constant 5.000000e-01 : f32
          %parallel_loop3A_177 = vector.broadcast %parallel_loop3A_176 : f32 to vector<16xf32>
          %parallel_loop3A_178 = arith.mulf %parallel_loop3A_175, %parallel_loop3A_177 : vector<16xf32>
          %parallel_loop3A_179 = arith.index_cast %parallel_loop3A_166 : i32 to index
          %parallel_loop3A_180 = arith.constant 128 : index
          %parallel_loop3A_181 = tpu.vector_load %arg15[%parallel_loop3A_179, %parallel_loop3A_180] {strides = array<i32>} : memref<80x384xf32, #tpu.memory_space<vmem>>, vector<1x16xf32>,
          %parallel_loop3A_182 = vector.shape_cast %parallel_loop3A_181 : vector<1x16xf32> to vector<16xf32>
          %parallel_loop3A_183 = vector.shape_cast %parallel_loop3A_178 : vector<16xf32> to vector<1x16xf32>
          tpu.vector_store %arg15[%parallel_loop3A_179, %parallel_loop3A_180], %parallel_loop3A_183 {strides = array<i32>} : memref<80x384xf32, #tpu.memory_space<vmem>>, vector<1x16xf32>,
          %parallel_loop3A_184 = arith.subf %parallel_loop3A_170, %parallel_loop3A_174 : vector<16xf32>
          %parallel_loop3A_185 = math.absf %parallel_loop3A_184 : vector<16xf32>
          %parallel_loop3A_186 = arith.index_cast %parallel_loop3A_166 : i32 to index
          %parallel_loop3A_187 = arith.constant 256 : index
          %parallel_loop3A_188 = tpu.vector_load %arg15[%parallel_loop3A_186, %parallel_loop3A_187] {strides = array<i32>} : memref<80x384xf32, #tpu.memory_space<vmem>>, vector<1x16xf32>,
          %parallel_loop3A_189 = vector.shape_cast %parallel_loop3A_188 : vector<1x16xf32> to vector<16xf32>
          %parallel_loop3A_190 = vector.shape_cast %parallel_loop3A_185 : vector<16xf32> to vector<1x16xf32>
          tpu.vector_store %arg15[%parallel_loop3A_186, %parallel_loop3A_187], %parallel_loop3A_190 {strides = array<i32>} : memref<80x384xf32, #tpu.memory_space<vmem>>, vector<1x16xf32>,
          %parallel_loop3A_191 = arith.index_cast %parallel_loop3A_166 : i32 to index
          %parallel_loop3A_192 = arith.constant 16 : index
          %parallel_loop3A_193 = tpu.vector_load %arg12[%parallel_loop3A_191, %parallel_loop3A_192] {strides = array<i32>} : memref<80x128xf32, #tpu.memory_space<vmem>>, vector<1x16xf32>,
          %parallel_loop3A_194 = vector.shape_cast %parallel_loop3A_193 : vector<1x16xf32> to vector<16xf32>
          %parallel_loop3A_195 = arith.index_cast %parallel_loop3A_166 : i32 to index
          %parallel_loop3A_196 = arith.constant 16 : index
          %parallel_loop3A_197 = tpu.vector_load %arg13[%parallel_loop3A_195, %parallel_loop3A_196] {strides = array<i32>} : memref<80x128xf32, #tpu.memory_space<vmem>>, vector<1x16xf32>,
          %parallel_loop3A_198 = vector.shape_cast %parallel_loop3A_197 : vector<1x16xf32> to vector<16xf32>
          %parallel_loop3A_199 = arith.addf %parallel_loop3A_194, %parallel_loop3A_198 : vector<16xf32>
          %parallel_loop3A_200 = arith.constant 5.000000e-01 : f32
          %parallel_loop3A_201 = vector.broadcast %parallel_loop3A_200 : f32 to vector<16xf32>
          %parallel_loop3A_202 = arith.mulf %parallel_loop3A_199, %parallel_loop3A_201 : vector<16xf32>
          %parallel_loop3A_203 = arith.index_cast %parallel_loop3A_166 : i32 to index
          %parallel_loop3A_204 = arith.constant 144 : index
          %parallel_loop3A_205 = tpu.vector_load %arg15[%parallel_loop3A_203, %parallel_loop3A_204] {strides = array<i32>} : memref<80x384xf32, #tpu.memory_space<vmem>>, vector<1x16xf32>,
          %parallel_loop3A_206 = vector.shape_cast %parallel_loop3A_205 : vector<1x16xf32> to vector<16xf32>
          %parallel_loop3A_207 = vector.shape_cast %parallel_loop3A_202 : vector<16xf32> to vector<1x16xf32>
          tpu.vector_store %arg15[%parallel_loop3A_203, %parallel_loop3A_204], %parallel_loop3A_207 {strides = array<i32>} : memref<80x384xf32, #tpu.memory_space<vmem>>, vector<1x16xf32>,
          %parallel_loop3A_208 = arith.subf %parallel_loop3A_194, %parallel_loop3A_198 : vector<16xf32>
          %parallel_loop3A_209 = math.absf %parallel_loop3A_208 : vector<16xf32>
          %parallel_loop3A_210 = arith.index_cast %parallel_loop3A_166 : i32 to index
          %parallel_loop3A_211 = arith.constant 272 : index
          %parallel_loop3A_212 = tpu.vector_load %arg15[%parallel_loop3A_210, %parallel_loop3A_211] {strides = array<i32>} : memref<80x384xf32, #tpu.memory_space<vmem>>, vector<1x16xf32>,
          %parallel_loop3A_213 = vector.shape_cast %parallel_loop3A_212 : vector<1x16xf32> to vector<16xf32>
          %parallel_loop3A_214 = vector.shape_cast %parallel_loop3A_209 : vector<16xf32> to vector<1x16xf32>
          tpu.vector_store %arg15[%parallel_loop3A_210, %parallel_loop3A_211], %parallel_loop3A_214 {strides = array<i32>} : memref<80x384xf32, #tpu.memory_space<vmem>>, vector<1x16xf32>,
          %parallel_loop3A_215 = arith.index_cast %parallel_loop3A_166 : i32 to index
          %parallel_loop3A_216 = arith.constant 32 : index
          %parallel_loop3A_217 = tpu.vector_load %arg12[%parallel_loop3A_215, %parallel_loop3A_216] {strides = array<i32>} : memref<80x128xf32, #tpu.memory_space<vmem>>, vector<1x16xf32>,
          %parallel_loop3A_218 = vector.shape_cast %parallel_loop3A_217 : vector<1x16xf32> to vector<16xf32>
          %parallel_loop3A_219 = arith.index_cast %parallel_loop3A_166 : i32 to index
          %parallel_loop3A_220 = arith.constant 32 : index
          %parallel_loop3A_221 = tpu.vector_load %arg13[%parallel_loop3A_219, %parallel_loop3A_220] {strides = array<i32>} : memref<80x128xf32, #tpu.memory_space<vmem>>, vector<1x16xf32>,
          %parallel_loop3A_222 = vector.shape_cast %parallel_loop3A_221 : vector<1x16xf32> to vector<16xf32>
          %parallel_loop3A_223 = arith.addf %parallel_loop3A_218, %parallel_loop3A_222 : vector<16xf32>
          %parallel_loop3A_224 = arith.constant 5.000000e-01 : f32
          %parallel_loop3A_225 = vector.broadcast %parallel_loop3A_224 : f32 to vector<16xf32>
          %parallel_loop3A_226 = arith.mulf %parallel_loop3A_223, %parallel_loop3A_225 : vector<16xf32>
          %parallel_loop3A_227 = arith.index_cast %parallel_loop3A_166 : i32 to index
          %parallel_loop3A_228 = arith.constant 160 : index
          %parallel_loop3A_229 = tpu.vector_load %arg15[%parallel_loop3A_227, %parallel_loop3A_228] {strides = array<i32>} : memref<80x384xf32, #tpu.memory_space<vmem>>, vector<1x16xf32>,
          %parallel_loop3A_230 = vector.shape_cast %parallel_loop3A_229 : vector<1x16xf32> to vector<16xf32>
          %parallel_loop3A_231 = vector.shape_cast %parallel_loop3A_226 : vector<16xf32> to vector<1x16xf32>
          tpu.vector_store %arg15[%parallel_loop3A_227, %parallel_loop3A_228], %parallel_loop3A_231 {strides = array<i32>} : memref<80x384xf32, #tpu.memory_space<vmem>>, vector<1x16xf32>,
          %parallel_loop3A_232 = arith.subf %parallel_loop3A_218, %parallel_loop3A_222 : vector<16xf32>
          %parallel_loop3A_233 = math.absf %parallel_loop3A_232 : vector<16xf32>
          %parallel_loop3A_234 = arith.index_cast %parallel_loop3A_166 : i32 to index
          %parallel_loop3A_235 = arith.constant 288 : index
          %parallel_loop3A_236 = tpu.vector_load %arg15[%parallel_loop3A_234, %parallel_loop3A_235] {strides = array<i32>} : memref<80x384xf32, #tpu.memory_space<vmem>>, vector<1x16xf32>,
          %parallel_loop3A_237 = vector.shape_cast %parallel_loop3A_236 : vector<1x16xf32> to vector<16xf32>
          %parallel_loop3A_238 = vector.shape_cast %parallel_loop3A_233 : vector<16xf32> to vector<1x16xf32>
          tpu.vector_store %arg15[%parallel_loop3A_234, %parallel_loop3A_235], %parallel_loop3A_238 {strides = array<i32>} : memref<80x384xf32, #tpu.memory_space<vmem>>, vector<1x16xf32>,
          %parallel_loop3A_239 = arith.index_cast %parallel_loop3A_166 : i32 to index
          %parallel_loop3A_240 = arith.constant 48 : index
          %parallel_loop3A_241 = tpu.vector_load %arg12[%parallel_loop3A_239, %parallel_loop3A_240] {strides = array<i32>} : memref<80x128xf32, #tpu.memory_space<vmem>>, vector<1x16xf32>,
          %parallel_loop3A_242 = vector.shape_cast %parallel_loop3A_241 : vector<1x16xf32> to vector<16xf32>
          %parallel_loop3A_243 = arith.index_cast %parallel_loop3A_166 : i32 to index
          %parallel_loop3A_244 = arith.constant 48 : index
          %parallel_loop3A_245 = tpu.vector_load %arg13[%parallel_loop3A_243, %parallel_loop3A_244] {strides = array<i32>} : memref<80x128xf32, #tpu.memory_space<vmem>>, vector<1x16xf32>,
          %parallel_loop3A_246 = vector.shape_cast %parallel_loop3A_245 : vector<1x16xf32> to vector<16xf32>
          %parallel_loop3A_247 = arith.addf %parallel_loop3A_242, %parallel_loop3A_246 : vector<16xf32>
          %parallel_loop3A_248 = arith.constant 5.000000e-01 : f32
          %parallel_loop3A_249 = vector.broadcast %parallel_loop3A_248 : f32 to vector<16xf32>
          %parallel_loop3A_250 = arith.mulf %parallel_loop3A_247, %parallel_loop3A_249 : vector<16xf32>
          %parallel_loop3A_251 = arith.index_cast %parallel_loop3A_166 : i32 to index
          %parallel_loop3A_252 = arith.constant 176 : index
          %parallel_loop3A_253 = tpu.vector_load %arg15[%parallel_loop3A_251, %parallel_loop3A_252] {strides = array<i32>} : memref<80x384xf32, #tpu.memory_space<vmem>>, vector<1x16xf32>,
          %parallel_loop3A_254 = vector.shape_cast %parallel_loop3A_253 : vector<1x16xf32> to vector<16xf32>
          %parallel_loop3A_255 = vector.shape_cast %parallel_loop3A_250 : vector<16xf32> to vector<1x16xf32>
          tpu.vector_store %arg15[%parallel_loop3A_251, %parallel_loop3A_252], %parallel_loop3A_255 {strides = array<i32>} : memref<80x384xf32, #tpu.memory_space<vmem>>, vector<1x16xf32>,
          %parallel_loop3A_256 = arith.subf %parallel_loop3A_242, %parallel_loop3A_246 : vector<16xf32>
          %parallel_loop3A_257 = math.absf %parallel_loop3A_256 : vector<16xf32>
          %parallel_loop3A_258 = arith.index_cast %parallel_loop3A_166 : i32 to index
          %parallel_loop3A_259 = arith.constant 304 : index
          %parallel_loop3A_260 = tpu.vector_load %arg15[%parallel_loop3A_258, %parallel_loop3A_259] {strides = array<i32>} : memref<80x384xf32, #tpu.memory_space<vmem>>, vector<1x16xf32>,
          %parallel_loop3A_261 = vector.shape_cast %parallel_loop3A_260 : vector<1x16xf32> to vector<16xf32>
          %parallel_loop3A_262 = vector.shape_cast %parallel_loop3A_257 : vector<16xf32> to vector<1x16xf32>
          tpu.vector_store %arg15[%parallel_loop3A_258, %parallel_loop3A_259], %parallel_loop3A_262 {strides = array<i32>} : memref<80x384xf32, #tpu.memory_space<vmem>>, vector<1x16xf32>,
          %parallel_loop3A_263 = arith.index_cast %parallel_loop3A_166 : i32 to index
          %parallel_loop3A_264 = arith.constant 64 : index
          %parallel_loop3A_265 = tpu.vector_load %arg12[%parallel_loop3A_263, %parallel_loop3A_264] {strides = array<i32>} : memref<80x128xf32, #tpu.memory_space<vmem>>, vector<1x16xf32>,
          %parallel_loop3A_266 = vector.shape_cast %parallel_loop3A_265 : vector<1x16xf32> to vector<16xf32>
          %parallel_loop3A_267 = arith.index_cast %parallel_loop3A_166 : i32 to index
          %parallel_loop3A_268 = arith.constant 64 : index
          %parallel_loop3A_269 = tpu.vector_load %arg13[%parallel_loop3A_267, %parallel_loop3A_268] {strides = array<i32>} : memref<80x128xf32, #tpu.memory_space<vmem>>, vector<1x16xf32>,
          %parallel_loop3A_270 = vector.shape_cast %parallel_loop3A_269 : vector<1x16xf32> to vector<16xf32>
          %parallel_loop3A_271 = arith.addf %parallel_loop3A_266, %parallel_loop3A_270 : vector<16xf32>
          %parallel_loop3A_272 = arith.constant 5.000000e-01 : f32
          %parallel_loop3A_273 = vector.broadcast %parallel_loop3A_272 : f32 to vector<16xf32>
          %parallel_loop3A_274 = arith.mulf %parallel_loop3A_271, %parallel_loop3A_273 : vector<16xf32>
          %parallel_loop3A_275 = arith.index_cast %parallel_loop3A_166 : i32 to index
          %parallel_loop3A_276 = arith.constant 192 : index
          %parallel_loop3A_277 = tpu.vector_load %arg15[%parallel_loop3A_275, %parallel_loop3A_276] {strides = array<i32>} : memref<80x384xf32, #tpu.memory_space<vmem>>, vector<1x16xf32>,
          %parallel_loop3A_278 = vector.shape_cast %parallel_loop3A_277 : vector<1x16xf32> to vector<16xf32>
          %parallel_loop3A_279 = vector.shape_cast %parallel_loop3A_274 : vector<16xf32> to vector<1x16xf32>
          tpu.vector_store %arg15[%parallel_loop3A_275, %parallel_loop3A_276], %parallel_loop3A_279 {strides = array<i32>} : memref<80x384xf32, #tpu.memory_space<vmem>>, vector<1x16xf32>,
          %parallel_loop3A_280 = arith.subf %parallel_loop3A_266, %parallel_loop3A_270 : vector<16xf32>
          %parallel_loop3A_281 = math.absf %parallel_loop3A_280 : vector<16xf32>
          %parallel_loop3A_282 = arith.index_cast %parallel_loop3A_166 : i32 to index
          %parallel_loop3A_283 = arith.constant 320 : index
          %parallel_loop3A_284 = tpu.vector_load %arg15[%parallel_loop3A_282, %parallel_loop3A_283] {strides = array<i32>} : memref<80x384xf32, #tpu.memory_space<vmem>>, vector<1x16xf32>,
          %parallel_loop3A_285 = vector.shape_cast %parallel_loop3A_284 : vector<1x16xf32> to vector<16xf32>
          %parallel_loop3A_286 = vector.shape_cast %parallel_loop3A_281 : vector<16xf32> to vector<1x16xf32>
          tpu.vector_store %arg15[%parallel_loop3A_282, %parallel_loop3A_283], %parallel_loop3A_286 {strides = array<i32>} : memref<80x384xf32, #tpu.memory_space<vmem>>, vector<1x16xf32>,
          %parallel_loop3A_287 = arith.index_cast %parallel_loop3A_166 : i32 to index
          %parallel_loop3A_288 = arith.constant 80 : index
          %parallel_loop3A_289 = tpu.vector_load %arg12[%parallel_loop3A_287, %parallel_loop3A_288] {strides = array<i32>} : memref<80x128xf32, #tpu.memory_space<vmem>>, vector<1x16xf32>,
          %parallel_loop3A_290 = vector.shape_cast %parallel_loop3A_289 : vector<1x16xf32> to vector<16xf32>
          %parallel_loop3A_291 = arith.index_cast %parallel_loop3A_166 : i32 to index
          %parallel_loop3A_292 = arith.constant 80 : index
          %parallel_loop3A_293 = tpu.vector_load %arg13[%parallel_loop3A_291, %parallel_loop3A_292] {strides = array<i32>} : memref<80x128xf32, #tpu.memory_space<vmem>>, vector<1x16xf32>,
          %parallel_loop3A_294 = vector.shape_cast %parallel_loop3A_293 : vector<1x16xf32> to vector<16xf32>
          %parallel_loop3A_295 = arith.addf %parallel_loop3A_290, %parallel_loop3A_294 : vector<16xf32>
          %parallel_loop3A_296 = arith.constant 5.000000e-01 : f32
          %parallel_loop3A_297 = vector.broadcast %parallel_loop3A_296 : f32 to vector<16xf32>
          %parallel_loop3A_298 = arith.mulf %parallel_loop3A_295, %parallel_loop3A_297 : vector<16xf32>
          %parallel_loop3A_299 = arith.index_cast %parallel_loop3A_166 : i32 to index
          %parallel_loop3A_300 = arith.constant 208 : index
          %parallel_loop3A_301 = tpu.vector_load %arg15[%parallel_loop3A_299, %parallel_loop3A_300] {strides = array<i32>} : memref<80x384xf32, #tpu.memory_space<vmem>>, vector<1x16xf32>,
          %parallel_loop3A_302 = vector.shape_cast %parallel_loop3A_301 : vector<1x16xf32> to vector<16xf32>
          %parallel_loop3A_303 = vector.shape_cast %parallel_loop3A_298 : vector<16xf32> to vector<1x16xf32>
          tpu.vector_store %arg15[%parallel_loop3A_299, %parallel_loop3A_300], %parallel_loop3A_303 {strides = array<i32>} : memref<80x384xf32, #tpu.memory_space<vmem>>, vector<1x16xf32>,
          %parallel_loop3A_304 = arith.subf %parallel_loop3A_290, %parallel_loop3A_294 : vector<16xf32>
          %parallel_loop3A_305 = math.absf %parallel_loop3A_304 : vector<16xf32>
          %parallel_loop3A_306 = arith.index_cast %parallel_loop3A_166 : i32 to index
          %parallel_loop3A_307 = arith.constant 336 : index
          %parallel_loop3A_308 = tpu.vector_load %arg15[%parallel_loop3A_306, %parallel_loop3A_307] {strides = array<i32>} : memref<80x384xf32, #tpu.memory_space<vmem>>, vector<1x16xf32>,
          %parallel_loop3A_309 = vector.shape_cast %parallel_loop3A_308 : vector<1x16xf32> to vector<16xf32>
          %parallel_loop3A_310 = vector.shape_cast %parallel_loop3A_305 : vector<16xf32> to vector<1x16xf32>
          tpu.vector_store %arg15[%parallel_loop3A_306, %parallel_loop3A_307], %parallel_loop3A_310 {strides = array<i32>} : memref<80x384xf32, #tpu.memory_space<vmem>>, vector<1x16xf32>,
          %parallel_loop3A_311 = arith.index_cast %parallel_loop3A_166 : i32 to index
          %parallel_loop3A_312 = arith.constant 96 : index
          %parallel_loop3A_313 = tpu.vector_load %arg12[%parallel_loop3A_311, %parallel_loop3A_312] {strides = array<i32>} : memref<80x128xf32, #tpu.memory_space<vmem>>, vector<1x16xf32>,
          %parallel_loop3A_314 = vector.shape_cast %parallel_loop3A_313 : vector<1x16xf32> to vector<16xf32>
          %parallel_loop3A_315 = arith.index_cast %parallel_loop3A_166 : i32 to index
          %parallel_loop3A_316 = arith.constant 96 : index
          %parallel_loop3A_317 = tpu.vector_load %arg13[%parallel_loop3A_315, %parallel_loop3A_316] {strides = array<i32>} : memref<80x128xf32, #tpu.memory_space<vmem>>, vector<1x16xf32>,
          %parallel_loop3A_318 = vector.shape_cast %parallel_loop3A_317 : vector<1x16xf32> to vector<16xf32>
          %parallel_loop3A_319 = arith.addf %parallel_loop3A_314, %parallel_loop3A_318 : vector<16xf32>
          %parallel_loop3A_320 = arith.constant 5.000000e-01 : f32
          %parallel_loop3A_321 = vector.broadcast %parallel_loop3A_320 : f32 to vector<16xf32>
          %parallel_loop3A_322 = arith.mulf %parallel_loop3A_319, %parallel_loop3A_321 : vector<16xf32>
          %parallel_loop3A_323 = arith.index_cast %parallel_loop3A_166 : i32 to index
          %parallel_loop3A_324 = arith.constant 224 : index
          %parallel_loop3A_325 = tpu.vector_load %arg15[%parallel_loop3A_323, %parallel_loop3A_324] {strides = array<i32>} : memref<80x384xf32, #tpu.memory_space<vmem>>, vector<1x16xf32>,
          %parallel_loop3A_326 = vector.shape_cast %parallel_loop3A_325 : vector<1x16xf32> to vector<16xf32>
          %parallel_loop3A_327 = vector.shape_cast %parallel_loop3A_322 : vector<16xf32> to vector<1x16xf32>
          tpu.vector_store %arg15[%parallel_loop3A_323, %parallel_loop3A_324], %parallel_loop3A_327 {strides = array<i32>} : memref<80x384xf32, #tpu.memory_space<vmem>>, vector<1x16xf32>,
          %parallel_loop3A_328 = arith.subf %parallel_loop3A_314, %parallel_loop3A_318 : vector<16xf32>
          %parallel_loop3A_329 = math.absf %parallel_loop3A_328 : vector<16xf32>
          %parallel_loop3A_330 = arith.index_cast %parallel_loop3A_166 : i32 to index
          %parallel_loop3A_331 = arith.constant 352 : index
          %parallel_loop3A_332 = tpu.vector_load %arg15[%parallel_loop3A_330, %parallel_loop3A_331] {strides = array<i32>} : memref<80x384xf32, #tpu.memory_space<vmem>>, vector<1x16xf32>,
          %parallel_loop3A_333 = vector.shape_cast %parallel_loop3A_332 : vector<1x16xf32> to vector<16xf32>
          %parallel_loop3A_334 = vector.shape_cast %parallel_loop3A_329 : vector<16xf32> to vector<1x16xf32>
          tpu.vector_store %arg15[%parallel_loop3A_330, %parallel_loop3A_331], %parallel_loop3A_334 {strides = array<i32>} : memref<80x384xf32, #tpu.memory_space<vmem>>, vector<1x16xf32>,
          %parallel_loop3A_335 = arith.index_cast %parallel_loop3A_166 : i32 to index
          %parallel_loop3A_336 = arith.constant 112 : index
          %parallel_loop3A_337 = tpu.vector_load %arg12[%parallel_loop3A_335, %parallel_loop3A_336] {strides = array<i32>} : memref<80x128xf32, #tpu.memory_space<vmem>>, vector<1x16xf32>,
          %parallel_loop3A_338 = vector.shape_cast %parallel_loop3A_337 : vector<1x16xf32> to vector<16xf32>
          %parallel_loop3A_339 = arith.index_cast %parallel_loop3A_166 : i32 to index
          %parallel_loop3A_340 = arith.constant 112 : index
          %parallel_loop3A_341 = tpu.vector_load %arg13[%parallel_loop3A_339, %parallel_loop3A_340] {strides = array<i32>} : memref<80x128xf32, #tpu.memory_space<vmem>>, vector<1x16xf32>,
          %parallel_loop3A_342 = vector.shape_cast %parallel_loop3A_341 : vector<1x16xf32> to vector<16xf32>
          %parallel_loop3A_343 = arith.addf %parallel_loop3A_338, %parallel_loop3A_342 : vector<16xf32>
          %parallel_loop3A_344 = arith.constant 5.000000e-01 : f32
          %parallel_loop3A_345 = vector.broadcast %parallel_loop3A_344 : f32 to vector<16xf32>
          %parallel_loop3A_346 = arith.mulf %parallel_loop3A_343, %parallel_loop3A_345 : vector<16xf32>
          %parallel_loop3A_347 = arith.index_cast %parallel_loop3A_166 : i32 to index
          %parallel_loop3A_348 = arith.constant 240 : index
          %parallel_loop3A_349 = tpu.vector_load %arg15[%parallel_loop3A_347, %parallel_loop3A_348] {strides = array<i32>} : memref<80x384xf32, #tpu.memory_space<vmem>>, vector<1x16xf32>,
          %parallel_loop3A_350 = vector.shape_cast %parallel_loop3A_349 : vector<1x16xf32> to vector<16xf32>
          %parallel_loop3A_351 = vector.shape_cast %parallel_loop3A_346 : vector<16xf32> to vector<1x16xf32>
          tpu.vector_store %arg15[%parallel_loop3A_347, %parallel_loop3A_348], %parallel_loop3A_351 {strides = array<i32>} : memref<80x384xf32, #tpu.memory_space<vmem>>, vector<1x16xf32>,
          %parallel_loop3A_352 = arith.subf %parallel_loop3A_338, %parallel_loop3A_342 : vector<16xf32>
          %parallel_loop3A_353 = math.absf %parallel_loop3A_352 : vector<16xf32>
          %parallel_loop3A_354 = arith.index_cast %parallel_loop3A_166 : i32 to index
          %parallel_loop3A_355 = arith.constant 368 : index
          %parallel_loop3A_356 = tpu.vector_load %arg15[%parallel_loop3A_354, %parallel_loop3A_355] {strides = array<i32>} : memref<80x384xf32, #tpu.memory_space<vmem>>, vector<1x16xf32>,
          %parallel_loop3A_357 = vector.shape_cast %parallel_loop3A_356 : vector<1x16xf32> to vector<16xf32>
          %parallel_loop3A_358 = vector.shape_cast %parallel_loop3A_353 : vector<16xf32> to vector<1x16xf32>
          tpu.vector_store %arg15[%parallel_loop3A_354, %parallel_loop3A_355], %parallel_loop3A_358 {strides = array<i32>} : memref<80x384xf32, #tpu.memory_space<vmem>>, vector<1x16xf32>,
        } {sc.loop_unroll_factor = 4 : i64, sc.parallel_access}
        %dma_wait3A_153 = arith.constant 0 : i32
        %dma_wait3A_154 = arith.constant 0 : i32
        %dma_wait3A_155 = tpu.memref_slice %arg15[%dma_wait3A_153, %dma_wait3A_154] : memref<80x384xf32, #tpu.memory_space<vmem>> -> memref<80x128xf32, #tpu.memory_space<vmem>>
        %dma_wait3A_156 = arith.constant 0 : i32
        %dma_wait3A_157 = tpu.memref_slice %arg4[%mul3A_145, %dma_wait3A_156] : memref<300000x128xf32, #tpu.memory_space<hbm>> -> memref<80x128xf32, #tpu.memory_space<hbm>>
        %dma_wait3A_158 = arith.constant 0 : i32
        %dma_wait3A_159 = arith.constant 0 : i32
        %dma_wait3A_160 = tpu.memref_slice %arg15[%dma_wait3A_158, %dma_wait3A_159] : memref<80x384xf32, #tpu.memory_space<vmem>> -> memref<80x128xf32, #tpu.memory_space<vmem>>
        %dma_wait3A_161 = arith.constant 0 : i32
        %dma_wait3A_162 = tpu.memref_slice %arg4[%mul3A_145, %dma_wait3A_161] : memref<300000x128xf32, #tpu.memory_space<hbm>> -> memref<80x128xf32, #tpu.memory_space<hbm>>
        tpu.wait_dma2 semaphore(%arg19 : memref<!tpu.dma_semaphore, #tpu.memory_space<semaphore_mem>>) src(%dma_wait3A_162 : memref<80x128xf32, #tpu.memory_space<hbm>>) dst(%dma_wait3A_160 : memref<80x128xf32, #tpu.memory_space<vmem>>)
        %dma_start3A = arith.constant 0 : i32
        %dma_start3A_163 = tpu.memref_slice %arg5[%mul3A_145, %dma_start3A] : memref<300000x384xf32, #tpu.memory_space<hbm>> -> memref<80x384xf32, #tpu.memory_space<hbm>>
        %dma_start3A_164 = arith.constant 0 : i32
        %dma_start3A_165 = tpu.memref_slice %arg5[%mul3A_145, %dma_start3A_164] : memref<300000x384xf32, #tpu.memory_space<hbm>> -> memref<80x384xf32, #tpu.memory_space<hbm>>
        tpu.enqueue_dma source(%arg15 : memref<80x384xf32, #tpu.memory_space<vmem>>) target(%dma_start3A_165 : memref<80x384xf32, #tpu.memory_space<hbm>>) target_semaphore(%arg21 : memref<!tpu.dma_semaphore, #tpu.memory_space<semaphore_mem>>)
      } else {
      }
      %add3A_76 = arith.constant 3 : i32
      %add3A_77 = arith.addi %mul3A_47, %add3A_76 : i32
      %mul3A_78 = arith.constant 32 : i32
      %mul3A_79 = arith.muli %add3A_77, %mul3A_78 : i32
      %add3A_80 = arith.addi %add3A, %mul3A_79 : i32
      %lt3A_81 = arith.constant 3750 : i32
      %lt3A_82 = arith.cmpi slt, %add3A_80, %lt3A_81 : i32
      %convert_element_type3A_83 = arith.extui %lt3A_82 : i1 to i32
      %cond3A_84 = arith.constant 0 : i32
      %cond3A_85 = arith.cmpi ne, %convert_element_type3A_83, %cond3A_84 : i32
      scf.if %cond3A_85 {
        %mul3A_144 = arith.constant 80 : i32
        %mul3A_145 = arith.muli %add3A_80, %mul3A_144 : i32
        %dma_start3A = tpu.memref_slice %arg2[%mul3A_145] : memref<600000xi32, #tpu.memory_space<hbm>> -> memref<80xi32, #tpu.memory_space<hbm>>
        %dma_start3A_146 = tpu.memref_slice %arg2[%mul3A_145] : memref<600000xi32, #tpu.memory_space<hbm>> -> memref<80xi32, #tpu.memory_space<hbm>>
        tpu.enqueue_dma source(%dma_start3A_146 : memref<80xi32, #tpu.memory_space<hbm>>) target(%arg8 : memref<80xi32, #tpu.memory_space<vmem>>) target_semaphore(%arg23 : memref<!tpu.dma_semaphore, #tpu.memory_space<semaphore_mem>>)
        %add3A_147 = arith.constant 300000 : i32
        %add3A_148 = arith.addi %add3A_147, %mul3A_145 : i32
        %dma_start3A_149 = tpu.memref_slice %arg2[%add3A_148] : memref<600000xi32, #tpu.memory_space<hbm>> -> memref<80xi32, #tpu.memory_space<hbm>>
        %dma_start3A_150 = tpu.memref_slice %arg2[%add3A_148] : memref<600000xi32, #tpu.memory_space<hbm>> -> memref<80xi32, #tpu.memory_space<hbm>>
        tpu.enqueue_dma source(%dma_start3A_150 : memref<80xi32, #tpu.memory_space<hbm>>) target(%arg9 : memref<80xi32, #tpu.memory_space<vmem>>) target_semaphore(%arg23 : memref<!tpu.dma_semaphore, #tpu.memory_space<semaphore_mem>>)
      } else {
      }
      %add3A_86 = arith.constant 2 : i32
      %add3A_87 = arith.addi %mul3A_47, %add3A_86 : i32
      %mul3A_88 = arith.constant 32 : i32
      %mul3A_89 = arith.muli %add3A_87, %mul3A_88 : i32
      %add3A_90 = arith.addi %add3A, %mul3A_89 : i32
      %lt3A_91 = arith.constant 3750 : i32
      %lt3A_92 = arith.cmpi slt, %add3A_90, %lt3A_91 : i32
      %convert_element_type3A_93 = arith.extui %lt3A_92 : i1 to i32
      %cond3A_94 = arith.constant 0 : i32
      %cond3A_95 = arith.cmpi ne, %convert_element_type3A_93, %cond3A_94 : i32
      scf.if %cond3A_95 {
        %mul3A_144 = arith.constant 80 : i32
        %mul3A_145 = arith.muli %add3A_90, %mul3A_144 : i32
        %dma_wait3A = tpu.memref_slice %arg2[%mul3A_145] : memref<600000xi32, #tpu.memory_space<hbm>> -> memref<80xi32, #tpu.memory_space<hbm>>
        %dma_wait3A_146 = tpu.memref_slice %arg2[%mul3A_145] : memref<600000xi32, #tpu.memory_space<hbm>> -> memref<80xi32, #tpu.memory_space<hbm>>
        tpu.wait_dma2 semaphore(%arg22 : memref<!tpu.dma_semaphore, #tpu.memory_space<semaphore_mem>>) src(%dma_wait3A_146 : memref<80xi32, #tpu.memory_space<hbm>>) dst(%arg6 : memref<80xi32, #tpu.memory_space<vmem>>)
        %add3A_147 = arith.constant 300000 : i32
        %add3A_148 = arith.addi %add3A_147, %mul3A_145 : i32
        %dma_wait3A_149 = tpu.memref_slice %arg2[%add3A_148] : memref<600000xi32, #tpu.memory_space<hbm>> -> memref<80xi32, #tpu.memory_space<hbm>>
        %dma_wait3A_150 = tpu.memref_slice %arg2[%add3A_148] : memref<600000xi32, #tpu.memory_space<hbm>> -> memref<80xi32, #tpu.memory_space<hbm>>
        tpu.wait_dma2 semaphore(%arg22 : memref<!tpu.dma_semaphore, #tpu.memory_space<semaphore_mem>>) src(%dma_wait3A_150 : memref<80xi32, #tpu.memory_space<hbm>>) dst(%arg7 : memref<80xi32, #tpu.memory_space<vmem>>)
        %dma_start3A = arith.constant 0 : i32
        %dma_start3A_151 = arith.constant 0 : i32
        %dma_start3A_152 = tpu.memref_slice %arg3[%dma_start3A, %dma_start3A_151] : memref<100000x128xf32, #tpu.memory_space<hbm>> -> memref<100000x128xf32, #tpu.memory_space<hbm>>
        tpu.enqueue_indirect_dma source(%dma_start3A_152 : memref<100000x128xf32, #tpu.memory_space<hbm>>) target(%arg10 : memref<80x128xf32, #tpu.memory_space<vmem>>) offsets(%arg6 : memref<80xi32, #tpu.memory_space<vmem>>) semaphore(%arg16 : memref<!tpu.dma_semaphore, #tpu.memory_space<semaphore_mem>>)
        %dma_start3A_153 = arith.constant 0 : i32
        %dma_start3A_154 = arith.constant 0 : i32
        %dma_start3A_155 = tpu.memref_slice %arg3[%dma_start3A_153, %dma_start3A_154] : memref<100000x128xf32, #tpu.memory_space<hbm>> -> memref<100000x128xf32, #tpu.memory_space<hbm>>
        tpu.enqueue_indirect_dma source(%dma_start3A_155 : memref<100000x128xf32, #tpu.memory_space<hbm>>) target(%arg11 : memref<80x128xf32, #tpu.memory_space<vmem>>) offsets(%arg7 : memref<80xi32, #tpu.memory_space<vmem>>) semaphore(%arg16 : memref<!tpu.dma_semaphore, #tpu.memory_space<semaphore_mem>>)
      } else {
      }
      %mul3A_96 = arith.constant 32 : i32
      %mul3A_97 = arith.muli %mul3A_47, %mul3A_96 : i32
      %add3A_98 = arith.addi %add3A, %mul3A_97 : i32
      %lt3A_99 = arith.constant 3750 : i32
      %lt3A_100 = arith.cmpi slt, %add3A_98, %lt3A_99 : i32
      %convert_element_type3A_101 = arith.extui %lt3A_100 : i1 to i32
      %cond3A_102 = arith.constant 0 : i32
      %cond3A_103 = arith.cmpi ne, %convert_element_type3A_101, %cond3A_102 : i32
      scf.if %cond3A_103 {
        %mul3A_144 = arith.constant 80 : i32
        %mul3A_145 = arith.muli %add3A_98, %mul3A_144 : i32
        %dma_wait3A = arith.constant 0 : i32
        %dma_wait3A_146 = tpu.memref_slice %arg5[%mul3A_145, %dma_wait3A] : memref<300000x384xf32, #tpu.memory_space<hbm>> -> memref<80x384xf32, #tpu.memory_space<hbm>>
        %dma_wait3A_147 = arith.constant 0 : i32
        %dma_wait3A_148 = tpu.memref_slice %arg5[%mul3A_145, %dma_wait3A_147] : memref<300000x384xf32, #tpu.memory_space<hbm>> -> memref<80x384xf32, #tpu.memory_space<hbm>>
        tpu.wait_dma2 semaphore(%arg20 : memref<!tpu.dma_semaphore, #tpu.memory_space<semaphore_mem>>) src(%arg14 : memref<80x384xf32, #tpu.memory_space<vmem>>) dst(%dma_wait3A_148 : memref<80x384xf32, #tpu.memory_space<hbm>>)
      } else {
      }
      %add3A_104 = arith.constant 2 : i32
      %add3A_105 = arith.addi %mul3A_47, %add3A_104 : i32
      %mul3A_106 = arith.constant 32 : i32
      %mul3A_107 = arith.muli %add3A_105, %mul3A_106 : i32
      %add3A_108 = arith.addi %add3A, %mul3A_107 : i32
      %lt3A_109 = arith.constant 3750 : i32
      %lt3A_110 = arith.cmpi slt, %add3A_108, %lt3A_109 : i32
      %convert_element_type3A_111 = arith.extui %lt3A_110 : i1 to i32
      %cond3A_112 = arith.constant 0 : i32
      %cond3A_113 = arith.cmpi ne, %convert_element_type3A_111, %cond3A_112 : i32
      scf.if %cond3A_113 {
        %mul3A_144 = arith.constant 80 : i32
        %mul3A_145 = arith.muli %add3A_108, %mul3A_144 : i32
        %dma_start3A = arith.constant 0 : i32
        %dma_start3A_146 = arith.constant 0 : i32
        %dma_start3A_147 = tpu.memref_slice %arg14[%dma_start3A, %dma_start3A_146] : memref<80x384xf32, #tpu.memory_space<vmem>> -> memref<80x128xf32, #tpu.memory_space<vmem>>
        %dma_start3A_148 = arith.constant 0 : i32
        %dma_start3A_149 = tpu.memref_slice %arg4[%mul3A_145, %dma_start3A_148] : memref<300000x128xf32, #tpu.memory_space<hbm>> -> memref<80x128xf32, #tpu.memory_space<hbm>>
        %dma_start3A_150 = arith.constant 0 : i32
        %dma_start3A_151 = arith.constant 0 : i32
        %dma_start3A_152 = tpu.memref_slice %arg14[%dma_start3A_150, %dma_start3A_151] : memref<80x384xf32, #tpu.memory_space<vmem>> -> memref<80x128xf32, #tpu.memory_space<vmem>>
        %dma_start3A_153 = arith.constant 0 : i32
        %dma_start3A_154 = tpu.memref_slice %arg4[%mul3A_145, %dma_start3A_153] : memref<300000x128xf32, #tpu.memory_space<hbm>> -> memref<80x128xf32, #tpu.memory_space<hbm>>
        tpu.enqueue_dma source(%dma_start3A_154 : memref<80x128xf32, #tpu.memory_space<hbm>>) target(%dma_start3A_152 : memref<80x128xf32, #tpu.memory_space<vmem>>) target_semaphore(%arg18 : memref<!tpu.dma_semaphore, #tpu.memory_space<semaphore_mem>>)
      } else {
      }
      %add3A_114 = arith.constant 3 : i32
      %add3A_115 = arith.addi %mul3A_47, %add3A_114 : i32
      %mul3A_116 = arith.constant 32 : i32
      %mul3A_117 = arith.muli %add3A_115, %mul3A_116 : i32
      %add3A_118 = arith.addi %add3A, %mul3A_117 : i32
      %lt3A_119 = arith.constant 3750 : i32
      %lt3A_120 = arith.cmpi slt, %add3A_118, %lt3A_119 : i32
      %convert_element_type3A_121 = arith.extui %lt3A_120 : i1 to i32
      %cond3A_122 = arith.constant 0 : i32
      %cond3A_123 = arith.cmpi ne, %convert_element_type3A_121, %cond3A_122 : i32
      scf.if %cond3A_123 {
        %mul3A_144 = arith.constant 80 : i32
        %mul3A_145 = arith.muli %add3A_118, %mul3A_144 : i32
        %dma_wait3A = tpu.memref_slice %arg2[%mul3A_145] : memref<600000xi32, #tpu.memory_space<hbm>> -> memref<80xi32, #tpu.memory_space<hbm>>
        %dma_wait3A_146 = tpu.memref_slice %arg2[%mul3A_145] : memref<600000xi32, #tpu.memory_space<hbm>> -> memref<80xi32, #tpu.memory_space<hbm>>
        tpu.wait_dma2 semaphore(%arg23 : memref<!tpu.dma_semaphore, #tpu.memory_space<semaphore_mem>>) src(%dma_wait3A_146 : memref<80xi32, #tpu.memory_space<hbm>>) dst(%arg8 : memref<80xi32, #tpu.memory_space<vmem>>)
        %add3A_147 = arith.constant 300000 : i32
        %add3A_148 = arith.addi %add3A_147, %mul3A_145 : i32
        %dma_wait3A_149 = tpu.memref_slice %arg2[%add3A_148] : memref<600000xi32, #tpu.memory_space<hbm>> -> memref<80xi32, #tpu.memory_space<hbm>>
        %dma_wait3A_150 = tpu.memref_slice %arg2[%add3A_148] : memref<600000xi32, #tpu.memory_space<hbm>> -> memref<80xi32, #tpu.memory_space<hbm>>
        tpu.wait_dma2 semaphore(%arg23 : memref<!tpu.dma_semaphore, #tpu.memory_space<semaphore_mem>>) src(%dma_wait3A_150 : memref<80xi32, #tpu.memory_space<hbm>>) dst(%arg9 : memref<80xi32, #tpu.memory_space<vmem>>)
        %dma_start3A = arith.constant 0 : i32
        %dma_start3A_151 = arith.constant 0 : i32
        %dma_start3A_152 = tpu.memref_slice %arg3[%dma_start3A, %dma_start3A_151] : memref<100000x128xf32, #tpu.memory_space<hbm>> -> memref<100000x128xf32, #tpu.memory_space<hbm>>
        tpu.enqueue_indirect_dma source(%dma_start3A_152 : memref<100000x128xf32, #tpu.memory_space<hbm>>) target(%arg12 : memref<80x128xf32, #tpu.memory_space<vmem>>) offsets(%arg8 : memref<80xi32, #tpu.memory_space<vmem>>) semaphore(%arg17 : memref<!tpu.dma_semaphore, #tpu.memory_space<semaphore_mem>>)
        %dma_start3A_153 = arith.constant 0 : i32
        %dma_start3A_154 = arith.constant 0 : i32
        %dma_start3A_155 = tpu.memref_slice %arg3[%dma_start3A_153, %dma_start3A_154] : memref<100000x128xf32, #tpu.memory_space<hbm>> -> memref<100000x128xf32, #tpu.memory_space<hbm>>
        tpu.enqueue_indirect_dma source(%dma_start3A_155 : memref<100000x128xf32, #tpu.memory_space<hbm>>) target(%arg13 : memref<80x128xf32, #tpu.memory_space<vmem>>) offsets(%arg9 : memref<80xi32, #tpu.memory_space<vmem>>) semaphore(%arg17 : memref<!tpu.dma_semaphore, #tpu.memory_space<semaphore_mem>>)
      } else {
      }
      %add3A_124 = arith.constant 1 : i32
      %add3A_125 = arith.addi %mul3A_47, %add3A_124 : i32
      %mul3A_126 = arith.constant 32 : i32
      %mul3A_127 = arith.muli %add3A_125, %mul3A_126 : i32
      %add3A_128 = arith.addi %add3A, %mul3A_127 : i32
      %lt3A_129 = arith.constant 3750 : i32
      %lt3A_130 = arith.cmpi slt, %add3A_128, %lt3A_129 : i32
      %convert_element_type3A_131 = arith.extui %lt3A_130 : i1 to i32
      %cond3A_132 = arith.constant 0 : i32
      %cond3A_133 = arith.cmpi ne, %convert_element_type3A_131, %cond3A_132 : i32
      scf.if %cond3A_133 {
        %mul3A_144 = arith.constant 80 : i32
        %mul3A_145 = arith.muli %add3A_128, %mul3A_144 : i32
        %dma_wait3A = arith.constant 0 : i32
        %dma_wait3A_146 = tpu.memref_slice %arg5[%mul3A_145, %dma_wait3A] : memref<300000x384xf32, #tpu.memory_space<hbm>> -> memref<80x384xf32, #tpu.memory_space<hbm>>
        %dma_wait3A_147 = arith.constant 0 : i32
        %dma_wait3A_148 = tpu.memref_slice %arg5[%mul3A_145, %dma_wait3A_147] : memref<300000x384xf32, #tpu.memory_space<hbm>> -> memref<80x384xf32, #tpu.memory_space<hbm>>
        tpu.wait_dma2 semaphore(%arg21 : memref<!tpu.dma_semaphore, #tpu.memory_space<semaphore_mem>>) src(%arg15 : memref<80x384xf32, #tpu.memory_space<vmem>>) dst(%dma_wait3A_148 : memref<80x384xf32, #tpu.memory_space<hbm>>)
      } else {
      }
      %add3A_134 = arith.constant 3 : i32
      %add3A_135 = arith.addi %mul3A_47, %add3A_134 : i32
      %mul3A_136 = arith.constant 32 : i32
      %mul3A_137 = arith.muli %add3A_135, %mul3A_136 : i32
      %add3A_138 = arith.addi %add3A, %mul3A_137 : i32
      %lt3A_139 = arith.constant 3750 : i32
      %lt3A_140 = arith.cmpi slt, %add3A_138, %lt3A_139 : i32
      %convert_element_type3A_141 = arith.extui %lt3A_140 : i1 to i32
      %cond3A_142 = arith.constant 0 : i32
      %cond3A_143 = arith.cmpi ne, %convert_element_type3A_141, %cond3A_142 : i32
      scf.if %cond3A_143 {
        %mul3A_144 = arith.constant 80 : i32
        %mul3A_145 = arith.muli %add3A_138, %mul3A_144 : i32
        %dma_start3A = arith.constant 0 : i32
        %dma_start3A_146 = arith.constant 0 : i32
        %dma_start3A_147 = tpu.memref_slice %arg15[%dma_start3A, %dma_start3A_146] : memref<80x384xf32, #tpu.memory_space<vmem>> -> memref<80x128xf32, #tpu.memory_space<vmem>>
        %dma_start3A_148 = arith.constant 0 : i32
        %dma_start3A_149 = tpu.memref_slice %arg4[%mul3A_145, %dma_start3A_148] : memref<300000x128xf32, #tpu.memory_space<hbm>> -> memref<80x128xf32, #tpu.memory_space<hbm>>
        %dma_start3A_150 = arith.constant 0 : i32
        %dma_start3A_151 = arith.constant 0 : i32
        %dma_start3A_152 = tpu.memref_slice %arg15[%dma_start3A_150, %dma_start3A_151] : memref<80x384xf32, #tpu.memory_space<vmem>> -> memref<80x128xf32, #tpu.memory_space<vmem>>
        %dma_start3A_153 = arith.constant 0 : i32
        %dma_start3A_154 = tpu.memref_slice %arg4[%mul3A_145, %dma_start3A_153] : memref<300000x128xf32, #tpu.memory_space<hbm>> -> memref<80x128xf32, #tpu.memory_space<hbm>>
        tpu.enqueue_dma source(%dma_start3A_154 : memref<80x128xf32, #tpu.memory_space<hbm>>) target(%dma_start3A_152 : memref<80x128xf32, #tpu.memory_space<vmem>>) target_semaphore(%arg19 : memref<!tpu.dma_semaphore, #tpu.memory_space<semaphore_mem>>)
      } else {
      }
    }
    %scan3A_44 = arith.constant 59 : i32
    return
  }
}

</mosaic_0001>

<sc_bundles>
// kernel: kernel.3.cloned.1.call-start
scs
__scs_entry_jumppad:
0x0: {  	(pc) =	sbr.rel $0x88, $3  }
0x1: {  	(tag) =	ssettag $0x0;
	lr =	simm.s32 $0x1  }
0x2: {  	[smem:$0x3F9E] =	sst lr;
	_ =	strace $0xD0000000  }
0x3: {  	_ = 	snop  }
0x4: {  	_ = 	snop  }
0x5: {  	_ = 	snop  }
0x6: {  	_ = 	snop  }
0x7: {  	_ = 	snop  }
__scs_overlays_trampoline_lowered:
0x8: {  	[smem:$0x3FAD] =	sst s0  }
0x9: {  	[smem:$0x3FAE] =	sst s1  }
0xa: {  	[smem:$0x3FAF] =	sst s2  }
0xb: {  	[smem:$0x3FB0] =	sst s3  }
0xc: {  	[smem:$0x3FB1] =	sst s4  }
0xd: {  	[smem:$0x3FB2] =	sst s5  }
0xe: {  	[smem:$0x3FB3] =	sst s6  }
0xf: {  	[smem:$0x3FB4] =	sst s7  }
0x10: {  	[smem:$0x3FB5] =	sst s8  }
0x11: {  	[smem:$0x3FB6] =	sst s9;
	s0 =	simm.s32 @!p0 $0x0  }
0x12: {  	s1 =	sld [smem:$0x3F9C];
	s0 =	simm.s32 @p0 $0x1  }
0x13: {  	[smem:$0x3FB7] =	sst s0;
	s0 =	simm.s32 @!p1 $0x0  }
0x14: {  	s2 =	sld [smem:$0x3F9B];
	s0 =	simm.s32 @p1 $0x1  }
0x15: {  	[smem:$0x3FB8] =	sst s0;
	s0 =	simm.s32 @!p2 $0x0  }
0x16: {  	s3 =	sld [smem:$0x3FDB];
	s0 =	simm.s32 @p2 $0x1  }
0x17: {  	s4 =	simm.s32 $0x1BF5;
	[smem:$0x3FBA] =	sst s0  }
0x18: {  	s0 =	sld [smem:$0x3F9D];
	_ =	swait.ge [sflag:s4], $0x0  }
0x19: {  	s7 =	sld [smem:$0x3F9E]  }
0x1a: {  	s8 =	sadd.s32 $0xFFFFE003, lr  }
0x1b: {  	s9 =	sadd.s32 $0xFFFFFEF7, lr;
	s5 =	simm.s32 $0xFFFFFFFF;
	p2 =	slt.u32 s8, $0xFFFFF086  }
0x1c: {  	p1 =	slt.u32 s9, $0xF7A;
	s5 =	simm.s32 @!p2 $0x0  }
0x1d: {  	s5 =	simm.s32 @p1 $0x1;
	p0 =	seq.s32 s7, s2  }
0x1e: {  	s7 =	smul.u32 @!p0 $0xF7A, s2;
	p2 =	seq.s32 @!p0 s5, $0x0  }
0x1f: {  	s9 =	smul.u32 $0xF7A, s1;
	s8 =	simm.s32 @!p0 $0x1BF5;
	p2 =	por !p2, p0  }
0x20: {  	[sflag:s8] =	ssyncset.s32 @!p0 $0xFFFFF086;
	s6 =	sadd.s32 @!p0 s3, s7;
	s7 =	simm.s32 @!p0 $0x108  }
0x21: {  	s3 =	sadd.s32 s3, s9;
	s6 =	sadd.s32 @!p0 $0x88, s6;
	s7 =	simm.s32 @p2 $0x1082  }
0x22: {  	[simem:s7], [sflag:s8] =	dma.local @!p0 [hbm:s6], $0xF7A  }
0x23: {  	s9 =	sor.u32 $0xD0000000, s2;
	s6 =	simm.s32 $0x108;
	_ =	swait.ge @!p0 [sflag:s8], $0x0  }
0x24: {  	s3 =	sadd.s32 $0x88, s3;
	s6 =	simm.s32 @!p1 $0x1082;
	[sflag:s4] =	ssyncset.s32 $0xFFFFF086  }
0x25: {  	[simem:s6], [sflag:s4] =	dma.local [hbm:s3], $0xF7A  }
0x26: {  	[smem:$0x3F9E] =	sst s1;
	(tag) =	ssettag s2;
	_ =	strace s9  }
0x27: {  	s1 =	sld [smem:$0x3FAE]  }
0x28: {  	s2 =	sld [smem:$0x3FAF]  }
0x29: {  	s4 =	sld [smem:$0x3FB1]  }
0x2a: {  	p0 =	seq.s32 s5, $0x0;
	s5 =	sld [smem:$0x3FB2]  }
0x2b: {  	s6 =	sld [smem:$0x3FB3]  }
0x2c: {  	s7 =	sld [smem:$0x3FB4]  }
0x2d: {  	s3 =	simm.s32 $0x108;
	s8 =	sld [smem:$0x3FB5]  }
0x2e: {  	s3 =	simm.s32 @!p0 $0x1082;
	s9 =	sld [smem:$0x3FB6]  }
0x2f: {  	lr =	sadd.s32 s0, s3;
	s0 =	sld [smem:$0x3FAD]  }
0x30: {  	s3 =	sld [smem:$0x3FB0]  }
0x31: {  	[smem:$0x3FB9] =	sst s10  }
0x32: {  	s10 =	sld [smem:$0x3FB7];
	_ =	sdelay $0x3  }
0x33: {  	p0 =	seq.s32 s10, $0x1;
	s10 =	sld [smem:$0x3FB9];
	_ =	sdelay $0x3  }
0x34: {  	[smem:$0x3FB9] =	sst s10  }
0x35: {  	s10 =	sld [smem:$0x3FB8];
	_ =	sdelay $0x3  }
0x36: {  	p1 =	seq.s32 s10, $0x1;
	s10 =	sld [smem:$0x3FB9];
	_ =	sdelay $0x3  }
0x37: {  	[smem:$0x3FB9] =	sst s10  }
0x38: {  	s10 =	sld [smem:$0x3FBA]  }
0x39: {  	_ = 	snop;
	(pc) =	sbr.ind lr, $3  }
0x3a: {  	_ = 	snop  }
0x3b: {  	_ = 	snop  }
0x3c: {  	p2 =	seq.s32 s10, $0x1;
	s10 =	sld [smem:$0x3FB9]  }
0x3d: {  	_ =	shalt  }
0x3e: {  	_ =	shalt  }
0x3f: {  	_ =	shalt  }
0x40: {  	_ =	shalt  }
0x41: {  	_ =	shalt  }
0x42: {  	_ =	shalt  }
0x43: {  	_ =	shalt  }
0x44: {  	_ =	shalt  }
0x45: {  	_ =	shalt  }
0x46: {  	_ =	shalt  }
0x47: {  	_ =	shalt  }
0x48: {  	_ =	shalt  }
0x49: {  	_ =	shalt  }
0x4a: {  	_ =	shalt  }
0x4b: {  	_ =	shalt  }
0x4c: {  	_ =	shalt  }
0x4d: {  	_ =	shalt  }
0x4e: {  	_ =	shalt  }
0x4f: {  	_ =	shalt  }
0x50: {  	_ =	shalt  }
0x51: {  	_ =	shalt  }
0x52: {  	_ =	shalt  }
0x53: {  	_ =	shalt  }
0x54: {  	_ =	shalt  }
0x55: {  	_ =	shalt  }
0x56: {  	_ =	shalt  }
0x57: {  	_ =	shalt  }
0x58: {  	_ =	shalt  }
0x59: {  	_ =	shalt  }
0x5a: {  	_ =	shalt  }
0x5b: {  	_ =	shalt  }
0x5c: {  	_ =	shalt  }
0x5d: {  	_ =	shalt  }
0x5e: {  	_ =	shalt  }
0x5f: {  	_ =	shalt  }
0x60: {  	_ =	shalt  }
0x61: {  	_ =	shalt  }
0x62: {  	_ =	shalt  }
0x63: {  	_ =	shalt  }
0x64: {  	_ =	shalt  }
0x65: {  	_ =	shalt  }
0x66: {  	_ =	shalt  }
0x67: {  	_ =	shalt  }
0x68: {  	_ =	shalt  }
0x69: {  	_ =	shalt  }
0x6a: {  	_ =	shalt  }
0x6b: {  	_ =	shalt  }
0x6c: {  	_ =	shalt  }
0x6d: {  	_ =	shalt  }
0x6e: {  	_ =	shalt  }
0x6f: {  	_ =	shalt  }
0x70: {  	_ =	shalt  }
0x71: {  	_ =	shalt  }
0x72: {  	_ =	shalt  }
0x73: {  	_ =	shalt  }
0x74: {  	_ =	shalt  }
0x75: {  	_ =	shalt  }
0x76: {  	_ =	shalt  }
0x77: {  	_ =	shalt  }
0x78: {  	_ =	shalt  }
0x79: {  	_ =	shalt  }
0x7a: {  	_ =	shalt  }
0x7b: {  	_ =	shalt  }
0x7c: {  	_ =	shalt  }
0x7d: {  	_ =	shalt  }
0x7e: {  	_ =	shalt  }
0x7f: {  	_ =	shalt  }
0x80: {  	_ =	shalt  }
0x81: {  	_ =	shalt  }
0x82: {  	_ =	shalt  }
0x83: {  	_ =	shalt  }
0x84: {  	_ =	shalt  }
0x85: {  	_ =	shalt  }
0x86: {  	_ =	shalt  }
0x87: {  	_ =	shalt  }
.Lfunc_end0:
.L_simem_size_0:
called_computation_lowered:
.L_overlay_start_0:
0x88: {  	s2 =	sld [smem:$0x3FD9]  }
0x89: {  	s3 =	sld [smem:$0x3FFE];
	_ =	sdelay $0x1  }
0x8a: {  	s1 =	srdreg.scid  }
0x8b: {  	s0 =	sand.u32 $0x1, s1  }
0x8c: {  	s17 =	sshll.u32 s0, $0xA;
	s2 =	sadd.s32 s3, s2  }
0x8d: {  	s2 =	sadd.s32 s2, s17  }
0x8e: {  	[smem:$0x3FC5] =	sst s2  }
0x8f: {  	_ = 	snop  }
0x90: {  	s2 =	sld [smem:$0x3FC9]  }
0x91: {  	s18 =	sld [smem:$0x3FC8]  }
0x92: {  	s4 =	sld [smem:$0x3FD0];
	(tm) =	ssettm $0x1  }
0x93: {  	s5 =	sld [smem:$0x3FFB];
	_ =	sdelay $0x3  }
0x94: {  	_ =	strace s5  }
0x95: {  	s5 =	sld [smem:$0x3FFC];
	_ =	sdelay $0x3  }
0x96: {  	_ =	strace s5  }
0x97: {  	s5 =	sld [smem:$0x3FFD];
	_ =	sdelay $0x3  }
0x98: {  	_ =	strace s5  }
0x99: {  	_ =	strace $0x8FFFFFFF  }
0x9a: {  	s19 =	sld [smem:$0x3FDB];
	_ =	sdelay $0x1  }
0x9b: {  	s6 =	simm.s32 $_scs_section_size  }
0x9c: {  	s7 =	simm.s32 $_size__tile_overlayer_lowered;
	s8 =	simm.s32 $_tile_overlayer_lowered  }
0x9d: {  	s22 =	simm.s32 $0x1BFF;
	s21 =	sshll.u32 s8, $0x1;
	s5 =	sadd.s32 s6, s19  }
0x9e: {  	s9 =	simm.s32 $0x0;
	s20 =	sshll.u32 s7, $0x1;
	s7 =	sadd.s32 s21, s5  }
0x9f: {  	[timem:s9], [sflag:s22] =	dma.local [hbm:s7], s20  }
0xa0: {  	_ =	swait.ge [sflag:s22], s20  }
0xa1: {  	s6 =	ssub.s32 $0x0, s20;
	[sflag:s22] =	ssyncset.done $0x0  }
0xa2: {  	[sflag:s22] =	ssyncadd.s32 s6;
	_ =	sdelay $0x1  }
0xa3: {  	s23 =	simm.s32 $0x1B8B  }
0xa4: {  	_ =	swait.ge [sflag:s23], $0x1  }
0xa5: {  	[sflag:s23] =	ssyncset.done $0x0  }
0xa6: {  	s25 =	simm.s32 $0x1B8E;
	s24 =	sld [smem:$0x3FFE];
	[sflag:s23] =	ssyncadd.s32 $0xFFFFFFFF  }
0xa7: {  	s26 =	simm.s32 $execute0_lowered;
	[smem:$0x3FD2] =	sst s25  }
0xa8: {  	s7 =	sshll.u32 s26, $0x1;
	_ =	strace $0x80000046;
	[dreg:$0x1] =	wrdreg $0xFFFFFFFF  }
0xa9: {  	s28 =	simm.s32 $_size_execute0_lowered;
	s5 =	sadd.s32 s5, s7;
	[dreg:$0x0] =	wrdreg $0x0  }
0xaa: {  	s7 =	sshll.u32 s28, $0x1;
	[dreg:$0x2] =	wrdreg s5  }
0xab: {  	[dreg:$0x3] =	wrdreg s7  }
0xac: {  	[dreg:$0x4] =	wrdreg $0xC0  }
0xad: {  	_ =	task [dreg:s9], $0x5FFFF  }
0xae: {  	[dreg:$0x1] =	wrdreg $0xFFFFFFFF  }
0xaf: {  	[dreg:$0x0] =	wrdreg $0x60  }
0xb0: {  	[dreg:$0x2] =	wrdreg s24  }
0xb1: {  	[dreg:$0x3] =	wrdreg s2  }
0xb2: {  	[dreg:$0x4] =	wrdreg s18  }
0xb3: {  	[dreg:$0x5] =	wrdreg s4  }
0xb4: {  	[dreg:$0x6] =	wrdreg $0x9  }
0xb5: {  	_ =	task.clear_ibuf [dreg:s9], $0x7FFFF;
	_ =	strace $0x90000046  }
0xb6: {  	s29 =	simm.s32 $0x9;
	_ =	strace $0x80000048  }
0xb7: {  	_ =	swait.ge [sflag:s29], $0x1  }
0xb8: {  	[sflag:s29] =	ssyncadd.s32 $0xFFFFFFFF  }
0xb9: {  	_ =	strace $0x90000048  }
0xba: {  	_ =	sfence  }
0xbb: {  	s30 =	sld [smem:$0x0];
	_ =	sdelay $0x2  }
0xbc: {  	s31 =	sshll.u32 s1, $0xD;
	s1 =	sshrl.u32 s1, $0x2  }
0xbd: {  	s3 =	sand.u32 $0x4000, s31;
	s1 =	sadd.s32 s1, s30  }
0xbe: {  	s0 =	sor.u32 s3, s0;
	s1 =	sshll.u32 s1, $0x11  }
0xbf: {  	s0 =	sor.u32 s1, s0  }
0xc0: {  	s0 =	sadd.s32 $0x8F2B, s0  }
0xc1: {  	[sflag:s0] =	ssyncadd.remote.s32 $0x1  }
0xc2: {  	_ =	sfence.sel $0xFFFF  }
0xc3: {  	[dreg:$0x0] =	wrdreg $0xFFFFFFFF;
	(pc) =	sbr.abs _section_cstart, $3  }
0xc4: {  	[dreg:$0x1] =	wrdreg $0xFFFFFFFF  }
0xc5: {  	_ =	task.clear_ibuf [dreg:s9], $0x2FFFF;
	_ =	strace $0x9FFFFFFF  }
0xc6: {  	(tm) =	ssettm $0x7FFFFFFF  }
0xc7: {  	_ =	shalt  }
tec
execute0_lowered:
.L_overlay_start_1:
0x0: {  	(tag) =	ssettag $0x1  }
0x1: {  	s0 =	rddreg [dreg:$0x0]  }
0x2: {  	s7 =	rddreg [dreg:$0x2]  }
0x3: {  	s2 =	srdreg.scid;
	s1 =	stileid.u32  }
0x4: {  	s18 =	simm.s32 $0x0;
	s2 =	sand.u32 $0x1, s2;
	s3 =	sshll.u32 s1, $0x1  }
0x5: {  	[smem:$0x7FF] =	sst s18;
	s19 =	sadd.s32 $0x400, s0;
	s8 =	sor.u32 s2, s3  }
0x6: {  	s2 =	ssub.s32 $0x2, s2;
	_ =	strace $0x80000047;
	[dreg:$0x6] =	wrdreg s19  }
0x7: {  	s3 =	smul.u32 $0x50, s8;
	s4 =	sor.u32 $0x20, s8;
	s5 =	sshrl.u32 s2, $0x1  }
0x8: {  	s23 =	smul.u32 $0x500, s8;
	s30 =	sor.u32 $0x40, s8;
	[dreg:$0x5] =	wrdreg s8  }
0x9: {  	s31 =	sor.u32 $0x60, s8;
	s20 =	ssub.s32 s2, s5;
	[dreg:$0xd] =	wrdreg s30  }
0xa: {  	s25 =	smul.u32 $0x500, s4;
	[dreg:$0xe] =	wrdreg s31;
	s28 =	sadd.s32 s7, s23  }
0xb: {  	s21 =	sshrl.u32 s3, $0x3;
	s0 =	smax.u32 s20, $0x1;
	[dreg:$0xb] =	wrdreg s28  }
0xc: {  	s6 =	smul.u32 $0x50, s4;
	s24 =	sadd.s32 s19, s21;
	[dreg:$0xf] =	wrdreg s0  }
.Ltmp0:
0xd: {  	s29 =	sadd.s32 s7, s25;
	[dreg:$0x7] =	wrdreg s24;
	(pc) =	sbr.rel .LBB2_1-.Ltmp0, $4  }
0xe: {  	s22 =	sshrl.u32 s6, $0x3;
	s26 =	sadd.s32 $0x927C, s24;
	[dreg:$0xc] =	wrdreg s29  }
0xf: {  	s1 =	sadd.s32 s19, s22;
	[dreg:$0x9] =	wrdreg s26  }
0x10: {  	[dreg:$0x8] =	wrdreg s1;
	s1 =	sadd.s32 $0x927C, s1  }
0x11: {  	[dreg:$0xa] =	wrdreg s1;
	s1 =	simm.s32 $0x0  }
.LBB2_9:
0x12: {  	s1 =	rddreg [dreg:$0x10]  }
0x13: {  	s0 =	rddreg [dreg:$0xf];
	s1 =	sadd.s32 $0x1, s1  }
0x14: {  	p0 =	sne.s32 s1, s0  }
.Ltmp1:
0x15: {  	_ = 	snop;
	(pc) =	sbr.rel @!p0 .LBB2_10-.Ltmp1, $1  }
0x16: {  	_ =	sdelay $0x3  }
.LBB2_1:
0x17: {  	[dreg:$0x10] =	wrdreg s1  }
0x18: {  	s1 =	simm.s32 $0x0;
	s0 =	rddreg [dreg:$0x7]  }
0x19: {  	[tilespmem:s1], [sflag:$0x7] =	stream.linear.gather [hbm4b:s0+s1], $0x50, $0x38;
	[tilespmem:$0x19200] =	vst v63  }
0x1a: {  	s11 =	rddreg [dreg:$0x9];
	s2 =	simm.s32 $0x80  }
0x1b: {  	[tilespmem:s2], [sflag:$0x7] =	stream.linear.gather [hbm4b:s11+s1], $0x50, $0x38;
	[tilespmem:$0x19200] =	vst v63  }
0x1c: {  	s12 =	rddreg [dreg:$0x8];
	s3 =	simm.s32 $0x100  }
0x1d: {  	[tilespmem:s3], [sflag:$0x8] =	stream.linear.gather [hbm4b:s12+s1], $0x50, $0x38;
	[tilespmem:$0x19200] =	vst v63  }
0x1e: {  	s13 =	rddreg [dreg:$0xa];
	s4 =	simm.s32 $0x180;
	s14 =	simm.s32 $0x7  }
0x1f: {  	[tilespmem:s4], [sflag:$0x8] =	stream.linear.gather [hbm4b:s13+s1], $0x50, $0x38;
	[tilespmem:$0x19200] =	vst v63  }
0x20: {  	_ =	swait.ge [sflag:s14], $0x50  }
0x21: {  	[sflag:s14] =	ssyncset.done $0x0  }
0x22: {  	[sflag:s14] =	ssyncadd.s32 $0xFFFFFFB0  }
0x23: {  	_ =	swait.ge [sflag:s14], $0x50  }
0x24: {  	[sflag:s14] =	ssyncset.done $0x0  }
0x25: {  	[sflag:s14] =	ssyncadd.s32 $0xFFFFFFB0  }
0x26: {  	s5 =	simm.s32 $0x50;
	s6 =	simm.s32 $0x200;
	s0 =	rddreg [dreg:$0x1]  }
0x27: {  	[tilespmem:s6], [sflag:$0x1] =	stream.indirect.gather [hbm4b:s0+s5], $0x80, s1, s5, $0xb8;
	[tilespmem:$0x19200] =	vst v63  }
0x28: {  	s15 =	simm.s32 $0x2A00;
	s16 =	simm.s32 $0x8  }
0x29: {  	[tilespmem:s15], [sflag:$0x1] =	stream.indirect.gather [hbm4b:s0+s5], $0x80, s2, s5, $0xb8;
	[tilespmem:$0x19200] =	vst v63  }
0x2a: {  	_ =	swait.ge [sflag:s16], $0x50  }
0x2b: {  	[sflag:s16] =	ssyncset.done $0x0  }
0x2c: {  	[sflag:s16] =	ssyncadd.s32 $0xFFFFFFB0  }
0x2d: {  	_ =	swait.ge [sflag:s16], $0x50  }
0x2e: {  	[sflag:s16] =	ssyncset.done $0x0  }
0x2f: {  	s17 =	simm.s32 $0x5200;
	[sflag:s16] =	ssyncadd.s32 $0xFFFFFFB0  }
0x30: {  	[tilespmem:s17], [sflag:$0x2] =	stream.indirect.gather [hbm4b:s0+s5], $0x80, s3, s5, $0xb8;
	[tilespmem:$0x19200] =	vst v63  }
0x31: {  	s18 =	simm.s32 $0x7A00  }
0x32: {  	[tilespmem:s18], [sflag:$0x2] =	stream.indirect.gather [hbm4b:s0+s5], $0x80, s4, s5, $0xb8;
	[tilespmem:$0x19200] =	vst v63  }
0x33: {  	s20 =	simm.s32 $0xA200;
	s19 =	rddreg [dreg:$0xb]  }
0x34: {  	[tilespmem:s20], [sflag:$0x3] =	stream.linear.gather [hbm4b:s19+s1], $0x400, $0x38;
	[tilespmem:$0x19200] =	vst v63  }
0x35: {  	s22 =	simm.s32 $0xAE00;
	s21 =	sadd.s32 $0x80, s19  }
0x36: {  	[tilespmem:s22], [sflag:$0x3] =	stream.linear.gather [hbm4b:s21+s1], $0x400, $0x38;
	[tilespmem:$0x19200] =	vst v63  }
0x37: {  	s24 =	simm.s32 $0xBA00;
	s23 =	sadd.s32 $0x100, s19  }
0x38: {  	[tilespmem:s24], [sflag:$0x3] =	stream.linear.gather [hbm4b:s23+s1], $0x400, $0x38;
	[tilespmem:$0x19200] =	vst v63  }
0x39: {  	s26 =	simm.s32 $0xC600;
	s25 =	sadd.s32 $0x180, s19  }
0x3a: {  	[tilespmem:s26], [sflag:$0x3] =	stream.linear.gather [hbm4b:s25+s1], $0x400, $0x38;
	[tilespmem:$0x19200] =	vst v63  }
0x3b: {  	s29 =	simm.s32 $0xD200;
	s28 =	sadd.s32 $0x200, s19  }
0x3c: {  	[tilespmem:s29], [sflag:$0x3] =	stream.linear.gather [hbm4b:s28+s1], $0x400, $0x38;
	[tilespmem:$0x19200] =	vst v63  }
0x3d: {  	s31 =	simm.s32 $0xDE00;
	s30 =	sadd.s32 $0x280, s19  }
0x3e: {  	[tilespmem:s31], [sflag:$0x3] =	stream.linear.gather [hbm4b:s30+s1], $0x400, $0x38;
	[tilespmem:$0x19200] =	vst v63  }
0x3f: {  	s3 =	sadd.s32 $0x300, s19;
	s4 =	simm.s32 $0xEA00  }
0x40: {  	[tilespmem:s4], [sflag:$0x3] =	stream.linear.gather [hbm4b:s3+s1], $0x400, $0x38;
	[tilespmem:$0x19200] =	vst v63  }
0x41: {  	s6 =	simm.s32 $0xF600;
	s5 =	sadd.s32 $0x380, s19  }
0x42: {  	[tilespmem:s6], [sflag:$0x3] =	stream.linear.gather [hbm4b:s5+s1], $0x400, $0x38;
	[tilespmem:$0x19200] =	vst v63  }
0x43: {  	s8 =	simm.s32 $0x10200;
	s7 =	sadd.s32 $0x400, s19  }
0x44: {  	[tilespmem:s8], [sflag:$0x3] =	stream.linear.gather [hbm4b:s7+s1], $0x400, $0x38;
	[tilespmem:$0x19200] =	vst v63  }
0x45: {  	s10 =	simm.s32 $0x10E00;
	s9 =	sadd.s32 $0x480, s19  }
0x46: {  	[tilespmem:s10], [sflag:$0x3] =	stream.linear.gather [hbm4b:s9+s1], $0x400, $0x38;
	[tilespmem:$0x19200] =	vst v63  }
0x47: {  	s12 =	simm.s32 $0x11A00;
	s11 =	rddreg [dreg:$0xc]  }
0x48: {  	[tilespmem:s12], [sflag:$0x4] =	stream.linear.gather [hbm4b:s11+s1], $0x400, $0x38;
	[tilespmem:$0x19200] =	vst v63  }
0x49: {  	s14 =	simm.s32 $0x12600;
	s13 =	sadd.s32 $0x80, s11  }
0x4a: {  	[tilespmem:s14], [sflag:$0x4] =	stream.linear.gather [hbm4b:s13+s1], $0x400, $0x38;
	[tilespmem:$0x19200] =	vst v63  }
0x4b: {  	s15 =	sadd.s32 $0x100, s11;
	s16 =	simm.s32 $0x13200  }
0x4c: {  	[tilespmem:s16], [sflag:$0x4] =	stream.linear.gather [hbm4b:s15+s1], $0x400, $0x38;
	[tilespmem:$0x19200] =	vst v63  }
0x4d: {  	s17 =	sadd.s32 $0x180, s11;
	s18 =	simm.s32 $0x13E00  }
0x4e: {  	[tilespmem:s18], [sflag:$0x4] =	stream.linear.gather [hbm4b:s17+s1], $0x400, $0x38;
	[tilespmem:$0x19200] =	vst v63  }
0x4f: {  	s19 =	sadd.s32 $0x200, s11;
	s20 =	simm.s32 $0x14A00  }
0x50: {  	[tilespmem:s20], [sflag:$0x4] =	stream.linear.gather [hbm4b:s19+s1], $0x400, $0x38;
	[tilespmem:$0x19200] =	vst v63  }
0x51: {  	s21 =	sadd.s32 $0x280, s11;
	s22 =	simm.s32 $0x15600  }
0x52: {  	[tilespmem:s22], [sflag:$0x4] =	stream.linear.gather [hbm4b:s21+s1], $0x400, $0x38;
	[tilespmem:$0x19200] =	vst v63  }
0x53: {  	s23 =	sadd.s32 $0x300, s11;
	s24 =	simm.s32 $0x16200  }
0x54: {  	[tilespmem:s24], [sflag:$0x4] =	stream.linear.gather [hbm4b:s23+s1], $0x400, $0x38;
	[tilespmem:$0x19200] =	vst v63  }
0x55: {  	s25 =	sadd.s32 $0x380, s11;
	s26 =	simm.s32 $0x16E00  }
0x56: {  	[tilespmem:s26], [sflag:$0x4] =	stream.linear.gather [hbm4b:s25+s1], $0x400, $0x38;
	[tilespmem:$0x19200] =	vst v63  }
.Ltmp2:
0x57: {  	_ = 	snop;
	(pc) =	sbr.rel .LBB2_2-.Ltmp2, $4  }
0x58: {  	s28 =	sadd.s32 $0x400, s11;
	s29 =	simm.s32 $0x17A00  }
0x59: {  	[tilespmem:s29], [sflag:$0x4] =	stream.linear.gather [hbm4b:s28+s1], $0x400, $0x38;
	[tilespmem:$0x19200] =	vst v63  }
0x5a: {  	s30 =	sadd.s32 $0x480, s11;
	s31 =	simm.s32 $0x18600;
	s25 =	simm.s32 $0x0  }
0x5b: {  	[tilespmem:s31], [sflag:$0x4] =	stream.linear.gather [hbm4b:s30+s1], $0x400, $0x38;
	[tilespmem:$0x19200] =	vst v63  }
.LBB2_8:
0x5c: {  	s0 =	rddreg [dreg:$0xe]  }
0x5d: {  	s2 =	sadd.s32 s0, s26  }
0x5e: {  	p1 =	sgt.u32 s2, $0xEA5  }
0x5f: {  	s0 =	smul.u32 @!p1 $0x50, s2;
	_ =	sdelay $0x1  }
0x60: {  	s1 =	rddreg [dreg:$0x6];
	s0 =	sshrl.u32 @!p1 s0, $0x3  }
0x61: {  	s3 =	simm.s32 @!p1 $0x100;
	s1 =	sadd.s32 @!p1 s1, s0;
	s0 =	simm.s32 @!p1 $0x0  }
0x62: {  	[tilespmem:s3], [sflag:$0x8] =	stream.linear.gather @!p1 [hbm4b:s1+s0], $0x50, $0x38;
	[tilespmem:$0x19200] =	vst v63  }
0x63: {  	p2 =	slt.u32 s30, $0xEA6;
	s4 =	simm.s32 @!p1 $0x180;
	s1 =	sadd.s32 @!p1 $0x927C, s1  }
0x64: {  	[tilespmem:s4], [sflag:$0x8] =	stream.linear.gather @!p1 [hbm4b:s1+s0], $0x50, $0x38;
	[tilespmem:$0x19200] =	vst v63  }
0x65: {  	s1 =	simm.s32 @p2 $0x7  }
0x66: {  	_ =	swait.ge @p2 [sflag:s1], $0x50  }
0x67: {  	[sflag:s1] =	ssyncset.done @p2 $0x0  }
0x68: {  	[sflag:s1] =	ssyncadd.s32 @p2 $0xFFFFFFB0  }
0x69: {  	_ =	swait.ge @p2 [sflag:s1], $0x50  }
0x6a: {  	[sflag:s1] =	ssyncset.done @p2 $0x0  }
0x6b: {  	s5 =	simm.s32 @p2 $0x0;
	[sflag:s1] =	ssyncadd.s32 @p2 $0xFFFFFFB0  }
0x6c: {  	s6 =	simm.s32 @p2 $0x200;
	s1 =	simm.s32 @p2 $0x50;
	s8 =	rddreg [dreg:$0x1]  }
0x6d: {  	[tilespmem:s6], [sflag:$0x1] =	stream.indirect.gather @p2 [hbm4b:s8+s1], $0x80, s5, s1, $0xb8;
	[tilespmem:$0x19200] =	vst v63  }
0x6e: {  	s7 =	simm.s32 @p2 $0x2A00;
	s6 =	simm.s32 @p2 $0x80  }
0x6f: {  	[tilespmem:s7], [sflag:$0x1] =	stream.indirect.gather @p2 [hbm4b:s8+s1], $0x80, s6, s1, $0xb8;
	[tilespmem:$0x19200] =	vst v63  }
0x70: {  	s1 =	simm.s32 @p2 $0x5  }
0x71: {  	_ =	swait.ge @p2 [sflag:s1], $0x7800  }
0x72: {  	[sflag:s1] =	ssyncset.done @p2 $0x0  }
0x73: {  	s6 =	smul.u32 @p2 $0x500, s30;
	[sflag:s1] =	ssyncadd.s32 @p2 $0xFFFF8800  }
0x74: {  	s9 =	rddreg [dreg:$0x2]  }
0x75: {  	s1 =	sadd.s32 @p2 s9, s6;
	s6 =	simm.s32 @p2 $0xA200  }
0x76: {  	[tilespmem:s6], [sflag:$0x3] =	stream.linear.gather @p2 [hbm4b:s1+s5], $0x400, $0x38;
	[tilespmem:$0x19200] =	vst v63  }
0x77: {  	s7 =	simm.s32 @p2 $0xAE00;
	s6 =	sadd.s32 @p2 $0x80, s1  }
0x78: {  	[tilespmem:s7], [sflag:$0x3] =	stream.linear.gather @p2 [hbm4b:s6+s5], $0x400, $0x38;
	[tilespmem:$0x19200] =	vst v63  }
0x79: {  	s6 =	sadd.s32 @p2 $0x100, s1;
	s7 =	simm.s32 @p2 $0xBA00  }
0x7a: {  	[tilespmem:s7], [sflag:$0x3] =	stream.linear.gather @p2 [hbm4b:s6+s5], $0x400, $0x38;
	[tilespmem:$0x19200] =	vst v63  }
0x7b: {  	s6 =	sadd.s32 @p2 $0x180, s1;
	s7 =	simm.s32 @p2 $0xC600  }
0x7c: {  	[tilespmem:s7], [sflag:$0x3] =	stream.linear.gather @p2 [hbm4b:s6+s5], $0x400, $0x38;
	[tilespmem:$0x19200] =	vst v63  }
0x7d: {  	s6 =	sadd.s32 @p2 $0x200, s1;
	s7 =	simm.s32 @p2 $0xD200  }
0x7e: {  	[tilespmem:s7], [sflag:$0x3] =	stream.linear.gather @p2 [hbm4b:s6+s5], $0x400, $0x38;
	[tilespmem:$0x19200] =	vst v63  }
0x7f: {  	s6 =	sadd.s32 @p2 $0x280, s1;
	s7 =	simm.s32 @p2 $0xDE00  }
0x80: {  	[tilespmem:s7], [sflag:$0x3] =	stream.linear.gather @p2 [hbm4b:s6+s5], $0x400, $0x38;
	[tilespmem:$0x19200] =	vst v63  }
0x81: {  	s6 =	sadd.s32 @p2 $0x300, s1;
	s7 =	simm.s32 @p2 $0xEA00  }
0x82: {  	[tilespmem:s7], [sflag:$0x3] =	stream.linear.gather @p2 [hbm4b:s6+s5], $0x400, $0x38;
	[tilespmem:$0x19200] =	vst v63  }
0x83: {  	s6 =	sadd.s32 @p2 $0x380, s1;
	s7 =	simm.s32 @p2 $0xF600  }
0x84: {  	[tilespmem:s7], [sflag:$0x3] =	stream.linear.gather @p2 [hbm4b:s6+s5], $0x400, $0x38;
	[tilespmem:$0x19200] =	vst v63  }
0x85: {  	s6 =	sadd.s32 @p2 $0x400, s1;
	s7 =	simm.s32 @p2 $0x10200  }
0x86: {  	[tilespmem:s7], [sflag:$0x3] =	stream.linear.gather @p2 [hbm4b:s6+s5], $0x400, $0x38;
	[tilespmem:$0x19200] =	vst v63  }
0x87: {  	s1 =	sadd.s32 @p2 $0x480, s1;
	s6 =	simm.s32 @p2 $0x10E00  }
0x88: {  	[tilespmem:s6], [sflag:$0x3] =	stream.linear.gather @p2 [hbm4b:s1+s5], $0x400, $0x38;
	[tilespmem:$0x19200] =	vst v63  }
0x89: {  	s1 =	simm.s32 @!p2 $0x5  }
0x8a: {  	_ =	swait.ge @!p2 [sflag:s1], $0x7800  }
0x8b: {  	[sflag:s1] =	ssyncset.done @!p2 $0x0  }
0x8c: {  	[sflag:s1] =	ssyncadd.s32 @!p2 $0xFFFF8800;
	s1 =	simm.s32 @!p1 $0x8  }
0x8d: {  	_ =	swait.ge @!p1 [sflag:s1], $0x50  }
0x8e: {  	[sflag:s1] =	ssyncset.done @!p1 $0x0  }
0x8f: {  	[sflag:s1] =	ssyncadd.s32 @!p1 $0xFFFFFFB0  }
0x90: {  	_ =	swait.ge @!p1 [sflag:s1], $0x50  }
0x91: {  	[sflag:s1] =	ssyncset.done @!p1 $0x0  }
0x92: {  	s5 =	simm.s32 @!p1 $0x5200;
	[sflag:s1] =	ssyncadd.s32 @!p1 $0xFFFFFFB0;
	s1 =	simm.s32 @!p1 $0x50  }
0x93: {  	[tilespmem:s5], [sflag:$0x2] =	stream.indirect.gather @!p1 [hbm4b:s8+s1], $0x80, s3, s1, $0xb8;
	[tilespmem:$0x19200] =	vst v63  }
0x94: {  	s3 =	simm.s32 @!p1 $0x7A00  }
0x95: {  	[tilespmem:s3], [sflag:$0x2] =	stream.indirect.gather @!p1 [hbm4b:s8+s1], $0x80, s4, s1, $0xb8;
	[tilespmem:$0x19200] =	vst v63  }
0x96: {  	s1 =	simm.s32 @!p0 $0x6  }
0x97: {  	s2 =	smul.u32 @!p1 $0x500, s2;
	_ =	swait.ge @!p0 [sflag:s1], $0x7800  }
0x98: {  	[sflag:s1] =	ssyncset.done @!p0 $0x0  }
0x99: {  	[sflag:s1] =	ssyncadd.s32 @!p0 $0xFFFF8800;
	s1 =	sadd.s32 @!p1 s9, s2;
	s2 =	simm.s32 @!p1 $0x11A00  }
0x9a: {  	[tilespmem:s2], [sflag:$0x4] =	stream.linear.gather @!p1 [hbm4b:s1+s0], $0x400, $0x38;
	[tilespmem:$0x19200] =	vst v63  }
0x9b: {  	s3 =	simm.s32 @!p1 $0x12600;
	s2 =	sadd.s32 @!p1 $0x80, s1  }
0x9c: {  	[tilespmem:s3], [sflag:$0x4] =	stream.linear.gather @!p1 [hbm4b:s2+s0], $0x400, $0x38;
	[tilespmem:$0x19200] =	vst v63  }
0x9d: {  	s2 =	sadd.s32 @!p1 $0x100, s1;
	s3 =	simm.s32 @!p1 $0x13200  }
0x9e: {  	[tilespmem:s3], [sflag:$0x4] =	stream.linear.gather @!p1 [hbm4b:s2+s0], $0x400, $0x38;
	[tilespmem:$0x19200] =	vst v63  }
0x9f: {  	s2 =	sadd.s32 @!p1 $0x180, s1;
	s3 =	simm.s32 @!p1 $0x13E00  }
0xa0: {  	[tilespmem:s3], [sflag:$0x4] =	stream.linear.gather @!p1 [hbm4b:s2+s0], $0x400, $0x38;
	[tilespmem:$0x19200] =	vst v63  }
0xa1: {  	s2 =	sadd.s32 @!p1 $0x200, s1;
	s3 =	simm.s32 @!p1 $0x14A00  }
0xa2: {  	[tilespmem:s3], [sflag:$0x4] =	stream.linear.gather @!p1 [hbm4b:s2+s0], $0x400, $0x38;
	[tilespmem:$0x19200] =	vst v63  }
0xa3: {  	s2 =	sadd.s32 @!p1 $0x280, s1;
	s3 =	simm.s32 @!p1 $0x15600  }
0xa4: {  	[tilespmem:s3], [sflag:$0x4] =	stream.linear.gather @!p1 [hbm4b:s2+s0], $0x400, $0x38;
	[tilespmem:$0x19200] =	vst v63  }
0xa5: {  	s25 =	sadd.s32 $0x1, s25;
	s2 =	sadd.s32 @!p1 $0x300, s1;
	s3 =	simm.s32 @!p1 $0x16200  }
0xa6: {  	[tilespmem:s3], [sflag:$0x4] =	stream.linear.gather @!p1 [hbm4b:s2+s0], $0x400, $0x38;
	[tilespmem:$0x19200] =	vst v63  }
0xa7: {  	p0 =	sne.s32 s25, $0x3B;
	s2 =	sadd.s32 @!p1 $0x380, s1;
	s3 =	simm.s32 @!p1 $0x16E00  }
0xa8: {  	[tilespmem:s3], [sflag:$0x4] =	stream.linear.gather @!p1 [hbm4b:s2+s0], $0x400, $0x38;
	[tilespmem:$0x19200] =	vst v63  }
.Ltmp3:
0xa9: {  	_ = 	snop;
	(pc) =	sbr.rel @!p0 .LBB2_9-.Ltmp3, $4  }
0xaa: {  	s2 =	sadd.s32 @!p1 $0x400, s1;
	s3 =	simm.s32 @!p1 $0x17A00  }
0xab: {  	[tilespmem:s3], [sflag:$0x4] =	stream.linear.gather @!p1 [hbm4b:s2+s0], $0x400, $0x38;
	[tilespmem:$0x19200] =	vst v63  }
0xac: {  	s1 =	sadd.s32 @!p1 $0x480, s1;
	s2 =	simm.s32 @!p1 $0x18600  }
0xad: {  	[tilespmem:s2], [sflag:$0x4] =	stream.linear.gather @!p1 [hbm4b:s1+s0], $0x400, $0x38;
	[tilespmem:$0x19200] =	vst v63  }
.LBB2_2:
0xae: {  	s0 =	simm.s32 $0x1  }
0xaf: {  	_ =	swait.ge [sflag:s0], $0x2800  }
0xb0: {  	[sflag:s0] =	ssyncset.done $0x0  }
0xb1: {  	[sflag:s0] =	ssyncadd.s32 $0xFFFFD800  }
0xb2: {  	_ =	swait.ge [sflag:s0], $0x2800  }
0xb3: {  	[sflag:s0] =	ssyncset.done $0x0  }
0xb4: {  	s4 =	simm.s32 $0x300;
	[sflag:s0] =	ssyncadd.s32 $0xFFFFD800  }
0xb5: {  	s14 =	simm.s32 $0x2B00;
	v0 =	vld [tilespmem:s4+$0x80]  }
0xb6: {  	v1 =	vld [tilespmem:s14+$0x80];
	_ =	sdelay $0x2  }
0xb7: {  	s17 =	simm.s32 $0x0  }
0xb8: {  	s0 =	smul.u32 $0x3000, s17;
	v2 =	vld [tilespmem:s4+$0xFFFFFF00]  }
0xb9: {  	v3 =	vld [tilespmem:s14+$0xFFFFFF00];
	v4 =	vadd.f32 v1, v0  }
0xba: {  	s2 =	simm.s32 $0x180;
	s0 =	sshra.s32 s0, $0x2  }
0xbb: {  	s2 =	sand.u32 $0x380, s2;
	v5 =	vld [tilespmem:s4+$0xFFFFFF80];
	s5 =	sadd.s32 $0xA600, s0;
	v0 =	vsub.f32 v0, v1;
	v4 =	vmul.f32 $5.000000000e-01, v4  }
0xbc: {  	s0 =	sadd.s32 $0xAA00, s0;
	s20 =	sadd.s32 s2, s5;
	v1 =	vld [tilespmem:s14+$0xFFFFFF80]  }
0xbd: {  	v6 =	vld [tilespmem:s4+$0x0];
	s13 =	sadd.s32 s2, s0;
	v0 =	vand.u32 $0x7FFFFFFF, v0;
	[tilespmem:s20+$0x0] =	vst v4  }
0xbe: {  	v7 =	vadd.f32 v3, v2;
	v4 =	vld [tilespmem:s14+$0x0];
	[tilespmem:s13+$0x0] =	vst v0  }
0xbf: {  	s18 =	simm.s32 $0x0;
	v0 =	vld [tilespmem:s4+$0x90]  }
0xc0: {  	s2 =	sand.u32 $0x200, s18;
	v2 =	vsub.f32 v2, v3;
	v3 =	vmul.f32 $5.000000000e-01, v7;
	v7 =	vld [tilespmem:s14+$0x90]  }
0xc1: {  	s6 =	sadd.s32 s2, s5;
	v8 =	vadd.f32 v1, v5  }
0xc2: {  	s3 =	simm.s32 $0x80;
	s12 =	sadd.s32 s2, s0;
	v2 =	vand.u32 $0x7FFFFFFF, v2;
	[tilespmem:s6+$0x0] =	vst v3  }
0xc3: {  	s19 =	sand.u32 $0x280, s3;
	v1 =	vsub.f32 v5, v1;
	[tilespmem:s12+$0x0] =	vst v2;
	v3 =	vmul.f32 $5.000000000e-01, v8;
	v5 =	vadd.f32 v4, v6  }
0xc4: {  	s21 =	simm.s32 $0x100;
	s15 =	sadd.s32 s19, s5;
	v2 =	vsub.f32 v6, v4;
	v4 =	vld [tilespmem:s4+$0xFFFFFF10]  }
0xc5: {  	s7 =	sand.u32 $0x300, s21;
	s3 =	sadd.s32 s19, s0;
	v1 =	vand.u32 $0x7FFFFFFF, v1;
	[tilespmem:s15+$0x0] =	vst v3;
	v3 =	vld [tilespmem:s14+$0xFFFFFF10];
	v5 =	vmul.f32 $5.000000000e-01, v5;
	v6 =	vadd.f32 v7, v0  }
0xc6: {  	s18 =	sadd.s32 s7, s5;
	[tilespmem:s3+$0x0] =	vst v1  }
0xc7: {  	s17 =	sadd.s32 s7, s0;
	v1 =	vand.u32 $0x7FFFFFFF, v2;
	v2 =	vld [tilespmem:s4+$0xFFFFFF90];
	v0 =	vsub.f32 v0, v7;
	[tilespmem:s18+$0x0] =	vst v5;
	v5 =	vmul.f32 $5.000000000e-01, v6  }
0xc8: {  	v6 =	vld [tilespmem:s14+$0xFFFFFF90];
	[tilespmem:s17+$0x0] =	vst v1  }
0xc9: {  	v0 =	vand.u32 $0x7FFFFFFF, v0;
	v1 =	vld [tilespmem:s4+$0x10];
	[tilespmem:s20+$0x10] =	vst v5  }
0xca: {  	v5 =	vadd.f32 v3, v4;
	v7 =	vld [tilespmem:s14+$0x10];
	[tilespmem:s13+$0x10] =	vst v0  }
0xcb: {  	v0 =	vld [tilespmem:s4+$0xA0]  }
0xcc: {  	v3 =	vsub.f32 v4, v3;
	v4 =	vmul.f32 $5.000000000e-01, v5;
	v5 =	vld [tilespmem:s14+$0xA0]  }
0xcd: {  	v8 =	vadd.f32 v6, v2  }
0xce: {  	v3 =	vand.u32 $0x7FFFFFFF, v3;
	v2 =	vsub.f32 v2, v6;
	[tilespmem:s6+$0x10] =	vst v4  }
0xcf: {  	v4 =	vmul.f32 $5.000000000e-01, v8;
	[tilespmem:s12+$0x10] =	vst v3;
	v3 =	vadd.f32 v7, v1  }
0xd0: {  	v2 =	vand.u32 $0x7FFFFFFF, v2;
	v6 =	vld [tilespmem:s4+$0xFFFFFF20]  }
0xd1: {  	v1 =	vsub.f32 v1, v7;
	[tilespmem:s15+$0x10] =	vst v4;
	v4 =	vld [tilespmem:s14+$0xFFFFFF20];
	v3 =	vmul.f32 $5.000000000e-01, v3;
	v7 =	vadd.f32 v5, v0  }
0xd2: {  	[tilespmem:s3+$0x10] =	vst v2  }
0xd3: {  	v1 =	vand.u32 $0x7FFFFFFF, v1;
	v0 =	vsub.f32 v0, v5;
	v2 =	vld [tilespmem:s4+$0xFFFFFFA0];
	[tilespmem:s18+$0x10] =	vst v3;
	v3 =	vmul.f32 $5.000000000e-01, v7  }
0xd4: {  	v5 =	vld [tilespmem:s14+$0xFFFFFFA0];
	[tilespmem:s17+$0x10] =	vst v1  }
0xd5: {  	v0 =	vand.u32 $0x7FFFFFFF, v0;
	v1 =	vld [tilespmem:s4+$0x20];
	[tilespmem:s20+$0x20] =	vst v3  }
0xd6: {  	v7 =	vld [tilespmem:s14+$0x20];
	v3 =	vadd.f32 v4, v6;
	[tilespmem:s13+$0x20] =	vst v0  }
0xd7: {  	v0 =	vld [tilespmem:s4+$0xB0]  }
0xd8: {  	v4 =	vsub.f32 v6, v4;
	v6 =	vld [tilespmem:s14+$0xB0];
	v3 =	vmul.f32 $5.000000000e-01, v3  }
0xd9: {  	v8 =	vadd.f32 v5, v2  }
0xda: {  	v2 =	vsub.f32 v2, v5;
	v4 =	vand.u32 $0x7FFFFFFF, v4;
	[tilespmem:s6+$0x20] =	vst v3  }
0xdb: {  	v3 =	vmul.f32 $5.000000000e-01, v8;
	[tilespmem:s12+$0x20] =	vst v4;
	v4 =	vadd.f32 v7, v1  }
0xdc: {  	v2 =	vand.u32 $0x7FFFFFFF, v2;
	v5 =	vld [tilespmem:s4+$0xFFFFFF30]  }
0xdd: {  	v1 =	vsub.f32 v1, v7;
	[tilespmem:s15+$0x20] =	vst v3;
	v3 =	vld [tilespmem:s14+$0xFFFFFF30];
	v7 =	vadd.f32 v6, v0;
	v4 =	vmul.f32 $5.000000000e-01, v4  }
0xde: {  	[tilespmem:s3+$0x20] =	vst v2  }
0xdf: {  	v0 =	vsub.f32 v0, v6;
	v1 =	vand.u32 $0x7FFFFFFF, v1;
	v2 =	vld [tilespmem:s4+$0xFFFFFFB0];
	[tilespmem:s18+$0x20] =	vst v4;
	v4 =	vmul.f32 $5.000000000e-01, v7  }
0xe0: {  	v6 =	vld [tilespmem:s14+$0xFFFFFFB0];
	[tilespmem:s17+$0x20] =	vst v1  }
0xe1: {  	v0 =	vand.u32 $0x7FFFFFFF, v0;
	v1 =	vld [tilespmem:s4+$0x30];
	[tilespmem:s20+$0x30] =	vst v4  }
0xe2: {  	v4 =	vadd.f32 v3, v5;
	v7 =	vld [tilespmem:s14+$0x30];
	[tilespmem:s13+$0x30] =	vst v0  }
0xe3: {  	v0 =	vld [tilespmem:s4+$0xC0]  }
0xe4: {  	v3 =	vsub.f32 v5, v3;
	v4 =	vmul.f32 $5.000000000e-01, v4;
	v5 =	vld [tilespmem:s14+$0xC0]  }
0xe5: {  	v8 =	vadd.f32 v6, v2  }
0xe6: {  	v2 =	vsub.f32 v2, v6;
	v3 =	vand.u32 $0x7FFFFFFF, v3;
	[tilespmem:s6+$0x30] =	vst v4  }
0xe7: {  	v4 =	vmul.f32 $5.000000000e-01, v8;
	[tilespmem:s12+$0x30] =	vst v3;
	v3 =	vadd.f32 v7, v1  }
0xe8: {  	v2 =	vand.u32 $0x7FFFFFFF, v2;
	v6 =	vld [tilespmem:s4+$0xFFFFFF40]  }
0xe9: {  	v1 =	vsub.f32 v1, v7;
	[tilespmem:s15+$0x30] =	vst v4;
	v4 =	vld [tilespmem:s14+$0xFFFFFF40];
	v3 =	vmul.f32 $5.000000000e-01, v3;
	v7 =	vadd.f32 v5, v0  }
0xea: {  	[tilespmem:s3+$0x30] =	vst v2  }
0xeb: {  	s10 =	simm.s32 $0x2D00;
	v1 =	vand.u32 $0x7FFFFFFF, v1;
	v0 =	vsub.f32 v0, v5;
	[tilespmem:s18+$0x30] =	vst v3;
	v2 =	vmul.f32 $5.000000000e-01, v7  }
0xec: {  	v12 =	vld [tilespmem:s10+$0xFFFFFF00];
	[tilespmem:s17+$0x30] =	vst v1  }
0xed: {  	v3 =	vld [tilespmem:s4+$0xFFFFFFC0];
	v0 =	vand.u32 $0x7FFFFFFF, v0;
	[tilespmem:s20+$0x40] =	vst v2  }
0xee: {  	v1 =	vld [tilespmem:s14+$0xFFFFFFC0];
	v2 =	vadd.f32 v4, v6;
	[tilespmem:s13+$0x40] =	vst v0  }
0xef: {  	v0 =	vld [tilespmem:s4+$0xD0]  }
0xf0: {  	s5 =	simm.s32 $0x500;
	v4 =	vsub.f32 v6, v4;
	v2 =	vmul.f32 $5.000000000e-01, v2;
	v6 =	vld [tilespmem:s14+$0xD0]  }
0xf1: {  	v10 =	vld [tilespmem:s5+$0xFFFFFF00]  }
0xf2: {  	v4 =	vand.u32 $0x7FFFFFFF, v4;
	[tilespmem:s6+$0x40] =	vst v2;
	v2 =	vld [tilespmem:s5+$0x80]  }
0xf3: {  	v8 =	vadd.f32 v1, v3;
	[tilespmem:s12+$0x40] =	vst v4;
	v4 =	vld [tilespmem:s10+$0x80]  }
0xf4: {  	v5 =	vld [tilespmem:s4+$0x40]  }
0xf5: {  	v7 =	vld [tilespmem:s14+$0x40];
	v1 =	vsub.f32 v3, v1;
	v8 =	vmul.f32 $5.000000000e-01, v8;
	v11 =	vadd.f32 v6, v0  }
0xf6: {  	s22 =	simm.s32 $0x0  }
0xf7: {  	s0 =	smul.u32 $0x3000, s22;
	v3 =	vld [tilespmem:s5+$0xFFFFFF80];
	v1 =	vand.u32 $0x7FFFFFFF, v1;
	v0 =	vsub.f32 v0, v6;
	[tilespmem:s15+$0x40] =	vst v8;
	v11 =	vmul.f32 $5.000000000e-01, v11  }
0xf8: {  	v6 =	vld [tilespmem:s10+$0xFFFFFF80];
	[tilespmem:s3+$0x40] =	vst v1;
	v8 =	vadd.f32 v4, v2  }
0xf9: {  	s23 =	simm.s32 $0x380;
	v14 =	vld [tilespmem:s10+$0x0];
	s0 =	sshra.s32 s0, $0x2;
	v0 =	vand.u32 $0x7FFFFFFF, v0;
	v1 =	vadd.f32 v12, v10;
	[tilespmem:s20+$0x50] =	vst v11  }
0xfa: {  	s8 =	sand.u32 $0x380, s23;
	v13 =	vld [tilespmem:s5+$0x0];
	s24 =	sadd.s32 $0xA600, s0;
	v2 =	vsub.f32 v2, v4;
	v11 =	vadd.f32 v7, v5;
	[tilespmem:s13+$0x50] =	vst v0;
	v0 =	vmul.f32 $5.000000000e-01, v8  }
0xfb: {  	s9 =	simm.s32 $0x200;
	s0 =	sadd.s32 $0xAA00, s0;
	s2 =	sadd.s32 s8, s24;
	v4 =	vld [tilespmem:s4+$0xE0]  }
0xfc: {  	s9 =	sand.u32 $0x200, s9;
	s22 =	sadd.s32 s8, s0;
	v1 =	vmul.f32 $5.000000000e-01, v1;
	v8 =	vmul.f32 $5.000000000e-01, v11;
	v11 =	vld [tilespmem:s14+$0xE0];
	[tilespmem:s2+$0x0] =	vst v0;
	v0 =	vand.u32 $0x7FFFFFFF, v2  }
0xfd: {  	s8 =	sadd.s32 s9, s24;
	v9 =	vld [tilespmem:s4+$0xFFFFFF50];
	v2 =	vsub.f32 v10, v12;
	v10 =	vadd.f32 v6, v3;
	[tilespmem:s22+$0x0] =	vst v0  }
0xfe: {  	s11 =	simm.s32 $0x280;
	[tilespmem:s8+$0x0] =	vst v1;
	v0 =	vld [tilespmem:s5+$0x90]  }
0xff: {  	s19 =	sand.u32 $0x280, s11;
	s16 =	sadd.s32 s9, s0;
	v3 =	vsub.f32 v3, v6;
	[tilespmem:s18+$0x40] =	vst v8;
	v2 =	vand.u32 $0x7FFFFFFF, v2;
	v6 =	vmul.f32 $5.000000000e-01, v10;
	v1 =	vld [tilespmem:s10+$0x90]  }
0x100: {  	s11 =	sadd.s32 s19, s24;
	v5 =	vsub.f32 v5, v7;
	v7 =	vld [tilespmem:s4+$0xFFFFFFD0];
	v8 =	vadd.f32 v14, v13;
	[tilespmem:s16+$0x0] =	vst v2  }
0x101: {  	s21 =	simm.s32 $0x300;
	s9 =	sadd.s32 s19, s0;
	v2 =	vand.u32 $0x7FFFFFFF, v3;
	v3 =	vadd.f32 v11, v4;
	v10 =	vld [tilespmem:s5+$0xFFFFFF10];
	[tilespmem:s11+$0x0] =	vst v6  }
0x102: {  	s21 =	sand.u32 $0x300, s21;
	v5 =	vand.u32 $0x7FFFFFFF, v5;
	v6 =	vmul.f32 $5.000000000e-01, v8;
	v8 =	vld [tilespmem:s10+$0xFFFFFF10];
	[tilespmem:s9+$0x0] =	vst v2  }
0x103: {  	s19 =	sadd.s32 s21, s24;
	[tilespmem:s17+$0x40] =	vst v5;
	v2 =	vmul.f32 $5.000000000e-01, v3;
	v3 =	vsub.f32 v4, v11;
	v4 =	vld [tilespmem:s5+$0xFFFFFF90]  }
0x104: {  	v5 =	vsub.f32 v13, v14;
	[tilespmem:s19+$0x0] =	vst v6;
	v6 =	vld [tilespmem:s10+$0xFFFFFF90];
	v11 =	vadd.f32 v1, v0  }
0x105: {  	v12 =	vld [tilespmem:s14+$0xFFFFFF50];
	[tilespmem:s20+$0x60] =	vst v2;
	v2 =	vand.u32 $0x7FFFFFFF, v3  }
0x106: {  	s30 =	sadd.s32 s21, s0;
	v13 =	vld [tilespmem:s14+$0xFFFFFFD0];
	v1 =	vsub.f32 v0, v1;
	v3 =	vand.u32 $0x7FFFFFFF, v5;
	[tilespmem:s13+$0x60] =	vst v2;
	v2 =	vmul.f32 $5.000000000e-01, v11  }
0x107: {  	v5 =	vld [tilespmem:s4+$0x50];
	[tilespmem:s30+$0x0] =	vst v3;
	v3 =	vadd.f32 v8, v10  }
0x108: {  	v1 =	vand.u32 $0x7FFFFFFF, v1;
	v11 =	vld [tilespmem:s5+$0x10];
	[tilespmem:s2+$0x10] =	vst v2  }
0x109: {  	v2 =	vsub.f32 v10, v8;
	v3 =	vmul.f32 $5.000000000e-01, v3;
	v8 =	vadd.f32 v6, v4;
	v10 =	vld [tilespmem:s10+$0x10];
	[tilespmem:s22+$0x10] =	vst v1  }
0x10a: {  	v14 =	vadd.f32 v12, v9;
	v15 =	vld [tilespmem:s5+$0xA0]  }
0x10b: {  	v4 =	vsub.f32 v4, v6;
	v2 =	vand.u32 $0x7FFFFFFF, v2;
	[tilespmem:s8+$0x10] =	vst v3;
	v3 =	vmul.f32 $5.000000000e-01, v8;
	v6 =	vld [tilespmem:s10+$0xA0]  }
0x10c: {  	v0 =	vld [tilespmem:s4+$0xF0];
	v8 =	vsub.f32 v9, v12;
	[tilespmem:s16+$0x10] =	vst v2  }
0x10d: {  	v9 =	vadd.f32 v13, v7;
	v4 =	vand.u32 $0x7FFFFFFF, v4;
	v2 =	vmul.f32 $5.000000000e-01, v14;
	v12 =	vld [tilespmem:s5+$0xFFFFFF20];
	[tilespmem:s11+$0x10] =	vst v3  }
0x10e: {  	v3 =	vld [tilespmem:s10+$0xFFFFFF20];
	[tilespmem:s9+$0x10] =	vst v4;
	v4 =	vadd.f32 v10, v11  }
0x10f: {  	v8 =	vand.u32 $0x7FFFFFFF, v8;
	[tilespmem:s6+$0x50] =	vst v2;
	v2 =	vmul.f32 $5.000000000e-01, v9;
	v9 =	vld [tilespmem:s5+$0xFFFFFFA0]  }
0x110: {  	[tilespmem:s12+$0x50] =	vst v8;
	v8 =	vsub.f32 v11, v10;
	v10 =	vld [tilespmem:s10+$0xFFFFFFA0];
	v4 =	vmul.f32 $5.000000000e-01, v4;
	v11 =	vadd.f32 v6, v15  }
0x111: {  	v7 =	vsub.f32 v7, v13;
	v13 =	vld [tilespmem:s14+$0x50];
	[tilespmem:s15+$0x50] =	vst v2  }
0x112: {  	v6 =	vsub.f32 v15, v6;
	v2 =	vand.u32 $0x7FFFFFFF, v8;
	v8 =	vld [tilespmem:s4+$0xFFFFFF60];
	[tilespmem:s19+$0x10] =	vst v4;
	v4 =	vmul.f32 $5.000000000e-01, v11  }
0x113: {  	v11 =	vld [tilespmem:s14+$0xFFFFFF60];
	v14 =	vadd.f32 v3, v12;
	[tilespmem:s30+$0x10] =	vst v2  }
0x114: {  	v2 =	vand.u32 $0x7FFFFFFF, v7;
	v7 =	vld [tilespmem:s5+$0x20];
	[tilespmem:s2+$0x20] =	vst v4;
	v4 =	vand.u32 $0x7FFFFFFF, v6  }
0x115: {  	v3 =	vsub.f32 v12, v3;
	v6 =	vmul.f32 $5.000000000e-01, v14;
	v12 =	vadd.f32 v10, v9;
	v14 =	vld [tilespmem:s10+$0x20];
	[tilespmem:s22+$0x20] =	vst v4  }
0x116: {  	[tilespmem:s3+$0x50] =	vst v2;
	v2 =	vsub.f32 v9, v10;
	v15 =	vld [tilespmem:s5+$0xB0]  }
0x117: {  	v3 =	vand.u32 $0x7FFFFFFF, v3;
	v4 =	vadd.f32 v13, v5;
	[tilespmem:s8+$0x20] =	vst v6;
	v6 =	vmul.f32 $5.000000000e-01, v12;
	v9 =	vld [tilespmem:s10+$0xB0]  }
0x118: {  	v5 =	vsub.f32 v5, v13;
	[tilespmem:s16+$0x20] =	vst v3;
	v3 =	vld [tilespmem:s4+$0xFFFFFFE0]  }
0x119: {  	v2 =	vand.u32 $0x7FFFFFFF, v2;
	v4 =	vmul.f32 $5.000000000e-01, v4;
	v10 =	vadd.f32 v11, v8;
	v12 =	vld [tilespmem:s5+$0xFFFFFF30];
	[tilespmem:s11+$0x20] =	vst v6  }
0x11a: {  	v6 =	vld [tilespmem:s10+$0xFFFFFF30];
	[tilespmem:s9+$0x20] =	vst v2;
	v2 =	vadd.f32 v14, v7  }
0x11b: {  	v5 =	vand.u32 $0x7FFFFFFF, v5;
	v10 =	vmul.f32 $5.000000000e-01, v10;
	[tilespmem:s18+$0x50] =	vst v4;
	v13 =	vld [tilespmem:s5+$0xFFFFFFB0]  }
0x11c: {  	v4 =	vsub.f32 v7, v14;
	v7 =	vld [tilespmem:s10+$0xFFFFFFB0];
	[tilespmem:s17+$0x50] =	vst v5;
	v5 =	vsub.f32 v8, v11;
	v2 =	vmul.f32 $5.000000000e-01, v2  }
0x11d: {  	v8 =	vld [tilespmem:s14+$0xFFFFFFE0];
	v14 =	vadd.f32 v9, v15;
	[tilespmem:s6+$0x60] =	vst v10  }
0x11e: {  	v1 =	vld [tilespmem:s14+$0xF0];
	v4 =	vand.u32 $0x7FFFFFFF, v4;
	v5 =	vand.u32 $0x7FFFFFFF, v5;
	[tilespmem:s19+$0x20] =	vst v2  }
0x11f: {  	v9 =	vsub.f32 v15, v9;
	v10 =	vld [tilespmem:s4+$0x60];
	v2 =	vmul.f32 $5.000000000e-01, v14;
	v11 =	vadd.f32 v6, v12;
	[tilespmem:s12+$0x60] =	vst v5  }
0x120: {  	v6 =	vsub.f32 v12, v6;
	[tilespmem:s30+$0x20] =	vst v4;
	v4 =	vld [tilespmem:s14+$0x60]  }
0x121: {  	v14 =	vld [tilespmem:s5+$0x30];
	[tilespmem:s2+$0x30] =	vst v2;
	v2 =	vand.u32 $0x7FFFFFFF, v9;
	v9 =	vmul.f32 $5.000000000e-01, v11;
	v11 =	vadd.f32 v7, v13  }
0x122: {  	v12 =	vld [tilespmem:s10+$0x30];
	v5 =	vand.u32 $0x7FFFFFFF, v6;
	v6 =	vadd.f32 v8, v3;
	[tilespmem:s22+$0x30] =	vst v2  }
0x123: {  	v2 =	vsub.f32 v13, v7;
	v7 =	vld [tilespmem:s5+$0xC0];
	[tilespmem:s8+$0x30] =	vst v9;
	v9 =	vmul.f32 $5.000000000e-01, v11  }
0x124: {  	v11 =	vld [tilespmem:s10+$0xC0];
	v6 =	vmul.f32 $5.000000000e-01, v6;
	[tilespmem:s16+$0x30] =	vst v5  }
0x125: {  	v3 =	vsub.f32 v3, v8;
	v5 =	vld [tilespmem:s4+$0xFFFFFF70];
	[tilespmem:s11+$0x30] =	vst v9  }
0x126: {  	v2 =	vand.u32 $0x7FFFFFFF, v2;
	v8 =	vadd.f32 v4, v10;
	v13 =	vld [tilespmem:s5+$0xFFFFFF40];
	[tilespmem:s15+$0x60] =	vst v6  }
0x127: {  	v3 =	vand.u32 $0x7FFFFFFF, v3;
	v9 =	vld [tilespmem:s10+$0xFFFFFF40];
	[tilespmem:s9+$0x30] =	vst v2;
	v2 =	vadd.f32 v12, v14  }
0x128: {  	[tilespmem:s3+$0x60] =	vst v3;
	v3 =	vld [tilespmem:s14+$0xFFFFFF70];
	v8 =	vmul.f32 $5.000000000e-01, v8  }
0x129: {  	v6 =	vsub.f32 v14, v12;
	v15 =	vld [tilespmem:s5+$0xFFFFFFC0];
	v2 =	vmul.f32 $5.000000000e-01, v2;
	v14 =	vadd.f32 v11, v7  }
0x12a: {  	v4 =	vsub.f32 v10, v4;
	v12 =	vld [tilespmem:s10+$0xFFFFFFC0];
	[tilespmem:s18+$0x60] =	vst v8  }
0x12b: {  	v6 =	vand.u32 $0x7FFFFFFF, v6;
	v7 =	vsub.f32 v7, v11;
	v8 =	vld [tilespmem:s4+$0xFFFFFFF0];
	[tilespmem:s19+$0x30] =	vst v2;
	v2 =	vmul.f32 $5.000000000e-01, v14  }
0x12c: {  	v10 =	vadd.f32 v9, v13;
	[tilespmem:s30+$0x30] =	vst v6;
	v6 =	vld [tilespmem:s14+$0xFFFFFFF0]  }
0x12d: {  	v4 =	vand.u32 $0x7FFFFFFF, v4;
	v14 =	vld [tilespmem:s5+$0x40];
	[tilespmem:s2+$0x40] =	vst v2;
	v2 =	vand.u32 $0x7FFFFFFF, v7  }
0x12e: {  	v11 =	vadd.f32 v1, v0;
	v7 =	vsub.f32 v13, v9;
	v9 =	vmul.f32 $5.000000000e-01, v10;
	v10 =	vld [tilespmem:s10+$0x40];
	[tilespmem:s22+$0x40] =	vst v2  }
0x12f: {  	v0 =	vsub.f32 v0, v1;
	[tilespmem:s17+$0x60] =	vst v4;
	v1 =	vld [tilespmem:s5+$0xD0]  }
0x130: {  	v4 =	vadd.f32 v12, v15;
	v2 =	vmul.f32 $5.000000000e-01, v11;
	v7 =	vand.u32 $0x7FFFFFFF, v7;
	[tilespmem:s8+$0x40] =	vst v9;
	v9 =	vld [tilespmem:s10+$0xD0]  }
0x131: {  	v11 =	vand.u32 $0x7FFFFFFF, v0;
	v0 =	vld [tilespmem:s4+$0x70];
	[tilespmem:s16+$0x40] =	vst v7  }
0x132: {  	v4 =	vmul.f32 $5.000000000e-01, v4;
	[tilespmem:s20+$0x70] =	vst v2;
	v2 =	vsub.f32 v15, v12;
	v7 =	vadd.f32 v3, v5;
	s20 =	simm.s32 $0x700;
	v12 =	vld [tilespmem:s5+$0xFFFFFF50]  }
0x133: {  	v3 =	vsub.f32 v5, v3;
	[tilespmem:s13+$0x70] =	vst v11;
	v5 =	vld [tilespmem:s20+$0x80];
	s13 =	simm.s32 $0x2F00  }
0x134: {  	v11 =	vadd.f32 v6, v8;
	[tilespmem:s11+$0x40] =	vst v4;
	v2 =	vand.u32 $0x7FFFFFFF, v2;
	v7 =	vmul.f32 $5.000000000e-01, v7;
	v4 =	vld [tilespmem:s13+$0x80]  }
0x135: {  	v6 =	vsub.f32 v8, v6;
	v8 =	vld [tilespmem:s13+$0x0];
	[tilespmem:s9+$0x40] =	vst v2;
	v13 =	vadd.f32 v9, v1  }
0x136: {  	v3 =	vand.u32 $0x7FFFFFFF, v3;
	v2 =	vld [tilespmem:s20+$0xFFFFFF00];
	v11 =	vmul.f32 $5.000000000e-01, v11;
	[tilespmem:s6+$0x70] =	vst v7  }
0x137: {  	s26 =	simm.s32 $0x1;
	v15 =	vadd.f32 v10, v14;
	v7 =	vld [tilespmem:s13+$0xFFFFFF00];
	v1 =	vsub.f32 v1, v9;
	[tilespmem:s12+$0x70] =	vst v3;
	v13 =	vmul.f32 $5.000000000e-01, v13  }
0x138: {  	s0 =	smul.u32 $0x3000, s26;
	v9 =	vsub.f32 v14, v10;
	v10 =	vld [tilespmem:s13+$0xFFFFFF80];
	[tilespmem:s15+$0x70] =	vst v11  }
0x139: {  	v3 =	vld [tilespmem:s20+$0xFFFFFF80];
	v11 =	vmul.f32 $5.000000000e-01, v15;
	v1 =	vand.u32 $0x7FFFFFFF, v1;
	v15 =	vadd.f32 v4, v5;
	[tilespmem:s2+$0x50] =	vst v13  }
0x13a: {  	s31 =	simm.s32 $0x580;
	s0 =	sshra.s32 s0, $0x2;
	v14 =	vld [tilespmem:s20+$0x0];
	[tilespmem:s22+$0x50] =	vst v1  }
0x13b: {  	s1 =	sadd.s32 $0xA600, s0;
	s4 =	sand.u32 $0x380, s31;
	[tilespmem:s19+$0x40] =	vst v11;
	v4 =	vsub.f32 v5, v4;
	v1 =	vand.u32 $0x7FFFFFFF, v9;
	v9 =	vmul.f32 $5.000000000e-01, v15;
	v5 =	vld [tilespmem:s5+$0xE0]  }
0x13c: {  	s0 =	sadd.s32 $0xAA00, s0;
	s21 =	sadd.s32 s4, s1;
	[tilespmem:s30+$0x40] =	vst v1;
	v1 =	vadd.f32 v7, v2;
	v11 =	vld [tilespmem:s10+$0xE0]  }
0x13d: {  	s24 =	sadd.s32 s4, s0;
	v6 =	vand.u32 $0x7FFFFFFF, v6;
	s6 =	simm.s32 $0x400;
	v4 =	vand.u32 $0x7FFFFFFF, v4;
	[tilespmem:s21+$0x0] =	vst v9;
	v9 =	vld [tilespmem:s10+$0xFFFFFF50]  }
0x13e: {  	s15 =	sand.u32 $0x200, s6;
	v2 =	vsub.f32 v2, v7;
	v7 =	vadd.f32 v10, v3;
	v1 =	vmul.f32 $5.000000000e-01, v1;
	[tilespmem:s24+$0x0] =	vst v4;
	v4 =	vld [tilespmem:s5+$0xFFFFFFD0]  }
0x13f: {  	s23 =	simm.s32 $0x480;
	[tilespmem:s3+$0x70] =	vst v6;
	s3 =	sadd.s32 s15, s1;
	v3 =	vsub.f32 v3, v10;
	v6 =	vld [tilespmem:s20+$0x90]  }
0x140: {  	s12 =	sand.u32 $0x280, s23;
	s4 =	sadd.s32 s15, s0;
	v10 =	vadd.f32 v8, v14;
	v2 =	vand.u32 $0x7FFFFFFF, v2;
	v7 =	vmul.f32 $5.000000000e-01, v7;
	[tilespmem:s3+$0x0] =	vst v1;
	v1 =	vld [tilespmem:s13+$0x90]  }
0x141: {  	s26 =	simm.s32 $0x500;
	s28 =	sadd.s32 s12, s1;
	[tilespmem:s4+$0x0] =	vst v2;
	v2 =	vld [tilespmem:s10+$0xFFFFFFD0];
	v13 =	vadd.f32 v11, v5  }
0x142: {  	s15 =	sand.u32 $0x300, s26;
	s29 =	sadd.s32 s12, s0;
	v3 =	vand.u32 $0x7FFFFFFF, v3;
	v10 =	vmul.f32 $5.000000000e-01, v10;
	[tilespmem:s28+$0x0] =	vst v7;
	v15 =	vld [tilespmem:s20+$0xFFFFFF10]  }
0x143: {  	s23 =	sadd.s32 s15, s1;
	[tilespmem:s29+$0x0] =	vst v3;
	v5 =	vsub.f32 v5, v11;
	v7 =	vld [tilespmem:s13+$0xFFFFFF10];
	v3 =	vmul.f32 $5.000000000e-01, v13  }
0x144: {  	v8 =	vsub.f32 v14, v8;
	[tilespmem:s23+$0x0] =	vst v10;
	v11 =	vadd.f32 v9, v12;
	v10 =	vld [tilespmem:s13+$0xFFFFFF90]  }
0x145: {  	v13 =	vld [tilespmem:s20+$0xFFFFFF90];
	v14 =	vadd.f32 v1, v6;
	[tilespmem:s2+$0x60] =	vst v3;
	v3 =	vand.u32 $0x7FFFFFFF, v5  }
0x146: {  	s12 =	sadd.s32 s15, s0;
	v5 =	vand.u32 $0x7FFFFFFF, v8;
	v8 =	vmul.f32 $5.000000000e-01, v11;
	v11 =	vld [tilespmem:s5+$0x50];
	[tilespmem:s22+$0x60] =	vst v3  }
0x147: {  	v1 =	vsub.f32 v6, v1;
	v3 =	vsub.f32 v12, v9;
	[tilespmem:s12+$0x0] =	vst v5;
	v5 =	vmul.f32 $5.000000000e-01, v14;
	v6 =	vld [tilespmem:s5+$0xF0]  }
0x148: {  	v9 =	vadd.f32 v7, v15;
	[tilespmem:s8+$0x50] =	vst v8;
	v8 =	vld [tilespmem:s10+$0xF0]  }
0x149: {  	v12 =	vld [tilespmem:s20+$0x10];
	v1 =	vand.u32 $0x7FFFFFFF, v1;
	v3 =	vand.u32 $0x7FFFFFFF, v3;
	[tilespmem:s21+$0x10] =	vst v5  }
0x14a: {  	v14 =	vld [tilespmem:s13+$0x10];
	v5 =	vsub.f32 v15, v7;
	v7 =	vmul.f32 $5.000000000e-01, v9;
	v9 =	vadd.f32 v10, v13;
	[tilespmem:s24+$0x10] =	vst v1  }
0x14b: {  	[tilespmem:s16+$0x50] =	vst v3;
	v3 =	vsub.f32 v13, v10;
	v15 =	vld [tilespmem:s20+$0xA0]  }
0x14c: {  	v1 =	vadd.f32 v2, v4;
	v5 =	vand.u32 $0x7FFFFFFF, v5;
	[tilespmem:s3+$0x10] =	vst v7;
	v7 =	vmul.f32 $5.000000000e-01, v9;
	v9 =	vld [tilespmem:s13+$0xA0]  }
0x14d: {  	v2 =	vsub.f32 v4, v2;
	v4 =	vld [tilespmem:s5+$0xFFFFFF60];
	[tilespmem:s4+$0x10] =	vst v5;
	v10 =	vadd.f32 v8, v6  }
0x14e: {  	v3 =	vand.u32 $0x7FFFFFFF, v3;
	v1 =	vmul.f32 $5.000000000e-01, v1;
	v13 =	vld [tilespmem:s20+$0xFFFFFF20];
	[tilespmem:s28+$0x10] =	vst v7  }
0x14f: {  	v6 =	vsub.f32 v6, v8;
	v7 =	vld [tilespmem:s13+$0xFFFFFF20];
	[tilespmem:s29+$0x10] =	vst v3;
	v3 =	vadd.f32 v14, v12;
	v10 =	vmul.f32 $5.000000000e-01, v10  }
0x150: {  	v12 =	vsub.f32 v12, v14;
	[tilespmem:s11+$0x50] =	vst v1;
	v8 =	vld [tilespmem:s20+$0xFFFFFFA0]  }
0x151: {  	v6 =	vand.u32 $0x7FFFFFFF, v6;
	v1 =	vld [tilespmem:s13+$0xFFFFFFA0];
	v3 =	vmul.f32 $5.000000000e-01, v3;
	v14 =	vadd.f32 v9, v15;
	[tilespmem:s2+$0x70] =	vst v10  }
0x152: {  	v5 =	vld [tilespmem:s10+$0x50];
	[tilespmem:s22+$0x70] =	vst v6  }
0x153: {  	v9 =	vsub.f32 v15, v9;
	v10 =	vld [tilespmem:s10+$0xFFFFFF60];
	v6 =	vand.u32 $0x7FFFFFFF, v12;
	[tilespmem:s23+$0x10] =	vst v3;
	v3 =	vmul.f32 $5.000000000e-01, v14  }
0x154: {  	v12 =	vadd.f32 v7, v13;
	[tilespmem:s12+$0x10] =	vst v6;
	v6 =	vld [tilespmem:s14+$0x70]  }
0x155: {  	v2 =	vand.u32 $0x7FFFFFFF, v2;
	v14 =	vld [tilespmem:s20+$0x20];
	[tilespmem:s21+$0x20] =	vst v3;
	v3 =	vand.u32 $0x7FFFFFFF, v9  }
0x156: {  	v7 =	vsub.f32 v13, v7;
	v9 =	vmul.f32 $5.000000000e-01, v12;
	v12 =	vadd.f32 v1, v8;
	v13 =	vld [tilespmem:s13+$0x20];
	[tilespmem:s24+$0x20] =	vst v3  }
0x157: {  	[tilespmem:s9+$0x50] =	vst v2;
	v1 =	vsub.f32 v8, v1;
	v15 =	vld [tilespmem:s20+$0xB0]  }
0x158: {  	v2 =	vand.u32 $0x7FFFFFFF, v7;
	v3 =	vadd.f32 v5, v11;
	[tilespmem:s3+$0x20] =	vst v9;
	v7 =	vmul.f32 $5.000000000e-01, v12;
	v8 =	vld [tilespmem:s13+$0xB0]  }
0x159: {  	v5 =	vsub.f32 v11, v5;
	[tilespmem:s4+$0x20] =	vst v2;
	v2 =	vld [tilespmem:s5+$0xFFFFFFE0]  }
0x15a: {  	v1 =	vand.u32 $0x7FFFFFFF, v1;
	v9 =	vadd.f32 v10, v4;
	v3 =	vmul.f32 $5.000000000e-01, v3;
	v11 =	vld [tilespmem:s20+$0xFFFFFF30];
	[tilespmem:s28+$0x20] =	vst v7  }
0x15b: {  	v7 =	vld [tilespmem:s13+$0xFFFFFF30];
	[tilespmem:s29+$0x20] =	vst v1;
	v1 =	vadd.f32 v13, v14  }
0x15c: {  	v5 =	vand.u32 $0x7FFFFFFF, v5;
	v9 =	vmul.f32 $5.000000000e-01, v9;
	[tilespmem:s19+$0x50] =	vst v3;
	v12 =	vld [tilespmem:s20+$0xFFFFFFB0]  }
0x15d: {  	v3 =	vsub.f32 v14, v13;
	v13 =	vld [tilespmem:s13+$0xFFFFFFB0];
	[tilespmem:s30+$0x50] =	vst v5;
	v1 =	vmul.f32 $5.000000000e-01, v1;
	v14 =	vadd.f32 v8, v15  }
0x15e: {  	v4 =	vsub.f32 v4, v10;
	[tilespmem:s8+$0x60] =	vst v9;
	v5 =	vld [tilespmem:s10+$0xFFFFFFE0]  }
0x15f: {  	v3 =	vand.u32 $0x7FFFFFFF, v3;
	v8 =	vsub.f32 v15, v8;
	v9 =	vld [tilespmem:s5+$0x60];
	[tilespmem:s23+$0x20] =	vst v1;
	v1 =	vmul.f32 $5.000000000e-01, v14  }
0x160: {  	v10 =	vadd.f32 v7, v11;
	[tilespmem:s12+$0x20] =	vst v3;
	v3 =	vld [tilespmem:s10+$0x60]  }
0x161: {  	v4 =	vand.u32 $0x7FFFFFFF, v4;
	v14 =	vld [tilespmem:s20+$0x30];
	[tilespmem:s21+$0x30] =	vst v1;
	v1 =	vand.u32 $0x7FFFFFFF, v8  }
0x162: {  	v7 =	vsub.f32 v11, v7;
	v8 =	vmul.f32 $5.000000000e-01, v10;
	v10 =	vadd.f32 v13, v12;
	v11 =	vld [tilespmem:s13+$0x30];
	[tilespmem:s24+$0x30] =	vst v1  }
0x163: {  	[tilespmem:s16+$0x60] =	vst v4;
	v1 =	vsub.f32 v12, v13;
	v12 =	vld [tilespmem:s20+$0xC0]  }
0x164: {  	v4 =	vand.u32 $0x7FFFFFFF, v7;
	v7 =	vadd.f32 v5, v2;
	[tilespmem:s3+$0x30] =	vst v8;
	v8 =	vmul.f32 $5.000000000e-01, v10;
	v10 =	vld [tilespmem:s13+$0xC0]  }
0x165: {  	v2 =	vsub.f32 v2, v5;
	[tilespmem:s4+$0x30] =	vst v4;
	v4 =	vld [tilespmem:s5+$0xFFFFFF70]  }
0x166: {  	v5 =	vmul.f32 $5.000000000e-01, v7;
	v1 =	vand.u32 $0x7FFFFFFF, v1;
	v7 =	vadd.f32 v3, v9;
	v13 =	vld [tilespmem:s20+$0xFFFFFF40];
	[tilespmem:s28+$0x30] =	vst v8  }
0x167: {  	v15 =	vld [tilespmem:s13+$0xFFFFFF40];
	[tilespmem:s29+$0x30] =	vst v1;
	v1 =	vadd.f32 v11, v14  }
0x168: {  	v2 =	vand.u32 $0x7FFFFFFF, v2;
	[tilespmem:s11+$0x60] =	vst v5;
	v7 =	vmul.f32 $5.000000000e-01, v7;
	v16 =	vld [tilespmem:s20+$0xFFFFFFC0]  }
0x169: {  	v5 =	vsub.f32 v14, v11;
	[tilespmem:s9+$0x60] =	vst v2;
	v14 =	vld [tilespmem:s13+$0xFFFFFFC0];
	v1 =	vmul.f32 $5.000000000e-01, v1;
	v8 =	vadd.f32 v10, v12  }
0x16a: {  	v2 =	vsub.f32 v9, v3;
	v3 =	vld [tilespmem:s10+$0xFFFFFF70];
	[tilespmem:s19+$0x60] =	vst v7  }
0x16b: {  	v17 =	vld [tilespmem:s10+$0xFFFFFFF0];
	v5 =	vand.u32 $0x7FFFFFFF, v5;
	v7 =	vsub.f32 v12, v10;
	[tilespmem:s23+$0x30] =	vst v1;
	v1 =	vmul.f32 $5.000000000e-01, v8  }
0x16c: {  	v9 =	vadd.f32 v6, v0;
	v10 =	vld [tilespmem:s5+$0xFFFFFFF0];
	v11 =	vadd.f32 v15, v13;
	[tilespmem:s12+$0x30] =	vst v5  }
0x16d: {  	v0 =	vsub.f32 v0, v6;
	v5 =	vand.u32 $0x7FFFFFFF, v2;
	v8 =	vld [tilespmem:s20+$0x40];
	[tilespmem:s21+$0x40] =	vst v1;
	v1 =	vand.u32 $0x7FFFFFFF, v7  }
0x16e: {  	v7 =	vsub.f32 v13, v15;
	v12 =	vmul.f32 $5.000000000e-01, v11;
	v13 =	vadd.f32 v14, v16;
	v11 =	vld [tilespmem:s13+$0x40];
	[tilespmem:s24+$0x40] =	vst v1  }
0x16f: {  	v2 =	vmul.f32 $5.000000000e-01, v9;
	v63 =	vsub.f32 v4, v3;
	v14 =	vsub.f32 v16, v14;
	[tilespmem:s30+$0x60] =	vst v5;
	v6 =	vld [tilespmem:s20+$0xD0]  }
0x170: {  	v15 =	vadd.f32 v3, v4;
	v5 =	vand.u32 $0x7FFFFFFF, v7;
	[tilespmem:s3+$0x40] =	vst v12;
	v13 =	vmul.f32 $5.000000000e-01, v13;
	v9 =	vld [tilespmem:s13+$0xD0]  }
0x171: {  	s26 =	sshll.u32 s25, $0x6;
	s15 =	simm.s32 $0x900;
	v1 =	vand.u32 $0x7FFFFFFF, v0;
	v0 =	vld [tilespmem:s5+$0x70];
	v12 =	vand.u32 $0x7FFFFFFF, v14;
	s31 =	rddreg [dreg:$0x5];
	[tilespmem:s4+$0x40] =	vst v5;
	v5 =	vadd.f32 v17, v10  }
0x172: {  	s2 =	simm.s32 $0x8;
	s5 =	simm.s32 $0x2F00;
	v7 =	vmul.f32 $5.000000000e-01, v15;
	v4 =	vsub.f32 v10, v17;
	v10 =	vand.u32 $0x7FFFFFFF, v63;
	s14 =	sor.u32 s31, s26;
	v3 =	vld [tilespmem:s20+$0xFFFFFF50];
	[tilespmem:s28+$0x40] =	vst v13  }
.LBB2_3:
0x173: {  	v13 =	vld [tilespmem:s15+$0x80];
	[tilespmem:s29+$0x40] =	vst v12;
	v12 =	vadd.f32 v11, v8;
	v8 =	vsub.f32 v8, v11;
	s13 =	sadd.s32 $0x200, s13;
	v5 =	vmul.f32 $5.000000000e-01, v5  }
0x174: {  	v4 =	vand.u32 $0x7FFFFFFF, v4;
	v11 =	vld [tilespmem:s13+$0x80];
	[tilespmem:s8+$0x70] =	vst v7;
	s8 =	smov.u32 s3  }
0x175: {  	v7 =	vld [tilespmem:s15+$0xFFFFFF00];
	v12 =	vmul.f32 $5.000000000e-01, v12;
	v8 =	vand.u32 $0x7FFFFFFF, v8;
	v14 =	vadd.f32 v9, v6;
	[tilespmem:s16+$0x70] =	vst v10;
	s16 =	smov.u32 s4  }
0x176: {  	s2 =	sadd.s32 $0x4, s2;
	v10 =	vld [tilespmem:s13+$0xFFFFFF00];
	[tilespmem:s11+$0x70] =	vst v5;
	s11 =	smov.u32 s28  }
0x177: {  	s0 =	sshrl.u32 s2, $0x3;
	p0 =	slt.u32 s2, $0x4C;
	v6 =	vsub.f32 v6, v9;
	v5 =	vld [tilespmem:s15+$0xFFFFFF80];
	[tilespmem:s23+$0x40] =	vst v12;
	v12 =	vmul.f32 $5.000000000e-01, v14  }
0x178: {  	s0 =	smul.u32 $0x3000, s0;
	v9 =	vld [tilespmem:s13+$0xFFFFFF80];
	[tilespmem:s12+$0x40] =	vst v8  }
0x179: {  	s6 =	sadd.s32 $0x200, s6;
	v6 =	vand.u32 $0x7FFFFFFF, v6;
	v8 =	vld [tilespmem:s15+$0x0];
	v14 =	vadd.f32 v11, v13;
	[tilespmem:s21+$0x50] =	vst v12  }
0x17a: {  	s3 =	sadd.s32 $0x80, s6;
	s4 =	sadd.s32 $0x180, s6;
	s0 =	sshra.s32 s0, $0x2;
	v12 =	vld [tilespmem:s13+$0x0];
	[tilespmem:s24+$0x50] =	vst v6  }
0x17b: {  	s28 =	sadd.s32 $0x100, s6;
	s4 =	sand.u32 $0x380, s4;
	s7 =	sadd.s32 $0xA600, s0;
	v11 =	vsub.f32 v13, v11;
	v6 =	vadd.f32 v10, v7;
	v14 =	vmul.f32 $5.000000000e-01, v14;
	v13 =	vld [tilespmem:s20+$0xE0];
	[tilespmem:s9+$0x70] =	vst v4  }
0x17c: {  	s1 =	sand.u32 $0x280, s3;
	s22 =	sadd.s32 s4, s7;
	v4 =	vsub.f32 v7, v10;
	s9 =	sadd.s32 $0xAA00, s0;
	v7 =	vld [tilespmem:s5+$0xE0];
	[tilespmem:s18+$0x70] =	vst v2  }
0x17d: {  	s31 =	sand.u32 $0x300, s28;
	s18 =	sand.u32 $0x200, s6;
	s0 =	sadd.s32 s4, s9;
	v2 =	vadd.f32 v9, v5;
	v5 =	vsub.f32 v5, v9;
	[tilespmem:s22+$0x0] =	vst v14;
	v9 =	vand.u32 $0x7FFFFFFF, v11;
	v10 =	vld [tilespmem:s5+$0xFFFFFF50]  }
0x17e: {  	s28 =	sadd.s32 s1, s7;
	v6 =	vmul.f32 $5.000000000e-01, v6;
	s3 =	sadd.s32 s18, s7;
	v4 =	vand.u32 $0x7FFFFFFF, v4;
	s4 =	sadd.s32 s18, s9;
	[tilespmem:s0+$0x0] =	vst v9;
	v9 =	vld [tilespmem:s20+$0xFFFFFFD0]  }
0x17f: {  	s1 =	sadd.s32 s1, s9;
	s7 =	sadd.s32 s31, s7;
	s31 =	sadd.s32 s31, s9;
	v2 =	vmul.f32 $5.000000000e-01, v2;
	v11 =	vadd.f32 v12, v8;
	v8 =	vsub.f32 v8, v12;
	v12 =	vld [tilespmem:s15+$0x90];
	[tilespmem:s17+$0x70] =	vst v1  }
0x180: {  	s9 =	smov.u32 s29;
	s29 =	smov.u32 s1;
	s18 =	smov.u32 s19;
	v1 =	vand.u32 $0x7FFFFFFF, v5;
	[tilespmem:s3+$0x0] =	vst v6;
	v5 =	vld [tilespmem:s13+$0x90]  }
0x181: {  	s19 =	smov.u32 s23;
	s23 =	smov.u32 s7;
	s17 =	smov.u32 s30;
	[tilespmem:s4+$0x0] =	vst v4;
	v4 =	vmul.f32 $5.000000000e-01, v11;
	v6 =	vand.u32 $0x7FFFFFFF, v8;
	v8 =	vld [tilespmem:s5+$0xFFFFFFD0];
	v11 =	vadd.f32 v7, v13  }
0x182: {  	s30 =	smov.u32 s12;
	s12 =	smov.u32 s31;
	v14 =	vld [tilespmem:s15+$0xFFFFFF10];
	[tilespmem:s28+$0x0] =	vst v2;
	v2 =	vadd.f32 v10, v3;
	v3 =	vsub.f32 v3, v10  }
0x183: {  	v7 =	vsub.f32 v13, v7;
	v10 =	vld [tilespmem:s13+$0xFFFFFF10];
	[tilespmem:s29+$0x0] =	vst v1;
	v1 =	vmul.f32 $5.000000000e-01, v11  }
0x184: {  	v11 =	vld [tilespmem:s15+$0xFFFFFF90];
	[tilespmem:s23+$0x0] =	vst v4;
	v2 =	vmul.f32 $5.000000000e-01, v2;
	v3 =	vand.u32 $0x7FFFFFFF, v3  }
0x185: {  	v4 =	vld [tilespmem:s13+$0xFFFFFF90];
	v13 =	vadd.f32 v5, v12;
	[tilespmem:s21+$0x60] =	vst v1;
	v1 =	vand.u32 $0x7FFFFFFF, v7  }
0x186: {  	v7 =	vadd.f32 v8, v9;
	v8 =	vsub.f32 v9, v8;
	v9 =	vld [tilespmem:s20+$0x50];
	[tilespmem:s24+$0x60] =	vst v1  }
0x187: {  	v5 =	vsub.f32 v12, v5;
	[tilespmem:s12+$0x0] =	vst v6;
	v1 =	vmul.f32 $5.000000000e-01, v13;
	v6 =	vld [tilespmem:s20+$0xF0]  }
0x188: {  	v12 =	vadd.f32 v10, v14;
	v10 =	vsub.f32 v14, v10;
	[tilespmem:s8+$0x50] =	vst v2;
	v2 =	vmul.f32 $5.000000000e-01, v7;
	v7 =	vld [tilespmem:s5+$0xF0]  }
0x189: {  	v13 =	vld [tilespmem:s15+$0x10];
	[tilespmem:s22+$0x10] =	vst v1;
	v1 =	vand.u32 $0x7FFFFFFF, v5;
	v5 =	vand.u32 $0x7FFFFFFF, v8  }
0x18a: {  	v8 =	vmul.f32 $5.000000000e-01, v12;
	v12 =	vadd.f32 v4, v11;
	v4 =	vsub.f32 v11, v4;
	v11 =	vld [tilespmem:s13+$0x10];
	[tilespmem:s0+$0x10] =	vst v1  }
0x18b: {  	v1 =	vand.u32 $0x7FFFFFFF, v10;
	v10 =	vld [tilespmem:s15+$0xA0];
	[tilespmem:s16+$0x50] =	vst v3  }
0x18c: {  	[tilespmem:s3+$0x10] =	vst v8;
	v3 =	vmul.f32 $5.000000000e-01, v12;
	v4 =	vand.u32 $0x7FFFFFFF, v4;
	v8 =	vld [tilespmem:s13+$0xA0]  }
0x18d: {  	[tilespmem:s4+$0x10] =	vst v1;
	v1 =	vld [tilespmem:s5+$0x50];
	v12 =	vadd.f32 v7, v6  }
0x18e: {  	v14 =	vld [tilespmem:s15+$0xFFFFFF20];
	[tilespmem:s28+$0x10] =	vst v3  }
0x18f: {  	v6 =	vsub.f32 v6, v7;
	v3 =	vld [tilespmem:s13+$0xFFFFFF20];
	[tilespmem:s29+$0x10] =	vst v4;
	v4 =	vadd.f32 v11, v13;
	v12 =	vmul.f32 $5.000000000e-01, v12  }
0x190: {  	v11 =	vsub.f32 v13, v11;
	v7 =	vld [tilespmem:s15+$0xFFFFFFA0];
	[tilespmem:s11+$0x50] =	vst v2  }
0x191: {  	v6 =	vand.u32 $0x7FFFFFFF, v6;
	v2 =	vld [tilespmem:s13+$0xFFFFFFA0];
	v4 =	vmul.f32 $5.000000000e-01, v4;
	v13 =	vadd.f32 v8, v10;
	[tilespmem:s21+$0x70] =	vst v12;
	s21 =	smov.u32 s22  }
0x192: {  	v11 =	vand.u32 $0x7FFFFFFF, v11;
	v12 =	vld [tilespmem:s20+$0xFFFFFF60];
	v15 =	vadd.f32 v1, v9;
	v1 =	vsub.f32 v9, v1;
	[tilespmem:s24+$0x70] =	vst v6;
	s24 =	smov.u32 s0  }
0x193: {  	v6 =	vsub.f32 v10, v8;
	[tilespmem:s23+$0x10] =	vst v4;
	v4 =	vmul.f32 $5.000000000e-01, v13;
	v8 =	vld [tilespmem:s5+$0xFFFFFF60]  }
0x194: {  	v9 =	vadd.f32 v3, v14;
	v3 =	vsub.f32 v14, v3;
	[tilespmem:s12+$0x10] =	vst v11;
	v10 =	vmul.f32 $5.000000000e-01, v15;
	v11 =	vld [tilespmem:s10+$0x70];
	s10 =	smov.u32 s5;
	s5 =	smov.u32 s13  }
0x195: {  	v13 =	vld [tilespmem:s15+$0x20];
	[tilespmem:s21+$0x20] =	vst v4;
	v4 =	vand.u32 $0x7FFFFFFF, v6;
	v6 =	vand.u32 $0x7FFFFFFF, v1  }
0x196: {  	v1 =	vmul.f32 $5.000000000e-01, v9;
	v9 =	vadd.f32 v2, v7;
	v2 =	vsub.f32 v7, v2;
	v7 =	vld [tilespmem:s13+$0x20];
	[tilespmem:s24+$0x20] =	vst v4  }
0x197: {  	v3 =	vand.u32 $0x7FFFFFFF, v3;
	v4 =	vld [tilespmem:s15+$0xB0];
	[tilespmem:s9+$0x50] =	vst v5  }
0x198: {  	[tilespmem:s3+$0x20] =	vst v1;
	v1 =	vmul.f32 $5.000000000e-01, v9;
	v2 =	vand.u32 $0x7FFFFFFF, v2;
	v5 =	vld [tilespmem:s13+$0xB0];
	v9 =	vadd.f32 v8, v12  }
0x199: {  	[tilespmem:s4+$0x20] =	vst v3;
	v3 =	vsub.f32 v12, v8;
	v8 =	vld [tilespmem:s20+$0xFFFFFFE0];
	v12 =	vadd.f32 v11, v0  }
0x19a: {  	v0 =	vsub.f32 v0, v11;
	v14 =	vld [tilespmem:s15+$0xFFFFFF30];
	[tilespmem:s28+$0x20] =	vst v1;
	v9 =	vmul.f32 $5.000000000e-01, v9  }
0x19b: {  	v11 =	vld [tilespmem:s13+$0xFFFFFF30];
	[tilespmem:s29+$0x20] =	vst v2;
	v15 =	vadd.f32 v7, v13;
	v7 =	vsub.f32 v13, v7;
	v3 =	vand.u32 $0x7FFFFFFF, v3  }
0x19c: {  	v2 =	vmul.f32 $5.000000000e-01, v12;
	v1 =	vand.u32 $0x7FFFFFFF, v0;
	v13 =	vld [tilespmem:s15+$0xFFFFFFB0];
	[tilespmem:s19+$0x50] =	vst v10  }
0x19d: {  	v0 =	vld [tilespmem:s13+$0xFFFFFFB0];
	v10 =	vmul.f32 $5.000000000e-01, v15;
	v7 =	vand.u32 $0x7FFFFFFF, v7;
	v12 =	vadd.f32 v5, v4;
	[tilespmem:s30+$0x50] =	vst v6  }
0x19e: {  	[tilespmem:s8+$0x60] =	vst v9;
	v6 =	vld [tilespmem:s10+$0xFFFFFFE0]  }
0x19f: {  	v4 =	vsub.f32 v4, v5;
	[tilespmem:s23+$0x20] =	vst v10;
	v9 =	vmul.f32 $5.000000000e-01, v12;
	v5 =	vld [tilespmem:s20+$0x60]  }
0x1a0: {  	v10 =	vadd.f32 v11, v14;
	v11 =	vsub.f32 v14, v11;
	[tilespmem:s12+$0x20] =	vst v7;
	v7 =	vld [tilespmem:s10+$0x60]  }
0x1a1: {  	v4 =	vand.u32 $0x7FFFFFFF, v4;
	v12 =	vld [tilespmem:s15+$0x30];
	[tilespmem:s21+$0x30] =	vst v9  }
0x1a2: {  	v9 =	vmul.f32 $5.000000000e-01, v10;
	v10 =	vadd.f32 v0, v13;
	v0 =	vsub.f32 v13, v0;
	v13 =	vld [tilespmem:s13+$0x30];
	[tilespmem:s24+$0x30] =	vst v4  }
0x1a3: {  	v4 =	vand.u32 $0x7FFFFFFF, v11;
	v11 =	vld [tilespmem:s15+$0xC0];
	[tilespmem:s16+$0x60] =	vst v3;
	v3 =	vadd.f32 v6, v8;
	v6 =	vsub.f32 v8, v6  }
0x1a4: {  	[tilespmem:s3+$0x30] =	vst v9;
	v8 =	vmul.f32 $5.000000000e-01, v10;
	v0 =	vand.u32 $0x7FFFFFFF, v0;
	v9 =	vld [tilespmem:s13+$0xC0]  }
0x1a5: {  	[tilespmem:s4+$0x30] =	vst v4;
	v4 =	vld [tilespmem:s20+$0xFFFFFF70];
	v3 =	vmul.f32 $5.000000000e-01, v3;
	v10 =	vadd.f32 v7, v5;
	v5 =	vsub.f32 v5, v7  }
0x1a6: {  	v6 =	vand.u32 $0x7FFFFFFF, v6;
	v7 =	vld [tilespmem:s15+$0xFFFFFF40];
	[tilespmem:s28+$0x30] =	vst v8  }
0x1a7: {  	v8 =	vld [tilespmem:s13+$0xFFFFFF40];
	[tilespmem:s29+$0x30] =	vst v0;
	v0 =	vadd.f32 v13, v12;
	v12 =	vsub.f32 v12, v13;
	v10 =	vmul.f32 $5.000000000e-01, v10  }
0x1a8: {  	v13 =	vld [tilespmem:s15+$0xFFFFFFC0];
	[tilespmem:s11+$0x60] =	vst v3;
	v3 =	vand.u32 $0x7FFFFFFF, v5  }
0x1a9: {  	v5 =	vld [tilespmem:s13+$0xFFFFFFC0];
	v0 =	vmul.f32 $5.000000000e-01, v0;
	v12 =	vand.u32 $0x7FFFFFFF, v12;
	v14 =	vadd.f32 v9, v11;
	[tilespmem:s9+$0x60] =	vst v6  }
0x1aa: {  	v15 =	vld [tilespmem:s10+$0xFFFFFF70];
	[tilespmem:s19+$0x60] =	vst v10  }
0x1ab: {  	v6 =	vsub.f32 v11, v9;
	[tilespmem:s23+$0x30] =	vst v0;
	v0 =	vmul.f32 $5.000000000e-01, v14;
	v10 =	vld [tilespmem:s20+$0xFFFFFFF0]  }
0x1ac: {  	v9 =	vadd.f32 v8, v7;
	v7 =	vsub.f32 v7, v8;
	[tilespmem:s12+$0x30] =	vst v12;
	v14 =	vld [tilespmem:s10+$0xFFFFFFF0]  }
0x1ad: {  	v8 =	vld [tilespmem:s15+$0x40];
	[tilespmem:s21+$0x40] =	vst v0;
	v0 =	vand.u32 $0x7FFFFFFF, v6  }
.Ltmp4:
0x1ae: {  	v9 =	vmul.f32 $5.000000000e-01, v9;
	v12 =	vadd.f32 v5, v13;
	v5 =	vsub.f32 v13, v5;
	v11 =	vld [tilespmem:s13+$0x40];
	[tilespmem:s24+$0x40] =	vst v0;
	(pc) =	sbr.rel @p0 .LBB2_3-.Ltmp4, $4  }
0x1af: {  	v0 =	vand.u32 $0x7FFFFFFF, v7;
	v6 =	vld [tilespmem:s15+$0xD0];
	v7 =	vadd.f32 v15, v4;
	v13 =	vsub.f32 v4, v15;
	[tilespmem:s30+$0x60] =	vst v3  }
0x1b0: {  	[tilespmem:s3+$0x40] =	vst v9;
	v15 =	vmul.f32 $5.000000000e-01, v12;
	v12 =	vand.u32 $0x7FFFFFFF, v5;
	v9 =	vld [tilespmem:s13+$0xD0]  }
0x1b1: {  	[tilespmem:s4+$0x40] =	vst v0;
	v7 =	vmul.f32 $5.000000000e-01, v7;
	v5 =	vadd.f32 v14, v10;
	v4 =	vsub.f32 v10, v14;
	v0 =	vld [tilespmem:s20+$0x70];
	s20 =	smov.u32 s15  }
0x1b2: {  	s15 =	sadd.s32 $0x200, s15;
	v10 =	vand.u32 $0x7FFFFFFF, v13;
	v3 =	vld [tilespmem:s20+$0xFFFFFF50];
	[tilespmem:s28+$0x40] =	vst v15  }
0x1b3: {  	v13 =	vadd.f32 v11, v8;
	_ =	sdelay $0x1  }
0x1b4: {  	v57 =	vsub.f32 v8, v11;
	v58 =	vmul.f32 $5.000000000e-01, v13  }
0x1b5: {  	[tilespmem:s29+$0x40] =	vst v12;
	v56 =	vld [tilespmem:s5+$0xFFFFFF50]  }
0x1b6: {  	v59 =	vld [tilespmem:s20+$0xFFFFFFD0];
	v8 =	vand.u32 $0x7FFFFFFF, v57;
	[tilespmem:s23+$0x40] =	vst v58  }
0x1b7: {  	v14 =	vld [tilespmem:s5+$0xFFFFFFD0];
	[tilespmem:s12+$0x40] =	vst v8  }
0x1b8: {  	v15 =	vadd.f32 v9, v6;
	v11 =	vld [tilespmem:s20+$0x50]  }
0x1b9: {  	v60 =	vsub.f32 v6, v9;
	v63 =	vld [tilespmem:s5+$0x50]  }
0x1ba: {  	v61 =	vmul.f32 $5.000000000e-01, v15;
	v62 =	vadd.f32 v56, v3  }
0x1bb: {  	v6 =	vand.u32 $0x7FFFFFFF, v60  }
0x1bc: {  	v16 =	vsub.f32 v3, v56;
	[tilespmem:s21+$0x50] =	vst v61;
	v18 =	vadd.f32 v14, v59;
	v17 =	vmul.f32 $5.000000000e-01, v62  }
0x1bd: {  	v19 =	vsub.f32 v59, v14;
	[tilespmem:s24+$0x50] =	vst v6  }
0x1be: {  	v3 =	vand.u32 $0x7FFFFFFF, v16;
	v6 =	vld [tilespmem:s20+$0xE0];
	v20 =	vmul.f32 $5.000000000e-01, v18;
	[tilespmem:s3+$0x50] =	vst v17;
	v24 =	vadd.f32 v63, v11  }
0x1bf: {  	v21 =	vld [tilespmem:s5+$0xE0];
	[tilespmem:s4+$0x50] =	vst v3  }
0x1c0: {  	v22 =	vand.u32 $0x7FFFFFFF, v19;
	[tilespmem:s28+$0x50] =	vst v20;
	v23 =	vld [tilespmem:s20+$0xFFFFFF60];
	v26 =	vsub.f32 v11, v63;
	v27 =	vmul.f32 $5.000000000e-01, v24  }
0x1c1: {  	v25 =	vld [tilespmem:s5+$0xFFFFFF60];
	[tilespmem:s29+$0x50] =	vst v22  }
0x1c2: {  	v28 =	vld [tilespmem:s20+$0xFFFFFFE0];
	v3 =	vand.u32 $0x7FFFFFFF, v26;
	[tilespmem:s23+$0x50] =	vst v27  }
0x1c3: {  	v29 =	vld [tilespmem:s5+$0xFFFFFFE0];
	[tilespmem:s12+$0x50] =	vst v3  }
0x1c4: {  	[tilespmem:s8+$0x70] =	vst v7;
	v30 =	vadd.f32 v21, v6;
	v33 =	vld [tilespmem:s20+$0x60]  }
0x1c5: {  	[tilespmem:s18+$0x70] =	vst v2;
	v6 =	vsub.f32 v6, v21;
	v34 =	vld [tilespmem:s5+$0x60]  }
0x1c6: {  	[tilespmem:s16+$0x70] =	vst v10;
	v31 =	vmul.f32 $5.000000000e-01, v30;
	v32 =	vadd.f32 v25, v23  }
0x1c7: {  	[tilespmem:s17+$0x70] =	vst v1;
	v6 =	vand.u32 $0x7FFFFFFF, v6  }
0x1c8: {  	v35 =	vsub.f32 v23, v25;
	[tilespmem:s21+$0x60] =	vst v31;
	v36 =	vadd.f32 v29, v28;
	v7 =	vmul.f32 $5.000000000e-01, v32  }
0x1c9: {  	v48 =	vld [tilespmem:s10+$0x70];
	v37 =	vsub.f32 v28, v29;
	[tilespmem:s24+$0x60] =	vst v6  }
0x1ca: {  	v3 =	vand.u32 $0x7FFFFFFF, v35;
	v6 =	vld [tilespmem:s20+$0xF0];
	v8 =	vmul.f32 $5.000000000e-01, v36;
	[tilespmem:s3+$0x60] =	vst v7;
	v41 =	vadd.f32 v34, v33  }
0x1cb: {  	v38 =	vld [tilespmem:s5+$0xF0];
	[tilespmem:s4+$0x60] =	vst v3  }
0x1cc: {  	v7 =	vand.u32 $0x7FFFFFFF, v37;
	[tilespmem:s28+$0x60] =	vst v8;
	v40 =	vld [tilespmem:s20+$0xFFFFFF70];
	v44 =	vsub.f32 v33, v34;
	v45 =	vmul.f32 $5.000000000e-01, v41  }
0x1cd: {  	v39 =	vmul.f32 $5.000000000e-01, v5;
	[tilespmem:s29+$0x60] =	vst v7;
	v42 =	vld [tilespmem:s5+$0xFFFFFF70]  }
0x1ce: {  	v43 =	vand.u32 $0x7FFFFFFF, v4;
	v57 =	vadd.f32 v48, v0;
	v46 =	vld [tilespmem:s20+$0xFFFFFFF0];
	v4 =	vand.u32 $0x7FFFFFFF, v44;
	[tilespmem:s23+$0x60] =	vst v45  }
0x1cf: {  	v47 =	vld [tilespmem:s5+$0xFFFFFFF0];
	[tilespmem:s12+$0x60] =	vst v4  }
0x1d0: {  	[tilespmem:s11+$0x70] =	vst v39;
	v59 =	vsub.f32 v0, v48;
	v60 =	vmul.f32 $5.000000000e-01, v57;
	v49 =	vadd.f32 v38, v6;
	v50 =	vld [tilespmem:s20+$0x70]  }
0x1d1: {  	[tilespmem:s9+$0x70] =	vst v43;
	v6 =	vsub.f32 v6, v38;
	v53 =	vld [tilespmem:s5+$0x70]  }
0x1d2: {  	v0 =	vand.u32 $0x7FFFFFFF, v59;
	[tilespmem:s19+$0x70] =	vst v60;
	v51 =	vmul.f32 $5.000000000e-01, v49;
	v52 =	vadd.f32 v42, v40  }
0x1d3: {  	[tilespmem:s30+$0x70] =	vst v0;
	v6 =	vand.u32 $0x7FFFFFFF, v6  }
0x1d4: {  	v54 =	vsub.f32 v40, v42;
	[tilespmem:s21+$0x70] =	vst v51;
	v56 =	vadd.f32 v47, v46;
	v55 =	vmul.f32 $5.000000000e-01, v52  }
0x1d5: {  	v3 =	vsub.f32 v46, v47;
	[tilespmem:s24+$0x70] =	vst v6  }
0x1d6: {  	v4 =	vand.u32 $0x7FFFFFFF, v54;
	v58 =	vmul.f32 $5.000000000e-01, v56;
	[tilespmem:s3+$0x70] =	vst v55;
	v61 =	vadd.f32 v53, v50  }
0x1d7: {  	[tilespmem:s4+$0x70] =	vst v4  }
0x1d8: {  	v3 =	vand.u32 $0x7FFFFFFF, v3;
	[tilespmem:s28+$0x70] =	vst v58;
	v1 =	vsub.f32 v50, v53;
	v62 =	vmul.f32 $5.000000000e-01, v61  }
0x1d9: {  	[tilespmem:s29+$0x70] =	vst v3  }
0x1da: {  	v63 =	vand.u32 $0x7FFFFFFF, v1;
	[tilespmem:s23+$0x70] =	vst v62  }
0x1db: {  	s2 =	simm.s32 $0x3;
	[tilespmem:s12+$0x70] =	vst v63  }
0x1dc: {  	_ =	swait.ge [sflag:s2], $0x2800  }
0x1dd: {  	s1 =	rddreg [dreg:$0xd];
	[sflag:s2] =	ssyncset.done $0x0  }
0x1de: {  	s0 =	smul.u32 $0xF00, s14;
	s30 =	sadd.s32 s1, s26;
	[sflag:s2] =	ssyncadd.s32 $0xFFFFD800  }
0x1df: {  	s31 =	simm.s32 $0xA200;
	p0 =	sgt.u32 s30, $0xEA5;
	s28 =	rddreg [dreg:$0x3]  }
0x1e0: {  	s29 =	simm.s32 $0x0;
	s0 =	sadd.s32 s28, s0;
	s1 =	smul.u32 @!p0 $0x50, s30  }
0x1e1: {  	[hbm4b:s0+s29] =	stream.linear.scatter [tilespmem:s31], [sflag:$0x5], $0x7800, $0x38;
	[tilespmem:$0x19200] =	vst v63  }
0x1e2: {  	s0 =	sshrl.u32 @!p0 s1, $0x3;
	s1 =	rddreg [dreg:$0x6]  }
0x1e3: {  	s0 =	sadd.s32 @!p0 s1, s0;
	s1 =	simm.s32 @!p0 $0x0  }
0x1e4: {  	[tilespmem:s1], [sflag:$0x7] =	stream.linear.gather @!p0 [hbm4b:s0+s1], $0x50, $0x38;
	[tilespmem:$0x19200] =	vst v63  }
0x1e5: {  	s2 =	simm.s32 @!p0 $0x80;
	s0 =	sadd.s32 @!p0 $0x927C, s0  }
0x1e6: {  	[tilespmem:s2], [sflag:$0x7] =	stream.linear.gather @!p0 [hbm4b:s0+s1], $0x50, $0x38;
	[tilespmem:$0x19200] =	vst v63  }
0x1e7: {  	s0 =	sor.u32 $0x20, s14  }
0x1e8: {  	p0 =	sgt.u32 s0, $0xEA5  }
.Ltmp5:
0x1e9: {  	_ = 	snop;
	(pc) =	sbr.rel @p0 .LBB2_8-.Ltmp5, $1  }
0x1ea: {  	_ =	sdelay $0x3  }
0x1eb: {  	[dreg:$0x11] =	wrdreg s0;
	s15 =	simm.s32 $0x2  }
0x1ec: {  	_ =	swait.ge [sflag:s15], $0x2800  }
0x1ed: {  	[sflag:s15] =	ssyncset.done $0x0  }
0x1ee: {  	[sflag:s15] =	ssyncadd.s32 $0xFFFFD800  }
0x1ef: {  	_ =	swait.ge [sflag:s15], $0x2800  }
0x1f0: {  	[sflag:s15] =	ssyncset.done $0x0  }
0x1f1: {  	s6 =	simm.s32 $0x5300;
	[sflag:s15] =	ssyncadd.s32 $0xFFFFD800  }
0x1f2: {  	s15 =	simm.s32 $0x7B00;
	v0 =	vld [tilespmem:s6+$0x80]  }
0x1f3: {  	v1 =	vld [tilespmem:s15+$0x80];
	_ =	sdelay $0x1  }
0x1f4: {  	v2 =	vld [tilespmem:s6+$0xFFFFFF00]  }
0x1f5: {  	s16 =	simm.s32 $0x0;
	v3 =	vld [tilespmem:s15+$0xFFFFFF00]  }
0x1f6: {  	s0 =	smul.u32 $0x3000, s16  }
0x1f7: {  	v4 =	vld [tilespmem:s6+$0xFFFFFF80];
	v5 =	vadd.f32 v1, v0  }
0x1f8: {  	s1 =	simm.s32 $0x180;
	s0 =	sshra.s32 s0, $0x2;
	v6 =	vld [tilespmem:s15+$0xFFFFFF80]  }
0x1f9: {  	s1 =	sand.u32 $0x380, s1;
	s2 =	sadd.s32 $0x11E00, s0;
	v7 =	vld [tilespmem:s6+$0x0];
	v0 =	vsub.f32 v0, v1;
	v5 =	vmul.f32 $5.000000000e-01, v5  }
0x1fa: {  	s0 =	sadd.s32 $0x12200, s0;
	s22 =	sadd.s32 s1, s2;
	v1 =	vld [tilespmem:s15+$0x0];
	v8 =	vadd.f32 v3, v2  }
0x1fb: {  	s3 =	simm.s32 $0x0;
	s4 =	sadd.s32 s1, s0;
	v0 =	vand.u32 $0x7FFFFFFF, v0;
	[tilespmem:s22+$0x0] =	vst v5  }
0x1fc: {  	s17 =	sand.u32 $0x200, s3;
	v2 =	vsub.f32 v2, v3;
	v3 =	vmul.f32 $5.000000000e-01, v8;
	[tilespmem:s4+$0x0] =	vst v0  }
0x1fd: {  	s13 =	sadd.s32 s17, s2;
	v0 =	vadd.f32 v6, v4;
	v5 =	vld [tilespmem:s6+$0x90]  }
0x1fe: {  	s18 =	simm.s32 $0x80;
	s12 =	sadd.s32 s17, s0;
	v2 =	vand.u32 $0x7FFFFFFF, v2;
	[tilespmem:s13+$0x0] =	vst v3;
	v3 =	vld [tilespmem:s15+$0x90]  }
0x1ff: {  	s19 =	sand.u32 $0x280, s18;
	v4 =	vsub.f32 v4, v6;
	v6 =	vadd.f32 v1, v7;
	[tilespmem:s12+$0x0] =	vst v2;
	v0 =	vmul.f32 $5.000000000e-01, v0  }
0x200: {  	s20 =	simm.s32 $0x100;
	s14 =	sadd.s32 s19, s2;
	v2 =	vld [tilespmem:s6+$0xFFFFFF10]  }
0x201: {  	s5 =	sand.u32 $0x300, s20;
	s3 =	sadd.s32 s19, s0;
	v1 =	vsub.f32 v7, v1;
	v4 =	vand.u32 $0x7FFFFFFF, v4;
	v6 =	vmul.f32 $5.000000000e-01, v6;
	[tilespmem:s14+$0x0] =	vst v0;
	v0 =	vld [tilespmem:s15+$0xFFFFFF10]  }
0x202: {  	s19 =	sadd.s32 s5, s2;
	[tilespmem:s3+$0x0] =	vst v4  }
0x203: {  	s18 =	sadd.s32 s5, s0;
	v1 =	vand.u32 $0x7FFFFFFF, v1;
	[tilespmem:s19+$0x0] =	vst v6;
	v4 =	vld [tilespmem:s6+$0xFFFFFF90];
	v6 =	vadd.f32 v3, v5  }
0x204: {  	[tilespmem:s18+$0x0] =	vst v1;
	v7 =	vld [tilespmem:s15+$0xFFFFFF90]  }
0x205: {  	v3 =	vsub.f32 v5, v3;
	v5 =	vld [tilespmem:s6+$0x10];
	v1 =	vmul.f32 $5.000000000e-01, v6  }
0x206: {  	v8 =	vld [tilespmem:s15+$0x10];
	v6 =	vadd.f32 v0, v2  }
0x207: {  	[tilespmem:s22+$0x10] =	vst v1;
	v1 =	vand.u32 $0x7FFFFFFF, v3  }
0x208: {  	v0 =	vsub.f32 v2, v0;
	v2 =	vmul.f32 $5.000000000e-01, v6;
	[tilespmem:s4+$0x10] =	vst v1  }
0x209: {  	v1 =	vadd.f32 v7, v4;
	v3 =	vld [tilespmem:s6+$0xA0]  }
0x20a: {  	v0 =	vand.u32 $0x7FFFFFFF, v0;
	[tilespmem:s13+$0x10] =	vst v2;
	v2 =	vld [tilespmem:s15+$0xA0]  }
0x20b: {  	v4 =	vsub.f32 v4, v7;
	v1 =	vmul.f32 $5.000000000e-01, v1;
	[tilespmem:s12+$0x10] =	vst v0;
	v0 =	vadd.f32 v8, v5  }
0x20c: {  	v6 =	vld [tilespmem:s6+$0xFFFFFF20]  }
0x20d: {  	v4 =	vand.u32 $0x7FFFFFFF, v4;
	v5 =	vsub.f32 v5, v8;
	[tilespmem:s14+$0x10] =	vst v1;
	v1 =	vld [tilespmem:s15+$0xFFFFFF20];
	v0 =	vmul.f32 $5.000000000e-01, v0  }
0x20e: {  	[tilespmem:s3+$0x10] =	vst v4  }
0x20f: {  	v5 =	vand.u32 $0x7FFFFFFF, v5;
	v4 =	vld [tilespmem:s6+$0xFFFFFFA0];
	v7 =	vadd.f32 v2, v3;
	[tilespmem:s19+$0x10] =	vst v0  }
0x210: {  	v0 =	vld [tilespmem:s15+$0xFFFFFFA0];
	[tilespmem:s18+$0x10] =	vst v5  }
0x211: {  	v2 =	vsub.f32 v3, v2;
	v5 =	vmul.f32 $5.000000000e-01, v7;
	v3 =	vld [tilespmem:s6+$0x20]  }
0x212: {  	v7 =	vadd.f32 v1, v6;
	v8 =	vld [tilespmem:s15+$0x20]  }
0x213: {  	v2 =	vand.u32 $0x7FFFFFFF, v2;
	[tilespmem:s22+$0x20] =	vst v5  }
0x214: {  	v1 =	vsub.f32 v6, v1;
	v5 =	vmul.f32 $5.000000000e-01, v7;
	[tilespmem:s4+$0x20] =	vst v2  }
0x215: {  	v2 =	vadd.f32 v0, v4;
	v6 =	vld [tilespmem:s6+$0xB0]  }
0x216: {  	v1 =	vand.u32 $0x7FFFFFFF, v1;
	[tilespmem:s13+$0x20] =	vst v5;
	v5 =	vld [tilespmem:s15+$0xB0]  }
0x217: {  	v0 =	vsub.f32 v4, v0;
	v2 =	vmul.f32 $5.000000000e-01, v2;
	[tilespmem:s12+$0x20] =	vst v1;
	v1 =	vadd.f32 v8, v3  }
0x218: {  	v4 =	vld [tilespmem:s6+$0xFFFFFF30]  }
0x219: {  	v0 =	vand.u32 $0x7FFFFFFF, v0;
	v3 =	vsub.f32 v3, v8;
	[tilespmem:s14+$0x20] =	vst v2;
	v2 =	vld [tilespmem:s15+$0xFFFFFF30];
	v1 =	vmul.f32 $5.000000000e-01, v1  }
0x21a: {  	[tilespmem:s3+$0x20] =	vst v0  }
0x21b: {  	v3 =	vand.u32 $0x7FFFFFFF, v3;
	v0 =	vld [tilespmem:s6+$0xFFFFFFB0];
	v7 =	vadd.f32 v5, v6;
	[tilespmem:s19+$0x20] =	vst v1  }
0x21c: {  	v1 =	vld [tilespmem:s15+$0xFFFFFFB0];
	[tilespmem:s18+$0x20] =	vst v3  }
0x21d: {  	v5 =	vsub.f32 v6, v5;
	v3 =	vmul.f32 $5.000000000e-01, v7;
	v6 =	vld [tilespmem:s6+$0x30]  }
0x21e: {  	s5 =	simm.s32 $0x5500;
	v8 =	vld [tilespmem:s15+$0x30];
	v7 =	vadd.f32 v2, v4  }
0x21f: {  	s10 =	simm.s32 $0x7D00;
	[tilespmem:s22+$0x30] =	vst v3;
	v3 =	vand.u32 $0x7FFFFFFF, v5;
	v5 =	vld [tilespmem:s5+$0x80]  }
0x220: {  	v2 =	vsub.f32 v4, v2;
	v4 =	vmul.f32 $5.000000000e-01, v7;
	[tilespmem:s4+$0x30] =	vst v3;
	v3 =	vld [tilespmem:s10+$0x80]  }
0x221: {  	v7 =	vadd.f32 v1, v0;
	v9 =	vld [tilespmem:s6+$0xC0]  }
0x222: {  	v2 =	vand.u32 $0x7FFFFFFF, v2;
	[tilespmem:s13+$0x30] =	vst v4;
	v4 =	vld [tilespmem:s15+$0xC0]  }
0x223: {  	s21 =	simm.s32 $0x0;
	v0 =	vsub.f32 v0, v1;
	v1 =	vmul.f32 $5.000000000e-01, v7;
	[tilespmem:s12+$0x30] =	vst v2;
	v2 =	vadd.f32 v8, v6  }
0x224: {  	s0 =	smul.u32 $0x3000, s21;
	v6 =	vsub.f32 v6, v8;
	v7 =	vld [tilespmem:s6+$0xFFFFFF40]  }
0x225: {  	v0 =	vand.u32 $0x7FFFFFFF, v0;
	[tilespmem:s14+$0x30] =	vst v1;
	v1 =	vld [tilespmem:s15+$0xFFFFFF40];
	v2 =	vmul.f32 $5.000000000e-01, v2;
	v8 =	vadd.f32 v3, v5  }
0x226: {  	s23 =	simm.s32 $0x380;
	s0 =	sshra.s32 s0, $0x2;
	[tilespmem:s3+$0x30] =	vst v0;
	v0 =	vand.u32 $0x7FFFFFFF, v6  }
0x227: {  	s1 =	sand.u32 $0x380, s23;
	s7 =	sadd.s32 $0x11E00, s0;
	v3 =	vsub.f32 v5, v3;
	v6 =	vadd.f32 v4, v9;
	[tilespmem:s19+$0x30] =	vst v2;
	v2 =	vmul.f32 $5.000000000e-01, v8  }
0x228: {  	v10 =	vld [tilespmem:s5+$0xFFFFFF00];
	s0 =	sadd.s32 $0x12200, s0;
	s28 =	sadd.s32 s1, s7;
	[tilespmem:s18+$0x30] =	vst v0  }
0x229: {  	s2 =	sadd.s32 s1, s0;
	v5 =	vld [tilespmem:s6+$0xFFFFFFC0];
	v4 =	vsub.f32 v9, v4;
	v6 =	vmul.f32 $5.000000000e-01, v6;
	[tilespmem:s28+$0x0] =	vst v2;
	v2 =	vand.u32 $0x7FFFFFFF, v3  }
0x22a: {  	v0 =	vld [tilespmem:s15+$0xFFFFFFC0];
	v3 =	vadd.f32 v1, v7;
	[tilespmem:s2+$0x0] =	vst v2  }
0x22b: {  	v2 =	vand.u32 $0x7FFFFFFF, v4;
	[tilespmem:s22+$0x40] =	vst v6;
	v4 =	vld [tilespmem:s5+$0x90]  }
0x22c: {  	v3 =	vmul.f32 $5.000000000e-01, v3;
	[tilespmem:s4+$0x40] =	vst v2;
	v2 =	vld [tilespmem:s10+$0x90]  }
0x22d: {  	v1 =	vsub.f32 v7, v1;
	v6 =	vld [tilespmem:s6+$0xD0]  }
0x22e: {  	[tilespmem:s13+$0x40] =	vst v3;
	v3 =	vld [tilespmem:s15+$0xD0]  }
0x22f: {  	v12 =	vld [tilespmem:s10+$0xFFFFFF00];
	v1 =	vand.u32 $0x7FFFFFFF, v1  }
0x230: {  	v8 =	vld [tilespmem:s6+$0x40];
	[tilespmem:s12+$0x40] =	vst v1;
	v1 =	vadd.f32 v0, v5  }
0x231: {  	v7 =	vld [tilespmem:s15+$0x40];
	v11 =	vadd.f32 v2, v4  }
0x232: {  	v14 =	vld [tilespmem:s5+$0xFFFFFF80];
	v1 =	vmul.f32 $5.000000000e-01, v1  }
0x233: {  	v9 =	vld [tilespmem:s6+$0xFFFFFF50];
	v2 =	vsub.f32 v4, v2;
	v13 =	vadd.f32 v3, v6;
	v11 =	vmul.f32 $5.000000000e-01, v11  }
0x234: {  	[tilespmem:s14+$0x40] =	vst v1;
	v1 =	vld [tilespmem:s10+$0xFFFFFF80]  }
0x235: {  	v3 =	vsub.f32 v6, v3;
	v6 =	vld [tilespmem:s5+$0x0];
	v2 =	vand.u32 $0x7FFFFFFF, v2;
	v4 =	vmul.f32 $5.000000000e-01, v13;
	[tilespmem:s28+$0x10] =	vst v11  }
0x236: {  	v0 =	vsub.f32 v5, v0;
	v5 =	vadd.f32 v7, v8;
	v11 =	vld [tilespmem:s10+$0x0];
	[tilespmem:s2+$0x10] =	vst v2  }
0x237: {  	[tilespmem:s22+$0x50] =	vst v4;
	v2 =	vand.u32 $0x7FFFFFFF, v3;
	v3 =	vadd.f32 v12, v10;
	v4 =	vld [tilespmem:s5+$0xA0]  }
0x238: {  	s24 =	simm.s32 $0x200;
	v0 =	vand.u32 $0x7FFFFFFF, v0;
	v5 =	vmul.f32 $5.000000000e-01, v5;
	[tilespmem:s4+$0x50] =	vst v2;
	v2 =	vld [tilespmem:s10+$0xA0]  }
0x239: {  	s1 =	sand.u32 $0x200, s24;
	[tilespmem:s3+$0x40] =	vst v0;
	v10 =	vsub.f32 v10, v12;
	v12 =	vadd.f32 v1, v14;
	v0 =	vld [tilespmem:s6+$0xE0];
	v3 =	vmul.f32 $5.000000000e-01, v3  }
0x23a: {  	s8 =	simm.s32 $0x280;
	s9 =	sadd.s32 s1, s7;
	[tilespmem:s19+$0x40] =	vst v5;
	v5 =	vld [tilespmem:s15+$0xE0]  }
0x23b: {  	s8 =	sand.u32 $0x280, s8;
	s21 =	sadd.s32 s1, s0;
	v13 =	vld [tilespmem:s15+$0xFFFFFF50];
	v1 =	vsub.f32 v14, v1;
	v10 =	vand.u32 $0x7FFFFFFF, v10;
	v12 =	vmul.f32 $5.000000000e-01, v12;
	[tilespmem:s9+$0x0] =	vst v3  }
0x23c: {  	s16 =	sadd.s32 s8, s7;
	v3 =	vsub.f32 v8, v7;
	v7 =	vld [tilespmem:s6+$0xFFFFFFD0];
	v8 =	vadd.f32 v11, v6;
	[tilespmem:s21+$0x0] =	vst v10  }
0x23d: {  	s31 =	simm.s32 $0x300;
	s20 =	sadd.s32 s8, s0;
	v1 =	vand.u32 $0x7FFFFFFF, v1;
	[tilespmem:s16+$0x0] =	vst v12;
	v10 =	vld [tilespmem:s5+$0xFFFFFF10];
	v12 =	vadd.f32 v2, v4  }
0x23e: {  	s1 =	sand.u32 $0x300, s31;
	v3 =	vand.u32 $0x7FFFFFFF, v3;
	v8 =	vmul.f32 $5.000000000e-01, v8;
	v14 =	vld [tilespmem:s10+$0xFFFFFF10];
	[tilespmem:s20+$0x0] =	vst v1  }
0x23f: {  	s11 =	sadd.s32 s1, s7;
	v2 =	vsub.f32 v4, v2;
	[tilespmem:s18+$0x40] =	vst v3;
	v1 =	vadd.f32 v5, v0;
	v3 =	vld [tilespmem:s5+$0xFFFFFF90];
	v12 =	vmul.f32 $5.000000000e-01, v12  }
0x240: {  	v4 =	vld [tilespmem:s10+$0xFFFFFF90];
	[tilespmem:s11+$0x0] =	vst v8  }
0x241: {  	v8 =	vld [tilespmem:s15+$0xFFFFFFD0];
	v2 =	vand.u32 $0x7FFFFFFF, v2;
	v1 =	vmul.f32 $5.000000000e-01, v1;
	[tilespmem:s28+$0x20] =	vst v12  }
0x242: {  	v0 =	vsub.f32 v0, v5;
	v5 =	vsub.f32 v6, v11;
	v6 =	vld [tilespmem:s6+$0x50];
	[tilespmem:s2+$0x20] =	vst v2  }
0x243: {  	[tilespmem:s22+$0x60] =	vst v1;
	v1 =	vadd.f32 v14, v10;
	v2 =	vld [tilespmem:s5+$0xB0]  }
0x244: {  	s8 =	sadd.s32 s1, s0;
	v0 =	vand.u32 $0x7FFFFFFF, v0;
	v5 =	vand.u32 $0x7FFFFFFF, v5;
	v11 =	vld [tilespmem:s10+$0xB0]  }
0x245: {  	v15 =	vld [tilespmem:s15+$0x50];
	[tilespmem:s8+$0x0] =	vst v5;
	v5 =	vsub.f32 v10, v14;
	v10 =	vadd.f32 v4, v3;
	v1 =	vmul.f32 $5.000000000e-01, v1  }
0x246: {  	v12 =	vadd.f32 v13, v9;
	v14 =	vld [tilespmem:s5+$0x10];
	[tilespmem:s4+$0x60] =	vst v0  }
0x247: {  	v3 =	vsub.f32 v3, v4;
	v4 =	vld [tilespmem:s10+$0x10];
	v5 =	vand.u32 $0x7FFFFFFF, v5;
	[tilespmem:s9+$0x10] =	vst v1;
	v1 =	vmul.f32 $5.000000000e-01, v10  }
0x248: {  	v9 =	vsub.f32 v9, v13;
	v0 =	vld [tilespmem:s6+$0xF0];
	[tilespmem:s21+$0x10] =	vst v5  }
0x249: {  	v3 =	vand.u32 $0x7FFFFFFF, v3;
	v5 =	vmul.f32 $5.000000000e-01, v12;
	v12 =	vld [tilespmem:s5+$0xFFFFFF20];
	[tilespmem:s16+$0x10] =	vst v1;
	v1 =	vadd.f32 v11, v2  }
0x24a: {  	v9 =	vand.u32 $0x7FFFFFFF, v9;
	v13 =	vld [tilespmem:s10+$0xFFFFFF20];
	[tilespmem:s20+$0x10] =	vst v3  }
0x24b: {  	v2 =	vsub.f32 v2, v11;
	v3 =	vadd.f32 v8, v7;
	[tilespmem:s13+$0x50] =	vst v5;
	v5 =	vld [tilespmem:s5+$0xFFFFFFA0];
	v1 =	vmul.f32 $5.000000000e-01, v1  }
0x24c: {  	[tilespmem:s12+$0x50] =	vst v9;
	v9 =	vadd.f32 v4, v14;
	v11 =	vld [tilespmem:s10+$0xFFFFFFA0]  }
0x24d: {  	v10 =	vld [tilespmem:s15+$0xF0];
	v3 =	vmul.f32 $5.000000000e-01, v3;
	[tilespmem:s28+$0x30] =	vst v1;
	v1 =	vand.u32 $0x7FFFFFFF, v2  }
0x24e: {  	v4 =	vsub.f32 v14, v4;
	v2 =	vsub.f32 v7, v8;
	v7 =	vmul.f32 $5.000000000e-01, v9;
	v8 =	vld [tilespmem:s6+$0xFFFFFF60];
	[tilespmem:s2+$0x30] =	vst v1  }
0x24f: {  	[tilespmem:s14+$0x50] =	vst v3;
	v1 =	vadd.f32 v13, v12;
	v3 =	vld [tilespmem:s5+$0xC0]  }
0x250: {  	v4 =	vand.u32 $0x7FFFFFFF, v4;
	v12 =	vsub.f32 v12, v13;
	[tilespmem:s11+$0x10] =	vst v7;
	v7 =	vld [tilespmem:s10+$0xC0]  }
0x251: {  	v9 =	vld [tilespmem:s15+$0xFFFFFF60];
	v2 =	vand.u32 $0x7FFFFFFF, v2;
	[tilespmem:s8+$0x10] =	vst v4;
	v1 =	vmul.f32 $5.000000000e-01, v1;
	v4 =	vadd.f32 v11, v5  }
0x252: {  	v13 =	vadd.f32 v15, v6;
	[tilespmem:s3+$0x50] =	vst v2;
	v14 =	vld [tilespmem:s5+$0x20]  }
0x253: {  	v2 =	vsub.f32 v5, v11;
	v11 =	vand.u32 $0x7FFFFFFF, v12;
	v5 =	vld [tilespmem:s10+$0x20];
	[tilespmem:s9+$0x20] =	vst v1;
	v1 =	vmul.f32 $5.000000000e-01, v4  }
0x254: {  	v4 =	vsub.f32 v6, v15;
	v6 =	vld [tilespmem:s6+$0xFFFFFFE0];
	[tilespmem:s21+$0x20] =	vst v11  }
0x255: {  	v2 =	vand.u32 $0x7FFFFFFF, v2;
	v11 =	vmul.f32 $5.000000000e-01, v13;
	v12 =	vld [tilespmem:s5+$0xFFFFFF30];
	[tilespmem:s16+$0x20] =	vst v1;
	v1 =	vadd.f32 v7, v3  }
0x256: {  	v4 =	vand.u32 $0x7FFFFFFF, v4;
	v13 =	vld [tilespmem:s10+$0xFFFFFF30];
	[tilespmem:s20+$0x20] =	vst v2  }
0x257: {  	v3 =	vsub.f32 v3, v7;
	v2 =	vadd.f32 v9, v8;
	[tilespmem:s19+$0x50] =	vst v11;
	v15 =	vld [tilespmem:s5+$0xFFFFFFB0];
	v1 =	vmul.f32 $5.000000000e-01, v1  }
0x258: {  	v7 =	vadd.f32 v5, v14;
	v11 =	vld [tilespmem:s10+$0xFFFFFFB0];
	[tilespmem:s18+$0x50] =	vst v4  }
0x259: {  	v4 =	vld [tilespmem:s15+$0xFFFFFFE0];
	v2 =	vmul.f32 $5.000000000e-01, v2;
	[tilespmem:s28+$0x40] =	vst v1;
	v1 =	vand.u32 $0x7FFFFFFF, v3  }
0x25a: {  	v5 =	vsub.f32 v14, v5;
	v3 =	vsub.f32 v8, v9;
	v7 =	vmul.f32 $5.000000000e-01, v7;
	v8 =	vld [tilespmem:s6+$0x60];
	[tilespmem:s2+$0x40] =	vst v1  }
0x25b: {  	[tilespmem:s13+$0x60] =	vst v2;
	v1 =	vadd.f32 v13, v12;
	v2 =	vld [tilespmem:s5+$0xD0]  }
0x25c: {  	v5 =	vand.u32 $0x7FFFFFFF, v5;
	v9 =	vsub.f32 v12, v13;
	[tilespmem:s11+$0x20] =	vst v7;
	v7 =	vld [tilespmem:s10+$0xD0]  }
0x25d: {  	v3 =	vand.u32 $0x7FFFFFFF, v3;
	[tilespmem:s8+$0x20] =	vst v5;
	v5 =	vld [tilespmem:s15+$0x60];
	v1 =	vmul.f32 $5.000000000e-01, v1;
	v12 =	vadd.f32 v11, v15  }
0x25e: {  	v11 =	vsub.f32 v15, v11;
	[tilespmem:s12+$0x60] =	vst v3;
	v13 =	vld [tilespmem:s5+$0x30]  }
0x25f: {  	v9 =	vand.u32 $0x7FFFFFFF, v9;
	v14 =	vadd.f32 v4, v6;
	v3 =	vld [tilespmem:s10+$0x30];
	[tilespmem:s9+$0x30] =	vst v1;
	v1 =	vmul.f32 $5.000000000e-01, v12  }
0x260: {  	v4 =	vsub.f32 v6, v4;
	v6 =	vld [tilespmem:s6+$0xFFFFFF70];
	[tilespmem:s21+$0x30] =	vst v9  }
0x261: {  	v9 =	vand.u32 $0x7FFFFFFF, v11;
	v11 =	vmul.f32 $5.000000000e-01, v14;
	v12 =	vld [tilespmem:s5+$0xFFFFFF40];
	[tilespmem:s16+$0x30] =	vst v1;
	v1 =	vadd.f32 v7, v2  }
0x262: {  	v4 =	vand.u32 $0x7FFFFFFF, v4;
	v15 =	vld [tilespmem:s10+$0xFFFFFF40];
	[tilespmem:s20+$0x30] =	vst v9  }
0x263: {  	v14 =	vadd.f32 v10, v0;
	v2 =	vsub.f32 v2, v7;
	[tilespmem:s14+$0x60] =	vst v11;
	v9 =	vld [tilespmem:s5+$0xFFFFFFC0];
	v1 =	vmul.f32 $5.000000000e-01, v1  }
0x264: {  	v7 =	vadd.f32 v3, v13;
	v11 =	vld [tilespmem:s10+$0xFFFFFFC0];
	[tilespmem:s3+$0x60] =	vst v4  }
0x265: {  	v4 =	vmul.f32 $5.000000000e-01, v14;
	v14 =	vld [tilespmem:s15+$0xFFFFFF70];
	[tilespmem:s28+$0x50] =	vst v1;
	v1 =	vand.u32 $0x7FFFFFFF, v2  }
0x266: {  	v2 =	vsub.f32 v13, v3;
	v3 =	vmul.f32 $5.000000000e-01, v7;
	v7 =	vld [tilespmem:s6+$0xFFFFFFF0];
	[tilespmem:s2+$0x50] =	vst v1  }
0x267: {  	v0 =	vsub.f32 v0, v10;
	[tilespmem:s22+$0x70] =	vst v4;
	v1 =	vadd.f32 v5, v8;
	v4 =	vld [tilespmem:s5+$0xE0]  }
0x268: {  	v5 =	vsub.f32 v8, v5;
	v8 =	vadd.f32 v15, v12;
	v2 =	vand.u32 $0x7FFFFFFF, v2;
	[tilespmem:s11+$0x30] =	vst v3;
	v3 =	vld [tilespmem:s10+$0xE0]  }
0x269: {  	s24 =	simm.s32 $0x5700;
	v0 =	vand.u32 $0x7FFFFFFF, v0;
	v1 =	vmul.f32 $5.000000000e-01, v1;
	[tilespmem:s8+$0x30] =	vst v2;
	v2 =	vld [tilespmem:s15+$0xFFFFFFF0]  }
0x26a: {  	[tilespmem:s4+$0x70] =	vst v0;
	v8 =	vmul.f32 $5.000000000e-01, v8;
	v10 =	vadd.f32 v11, v9;
	v9 =	vsub.f32 v9, v11;
	v11 =	vld [tilespmem:s24+$0x80]  }
0x26b: {  	v0 =	vand.u32 $0x7FFFFFFF, v5;
	v5 =	vld [tilespmem:s5+$0x40];
	[tilespmem:s19+$0x60] =	vst v1;
	v1 =	vsub.f32 v12, v15  }
0x26c: {  	s4 =	simm.s32 $0x7F00;
	v13 =	vadd.f32 v14, v6;
	v12 =	vld [tilespmem:s10+$0x40];
	[tilespmem:s9+$0x40] =	vst v8  }
0x26d: {  	v8 =	vld [tilespmem:s4+$0x80];
	[tilespmem:s18+$0x60] =	vst v0;
	v0 =	vand.u32 $0x7FFFFFFF, v1;
	v1 =	vmul.f32 $5.000000000e-01, v10;
	v10 =	vadd.f32 v3, v4  }
0x26e: {  	v3 =	vsub.f32 v4, v3;
	v4 =	vsub.f32 v6, v14;
	v6 =	vld [tilespmem:s4+$0xFFFFFF00];
	[tilespmem:s21+$0x40] =	vst v0  }
0x26f: {  	v9 =	vand.u32 $0x7FFFFFFF, v9;
	v0 =	vld [tilespmem:s6+$0x70];
	[tilespmem:s16+$0x40] =	vst v1;
	v10 =	vmul.f32 $5.000000000e-01, v10  }
0x270: {  	s6 =	simm.s32 $0x1;
	v1 =	vld [tilespmem:s24+$0xFFFFFF00];
	[tilespmem:s20+$0x40] =	vst v9  }
0x271: {  	v14 =	vld [tilespmem:s24+$0xFFFFFF80];
	s0 =	smul.u32 $0x3000, s6;
	v3 =	vand.u32 $0x7FFFFFFF, v3;
	v9 =	vmul.f32 $5.000000000e-01, v13;
	v13 =	vadd.f32 v2, v7;
	[tilespmem:s28+$0x60] =	vst v10  }
0x272: {  	v15 =	vadd.f32 v8, v11;
	v10 =	vld [tilespmem:s4+$0xFFFFFF80];
	[tilespmem:s2+$0x60] =	vst v3  }
0x273: {  	s7 =	simm.s32 $0x580;
	s0 =	sshra.s32 s0, $0x2;
	v3 =	vand.u32 $0x7FFFFFFF, v4;
	v4 =	vmul.f32 $5.000000000e-01, v13;
	[tilespmem:s13+$0x70] =	vst v9;
	v9 =	vld [tilespmem:s5+$0xF0]  }
0x274: {  	s1 =	sand.u32 $0x380, s7;
	v2 =	vsub.f32 v7, v2;
	v7 =	vsub.f32 v11, v8;
	s13 =	sadd.s32 $0x11E00, s0;
	[tilespmem:s12+$0x70] =	vst v3;
	v3 =	vmul.f32 $5.000000000e-01, v15;
	v8 =	vld [tilespmem:s10+$0xF0]  }
0x275: {  	v11 =	vld [tilespmem:s5+$0xFFFFFF50];
	s0 =	sadd.s32 $0x12200, s0;
	s23 =	sadd.s32 s1, s13;
	[tilespmem:s14+$0x70] =	vst v4;
	v4 =	vadd.f32 v6, v1  }
0x276: {  	v2 =	vand.u32 $0x7FFFFFFF, v2;
	v13 =	vld [tilespmem:s24+$0x0];
	s29 =	sadd.s32 s1, s0;
	s14 =	simm.s32 $0x400;
	[tilespmem:s23+$0x0] =	vst v3;
	v3 =	vand.u32 $0x7FFFFFFF, v7  }
0x277: {  	v1 =	vsub.f32 v1, v6;
	v7 =	vld [tilespmem:s4+$0x0];
	s17 =	sand.u32 $0x200, s14;
	v6 =	vadd.f32 v10, v14;
	v4 =	vmul.f32 $5.000000000e-01, v4;
	[tilespmem:s29+$0x0] =	vst v3  }
0x278: {  	s22 =	simm.s32 $0x480;
	[tilespmem:s3+$0x70] =	vst v2;
	v2 =	vsub.f32 v14, v10;
	s6 =	sadd.s32 s17, s13;
	v3 =	vld [tilespmem:s24+$0x90]  }
0x279: {  	s12 =	sand.u32 $0x280, s22;
	v1 =	vand.u32 $0x7FFFFFFF, v1;
	s22 =	sadd.s32 s17, s0;
	v6 =	vmul.f32 $5.000000000e-01, v6;
	[tilespmem:s6+$0x0] =	vst v4;
	v4 =	vld [tilespmem:s4+$0x90];
	v10 =	vadd.f32 v8, v9  }
0x27a: {  	v15 =	vld [tilespmem:s10+$0xFFFFFF50];
	s3 =	sadd.s32 s12, s13;
	v14 =	vadd.f32 v12, v5;
	[tilespmem:s22+$0x0] =	vst v1  }
0x27b: {  	s12 =	sadd.s32 s12, s0;
	v1 =	vand.u32 $0x7FFFFFFF, v2;
	v2 =	vld [tilespmem:s24+$0xFFFFFF10];
	[tilespmem:s3+$0x0] =	vst v6;
	v6 =	vmul.f32 $5.000000000e-01, v10  }
0x27c: {  	v5 =	vsub.f32 v5, v12;
	v10 =	vmul.f32 $5.000000000e-01, v14;
	v12 =	vadd.f32 v7, v13;
	v14 =	vld [tilespmem:s4+$0xFFFFFF10];
	[tilespmem:s12+$0x0] =	vst v1  }
0x27d: {  	s31 =	simm.s32 $0x500;
	v1 =	vsub.f32 v13, v7;
	[tilespmem:s28+$0x70] =	vst v6;
	v6 =	vld [tilespmem:s24+$0xFFFFFF90]  }
0x27e: {  	s1 =	sand.u32 $0x300, s31;
	v5 =	vand.u32 $0x7FFFFFFF, v5;
	[tilespmem:s11+$0x40] =	vst v10;
	v7 =	vmul.f32 $5.000000000e-01, v12;
	v10 =	vld [tilespmem:s4+$0xFFFFFF90];
	v12 =	vadd.f32 v4, v3  }
0x27f: {  	s13 =	sadd.s32 s1, s13;
	v13 =	vld [tilespmem:s10+$0xFFFFFFD0];
	[tilespmem:s8+$0x40] =	vst v5;
	v1 =	vand.u32 $0x7FFFFFFF, v1  }
0x280: {  	s28 =	sadd.s32 s1, s0;
	v5 =	vld [tilespmem:s5+$0xFFFFFFD0];
	v3 =	vsub.f32 v3, v4;
	[tilespmem:s13+$0x0] =	vst v7;
	v7 =	vadd.f32 v15, v11;
	v12 =	vmul.f32 $5.000000000e-01, v12  }
0x281: {  	v4 =	vld [tilespmem:s5+$0x50];
	[tilespmem:s28+$0x0] =	vst v1;
	v1 =	vadd.f32 v14, v2  }
0x282: {  	v3 =	vand.u32 $0x7FFFFFFF, v3;
	v7 =	vmul.f32 $5.000000000e-01, v7;
	[tilespmem:s23+$0x10] =	vst v12;
	v12 =	vld [tilespmem:s24+$0x10]  }
0x283: {  	v2 =	vsub.f32 v2, v14;
	v1 =	vmul.f32 $5.000000000e-01, v1;
	v14 =	vadd.f32 v10, v6;
	[tilespmem:s29+$0x10] =	vst v3;
	v3 =	vld [tilespmem:s4+$0x10]  }
0x284: {  	[tilespmem:s9+$0x50] =	vst v7;
	v7 =	vld [tilespmem:s24+$0xA0]  }
0x285: {  	v6 =	vsub.f32 v6, v10;
	v2 =	vand.u32 $0x7FFFFFFF, v2;
	[tilespmem:s6+$0x10] =	vst v1;
	v1 =	vmul.f32 $5.000000000e-01, v14;
	v10 =	vld [tilespmem:s4+$0xA0]  }
0x286: {  	v11 =	vsub.f32 v11, v15;
	v14 =	vadd.f32 v13, v5;
	[tilespmem:s22+$0x10] =	vst v2;
	v2 =	vld [tilespmem:s10+$0x50]  }
0x287: {  	v8 =	vsub.f32 v9, v8;
	v6 =	vand.u32 $0x7FFFFFFF, v6;
	v15 =	vld [tilespmem:s24+$0xFFFFFF20];
	[tilespmem:s3+$0x10] =	vst v1  }
0x288: {  	v11 =	vand.u32 $0x7FFFFFFF, v11;
	v1 =	vmul.f32 $5.000000000e-01, v14;
	v14 =	vld [tilespmem:s4+$0xFFFFFF20];
	[tilespmem:s12+$0x10] =	vst v6;
	v6 =	vadd.f32 v3, v12  }
0x289: {  	v8 =	vand.u32 $0x7FFFFFFF, v8;
	[tilespmem:s21+$0x50] =	vst v11;
	v9 =	vld [tilespmem:s24+$0xFFFFFFA0]  }
0x28a: {  	v3 =	vsub.f32 v12, v3;
	[tilespmem:s16+$0x50] =	vst v1;
	v1 =	vld [tilespmem:s4+$0xFFFFFFA0];
	v11 =	vadd.f32 v10, v7;
	v6 =	vmul.f32 $5.000000000e-01, v6  }
0x28b: {  	[tilespmem:s2+$0x70] =	vst v8;
	v5 =	vsub.f32 v5, v13;
	v8 =	vld [tilespmem:s10+$0xFFFFFF60]  }
0x28c: {  	v12 =	vld [tilespmem:s5+$0xFFFFFF60];
	v7 =	vsub.f32 v7, v10;
	v3 =	vand.u32 $0x7FFFFFFF, v3;
	[tilespmem:s13+$0x10] =	vst v6;
	v6 =	vmul.f32 $5.000000000e-01, v11  }
0x28d: {  	v10 =	vadd.f32 v14, v15;
	[tilespmem:s28+$0x10] =	vst v3;
	v3 =	vld [tilespmem:s15+$0x70]  }
0x28e: {  	v5 =	vand.u32 $0x7FFFFFFF, v5;
	v11 =	vld [tilespmem:s24+$0x20];
	[tilespmem:s23+$0x20] =	vst v6;
	v6 =	vand.u32 $0x7FFFFFFF, v7  }
0x28f: {  	v10 =	vmul.f32 $5.000000000e-01, v10;
	v13 =	vadd.f32 v1, v9;
	v7 =	vsub.f32 v15, v14;
	v14 =	vld [tilespmem:s4+$0x20];
	[tilespmem:s29+$0x20] =	vst v6  }
0x290: {  	[tilespmem:s20+$0x50] =	vst v5;
	v1 =	vsub.f32 v9, v1;
	v15 =	vld [tilespmem:s24+$0xB0]  }
0x291: {  	v6 =	vadd.f32 v2, v4;
	[tilespmem:s6+$0x20] =	vst v10;
	v5 =	vand.u32 $0x7FFFFFFF, v7;
	v7 =	vmul.f32 $5.000000000e-01, v13;
	v9 =	vld [tilespmem:s4+$0xB0]  }
0x292: {  	v2 =	vsub.f32 v4, v2;
	v4 =	vld [tilespmem:s5+$0xFFFFFFE0];
	[tilespmem:s22+$0x20] =	vst v5  }
0x293: {  	v1 =	vand.u32 $0x7FFFFFFF, v1;
	v5 =	vmul.f32 $5.000000000e-01, v6;
	v6 =	vadd.f32 v8, v12;
	v10 =	vld [tilespmem:s24+$0xFFFFFF30];
	[tilespmem:s3+$0x20] =	vst v7  }
0x294: {  	v7 =	vld [tilespmem:s4+$0xFFFFFF30];
	[tilespmem:s12+$0x20] =	vst v1;
	v1 =	vadd.f32 v14, v11  }
0x295: {  	v2 =	vand.u32 $0x7FFFFFFF, v2;
	v6 =	vmul.f32 $5.000000000e-01, v6;
	[tilespmem:s11+$0x50] =	vst v5;
	v13 =	vld [tilespmem:s24+$0xFFFFFFB0]  }
0x296: {  	v5 =	vsub.f32 v11, v14;
	v11 =	vld [tilespmem:s4+$0xFFFFFFB0];
	[tilespmem:s8+$0x50] =	vst v2;
	v1 =	vmul.f32 $5.000000000e-01, v1;
	v14 =	vadd.f32 v9, v15  }
0x297: {  	v2 =	vsub.f32 v12, v8;
	[tilespmem:s9+$0x60] =	vst v6;
	v6 =	vld [tilespmem:s10+$0xFFFFFFE0]  }
0x298: {  	v5 =	vand.u32 $0x7FFFFFFF, v5;
	v8 =	vsub.f32 v15, v9;
	v9 =	vld [tilespmem:s5+$0x60];
	[tilespmem:s13+$0x20] =	vst v1;
	v1 =	vmul.f32 $5.000000000e-01, v14  }
0x299: {  	v12 =	vadd.f32 v7, v10;
	[tilespmem:s28+$0x20] =	vst v5;
	v5 =	vld [tilespmem:s10+$0x60]  }
0x29a: {  	v2 =	vand.u32 $0x7FFFFFFF, v2;
	v14 =	vld [tilespmem:s24+$0x30];
	[tilespmem:s23+$0x30] =	vst v1;
	v1 =	vand.u32 $0x7FFFFFFF, v8  }
0x29b: {  	v7 =	vsub.f32 v10, v7;
	v8 =	vmul.f32 $5.000000000e-01, v12;
	v10 =	vadd.f32 v11, v13;
	v12 =	vld [tilespmem:s4+$0x30];
	[tilespmem:s29+$0x30] =	vst v1  }
0x29c: {  	[tilespmem:s21+$0x60] =	vst v2;
	v1 =	vsub.f32 v13, v11;
	v11 =	vld [tilespmem:s24+$0xC0]  }
0x29d: {  	v2 =	vand.u32 $0x7FFFFFFF, v7;
	v7 =	vadd.f32 v6, v4;
	[tilespmem:s6+$0x30] =	vst v8;
	v8 =	vmul.f32 $5.000000000e-01, v10;
	v10 =	vld [tilespmem:s4+$0xC0]  }
0x29e: {  	v4 =	vsub.f32 v4, v6;
	v13 =	vld [tilespmem:s5+$0xFFFFFF70];
	[tilespmem:s22+$0x30] =	vst v2  }
0x29f: {  	v1 =	vand.u32 $0x7FFFFFFF, v1;
	v2 =	vmul.f32 $5.000000000e-01, v7;
	v6 =	vadd.f32 v5, v9;
	v7 =	vld [tilespmem:s24+$0xFFFFFF40];
	[tilespmem:s3+$0x30] =	vst v8  }
0x2a0: {  	v15 =	vld [tilespmem:s4+$0xFFFFFF40];
	[tilespmem:s12+$0x30] =	vst v1;
	v1 =	vadd.f32 v12, v14  }
0x2a1: {  	v4 =	vand.u32 $0x7FFFFFFF, v4;
	[tilespmem:s16+$0x60] =	vst v2;
	v6 =	vmul.f32 $5.000000000e-01, v6;
	v16 =	vld [tilespmem:s24+$0xFFFFFFC0]  }
0x2a2: {  	v2 =	vsub.f32 v14, v12;
	v12 =	vld [tilespmem:s4+$0xFFFFFFC0];
	[tilespmem:s20+$0x60] =	vst v4;
	v1 =	vmul.f32 $5.000000000e-01, v1;
	v8 =	vadd.f32 v10, v11  }
0x2a3: {  	v4 =	vsub.f32 v9, v5;
	v5 =	vld [tilespmem:s10+$0xFFFFFF70];
	[tilespmem:s11+$0x60] =	vst v6  }
0x2a4: {  	v2 =	vand.u32 $0x7FFFFFFF, v2;
	v9 =	vld [tilespmem:s5+$0xFFFFFFF0];
	v6 =	vsub.f32 v11, v10;
	[tilespmem:s13+$0x30] =	vst v1;
	v1 =	vmul.f32 $5.000000000e-01, v8  }
0x2a5: {  	v14 =	vld [tilespmem:s10+$0xFFFFFFF0];
	v10 =	vadd.f32 v3, v0;
	v11 =	vadd.f32 v15, v7;
	[tilespmem:s28+$0x30] =	vst v2  }
0x2a6: {  	v0 =	vsub.f32 v0, v3;
	v3 =	vand.u32 $0x7FFFFFFF, v4;
	v8 =	vld [tilespmem:s24+$0x40];
	[tilespmem:s23+$0x40] =	vst v1;
	v1 =	vand.u32 $0x7FFFFFFF, v6  }
0x2a7: {  	v4 =	vsub.f32 v7, v15;
	v7 =	vmul.f32 $5.000000000e-01, v11;
	v15 =	vadd.f32 v12, v16;
	v11 =	vld [tilespmem:s4+$0x40];
	[tilespmem:s29+$0x40] =	vst v1  }
0x2a8: {  	[tilespmem:s8+$0x60] =	vst v3;
	v2 =	vmul.f32 $5.000000000e-01, v10;
	v12 =	vsub.f32 v16, v12;
	v63 =	vadd.f32 v5, v13;
	v6 =	vld [tilespmem:s24+$0xD0]  }
0x2a9: {  	v3 =	vand.u32 $0x7FFFFFFF, v4;
	v13 =	vsub.f32 v13, v5;
	[tilespmem:s6+$0x40] =	vst v7;
	v15 =	vmul.f32 $5.000000000e-01, v15;
	v10 =	vld [tilespmem:s4+$0xD0]  }
0x2aa: {  	v1 =	vand.u32 $0x7FFFFFFF, v0;
	v0 =	vld [tilespmem:s5+$0x70];
	v5 =	vadd.f32 v14, v9;
	v4 =	vsub.f32 v9, v14;
	[tilespmem:s22+$0x40] =	vst v3  }
0x2ab: {  	s2 =	simm.s32 $0x8;
	s15 =	simm.s32 $0x5900;
	s5 =	simm.s32 $0x7F00;
	v12 =	vand.u32 $0x7FFFFFFF, v12;
	v7 =	vmul.f32 $5.000000000e-01, v63;
	v9 =	vand.u32 $0x7FFFFFFF, v13;
	v3 =	vld [tilespmem:s24+$0xFFFFFF50];
	[tilespmem:s3+$0x40] =	vst v15  }
.LBB2_6:
0x2ac: {  	v13 =	vld [tilespmem:s15+$0x80];
	[tilespmem:s12+$0x40] =	vst v12;
	v12 =	vadd.f32 v11, v8;
	v8 =	vsub.f32 v8, v11;
	s4 =	sadd.s32 $0x200, s4;
	v5 =	vmul.f32 $5.000000000e-01, v5  }
0x2ad: {  	v4 =	vand.u32 $0x7FFFFFFF, v4;
	v11 =	vld [tilespmem:s4+$0x80];
	[tilespmem:s9+$0x70] =	vst v7;
	s9 =	smov.u32 s6  }
0x2ae: {  	v7 =	vld [tilespmem:s15+$0xFFFFFF00];
	v12 =	vmul.f32 $5.000000000e-01, v12;
	v8 =	vand.u32 $0x7FFFFFFF, v8;
	v14 =	vadd.f32 v10, v6;
	[tilespmem:s21+$0x70] =	vst v9;
	s21 =	smov.u32 s22  }
0x2af: {  	s2 =	sadd.s32 $0x4, s2;
	v9 =	vld [tilespmem:s4+$0xFFFFFF00];
	[tilespmem:s16+$0x70] =	vst v5;
	s16 =	smov.u32 s3  }
0x2b0: {  	s0 =	sshrl.u32 s2, $0x3;
	p1 =	slt.u32 s2, $0x4C;
	v6 =	vsub.f32 v6, v10;
	v5 =	vld [tilespmem:s15+$0xFFFFFF80];
	[tilespmem:s13+$0x40] =	vst v12;
	v12 =	vmul.f32 $5.000000000e-01, v14  }
0x2b1: {  	s0 =	smul.u32 $0x3000, s0;
	v10 =	vld [tilespmem:s4+$0xFFFFFF80];
	[tilespmem:s28+$0x40] =	vst v8  }
0x2b2: {  	s14 =	sadd.s32 $0x200, s14;
	v6 =	vand.u32 $0x7FFFFFFF, v6;
	v8 =	vld [tilespmem:s15+$0x0];
	v14 =	vadd.f32 v11, v13;
	[tilespmem:s23+$0x50] =	vst v12  }
0x2b3: {  	s1 =	sadd.s32 $0x80, s14;
	s3 =	sadd.s32 $0x180, s14;
	s0 =	sshra.s32 s0, $0x2;
	v12 =	vld [tilespmem:s4+$0x0];
	[tilespmem:s29+$0x50] =	vst v6  }
0x2b4: {  	s6 =	sadd.s32 $0x100, s14;
	s3 =	sand.u32 $0x380, s3;
	s31 =	sadd.s32 $0x11E00, s0;
	v11 =	vsub.f32 v13, v11;
	v6 =	vadd.f32 v9, v7;
	v14 =	vmul.f32 $5.000000000e-01, v14;
	v13 =	vld [tilespmem:s24+$0xE0];
	[tilespmem:s20+$0x70] =	vst v4  }
0x2b5: {  	s1 =	sand.u32 $0x280, s1;
	v4 =	vsub.f32 v7, v9;
	s20 =	sadd.s32 $0x12200, s0;
	s0 =	sadd.s32 s3, s31;
	v7 =	vld [tilespmem:s5+$0xE0];
	[tilespmem:s19+$0x70] =	vst v2  }
0x2b6: {  	s17 =	sand.u32 $0x300, s6;
	v9 =	vand.u32 $0x7FFFFFFF, v11;
	s19 =	sand.u32 $0x200, s14;
	s7 =	sadd.s32 s3, s20;
	v2 =	vadd.f32 v10, v5;
	v5 =	vsub.f32 v5, v10;
	[tilespmem:s0+$0x0] =	vst v14;
	v10 =	vld [tilespmem:s5+$0xFFFFFF50]  }
0x2b7: {  	s3 =	sadd.s32 s1, s31;
	v6 =	vmul.f32 $5.000000000e-01, v6;
	s6 =	sadd.s32 s19, s31;
	v4 =	vand.u32 $0x7FFFFFFF, v4;
	s22 =	sadd.s32 s19, s20;
	[tilespmem:s7+$0x0] =	vst v9;
	v9 =	vld [tilespmem:s24+$0xFFFFFFD0]  }
0x2b8: {  	s1 =	sadd.s32 s1, s20;
	s31 =	sadd.s32 s17, s31;
	s17 =	sadd.s32 s17, s20;
	v2 =	vmul.f32 $5.000000000e-01, v2;
	v11 =	vadd.f32 v12, v8;
	v8 =	vsub.f32 v8, v12;
	v12 =	vld [tilespmem:s15+$0x90];
	[tilespmem:s18+$0x70] =	vst v1  }
0x2b9: {  	s20 =	smov.u32 s12;
	s12 =	smov.u32 s1;
	s19 =	smov.u32 s11;
	v1 =	vand.u32 $0x7FFFFFFF, v5;
	[tilespmem:s6+$0x0] =	vst v6;
	v5 =	vld [tilespmem:s4+$0x90]  }
0x2ba: {  	s11 =	smov.u32 s13;
	s13 =	smov.u32 s31;
	s18 =	smov.u32 s8;
	[tilespmem:s22+$0x0] =	vst v4;
	v4 =	vmul.f32 $5.000000000e-01, v11;
	v6 =	vand.u32 $0x7FFFFFFF, v8;
	v8 =	vld [tilespmem:s5+$0xFFFFFFD0];
	v11 =	vadd.f32 v7, v13  }
0x2bb: {  	s8 =	smov.u32 s28;
	s28 =	smov.u32 s17;
	v14 =	vld [tilespmem:s15+$0xFFFFFF10];
	[tilespmem:s3+$0x0] =	vst v2;
	v2 =	vadd.f32 v10, v3;
	v3 =	vsub.f32 v3, v10  }
0x2bc: {  	v7 =	vsub.f32 v13, v7;
	v10 =	vld [tilespmem:s4+$0xFFFFFF10];
	[tilespmem:s12+$0x0] =	vst v1;
	v1 =	vmul.f32 $5.000000000e-01, v11  }
0x2bd: {  	v11 =	vld [tilespmem:s15+$0xFFFFFF90];
	[tilespmem:s13+$0x0] =	vst v4;
	v2 =	vmul.f32 $5.000000000e-01, v2;
	v3 =	vand.u32 $0x7FFFFFFF, v3  }
0x2be: {  	v4 =	vld [tilespmem:s4+$0xFFFFFF90];
	v13 =	vadd.f32 v5, v12;
	[tilespmem:s23+$0x60] =	vst v1;
	v1 =	vand.u32 $0x7FFFFFFF, v7  }
0x2bf: {  	v7 =	vadd.f32 v8, v9;
	v8 =	vsub.f32 v9, v8;
	v9 =	vld [tilespmem:s24+$0x50];
	[tilespmem:s29+$0x60] =	vst v1  }
0x2c0: {  	v5 =	vsub.f32 v12, v5;
	[tilespmem:s28+$0x0] =	vst v6;
	v1 =	vmul.f32 $5.000000000e-01, v13;
	v6 =	vld [tilespmem:s24+$0xF0]  }
0x2c1: {  	v12 =	vadd.f32 v10, v14;
	v10 =	vsub.f32 v14, v10;
	[tilespmem:s9+$0x50] =	vst v2;
	v2 =	vmul.f32 $5.000000000e-01, v7;
	v7 =	vld [tilespmem:s5+$0xF0]  }
0x2c2: {  	v13 =	vld [tilespmem:s15+$0x10];
	[tilespmem:s0+$0x10] =	vst v1;
	v1 =	vand.u32 $0x7FFFFFFF, v5;
	v5 =	vand.u32 $0x7FFFFFFF, v8  }
0x2c3: {  	v8 =	vmul.f32 $5.000000000e-01, v12;
	v12 =	vadd.f32 v4, v11;
	v4 =	vsub.f32 v11, v4;
	v11 =	vld [tilespmem:s4+$0x10];
	[tilespmem:s7+$0x10] =	vst v1  }
0x2c4: {  	v1 =	vand.u32 $0x7FFFFFFF, v10;
	v10 =	vld [tilespmem:s15+$0xA0];
	[tilespmem:s21+$0x50] =	vst v3  }
0x2c5: {  	[tilespmem:s6+$0x10] =	vst v8;
	v3 =	vmul.f32 $5.000000000e-01, v12;
	v4 =	vand.u32 $0x7FFFFFFF, v4;
	v8 =	vld [tilespmem:s4+$0xA0]  }
0x2c6: {  	[tilespmem:s22+$0x10] =	vst v1;
	v1 =	vld [tilespmem:s5+$0x50];
	v12 =	vadd.f32 v7, v6  }
0x2c7: {  	v14 =	vld [tilespmem:s15+$0xFFFFFF20];
	[tilespmem:s3+$0x10] =	vst v3  }
0x2c8: {  	v6 =	vsub.f32 v6, v7;
	v3 =	vld [tilespmem:s4+$0xFFFFFF20];
	[tilespmem:s12+$0x10] =	vst v4;
	v4 =	vadd.f32 v11, v13;
	v12 =	vmul.f32 $5.000000000e-01, v12  }
0x2c9: {  	v11 =	vsub.f32 v13, v11;
	v7 =	vld [tilespmem:s15+$0xFFFFFFA0];
	[tilespmem:s16+$0x50] =	vst v2  }
0x2ca: {  	v6 =	vand.u32 $0x7FFFFFFF, v6;
	v2 =	vld [tilespmem:s4+$0xFFFFFFA0];
	v4 =	vmul.f32 $5.000000000e-01, v4;
	v13 =	vadd.f32 v8, v10;
	[tilespmem:s23+$0x70] =	vst v12;
	s23 =	smov.u32 s0  }
0x2cb: {  	v11 =	vand.u32 $0x7FFFFFFF, v11;
	v12 =	vld [tilespmem:s24+$0xFFFFFF60];
	v15 =	vadd.f32 v1, v9;
	v1 =	vsub.f32 v9, v1;
	[tilespmem:s29+$0x70] =	vst v6;
	s29 =	smov.u32 s7  }
0x2cc: {  	v6 =	vsub.f32 v10, v8;
	[tilespmem:s13+$0x10] =	vst v4;
	v4 =	vmul.f32 $5.000000000e-01, v13;
	v8 =	vld [tilespmem:s5+$0xFFFFFF60]  }
0x2cd: {  	v9 =	vadd.f32 v3, v14;
	v3 =	vsub.f32 v14, v3;
	[tilespmem:s28+$0x10] =	vst v11;
	v10 =	vmul.f32 $5.000000000e-01, v15;
	v11 =	vld [tilespmem:s10+$0x70];
	s10 =	smov.u32 s5;
	s5 =	smov.u32 s4  }
0x2ce: {  	v13 =	vld [tilespmem:s15+$0x20];
	[tilespmem:s23+$0x20] =	vst v4;
	v4 =	vand.u32 $0x7FFFFFFF, v6;
	v6 =	vand.u32 $0x7FFFFFFF, v1  }
0x2cf: {  	v1 =	vmul.f32 $5.000000000e-01, v9;
	v9 =	vadd.f32 v2, v7;
	v2 =	vsub.f32 v7, v2;
	v7 =	vld [tilespmem:s4+$0x20];
	[tilespmem:s29+$0x20] =	vst v4  }
0x2d0: {  	v3 =	vand.u32 $0x7FFFFFFF, v3;
	v4 =	vld [tilespmem:s15+$0xB0];
	[tilespmem:s20+$0x50] =	vst v5  }
0x2d1: {  	[tilespmem:s6+$0x20] =	vst v1;
	v1 =	vmul.f32 $5.000000000e-01, v9;
	v2 =	vand.u32 $0x7FFFFFFF, v2;
	v5 =	vld [tilespmem:s4+$0xB0];
	v9 =	vadd.f32 v8, v12  }
0x2d2: {  	[tilespmem:s22+$0x20] =	vst v3;
	v3 =	vsub.f32 v12, v8;
	v8 =	vld [tilespmem:s24+$0xFFFFFFE0];
	v12 =	vadd.f32 v11, v0  }
0x2d3: {  	v0 =	vsub.f32 v0, v11;
	v14 =	vld [tilespmem:s15+$0xFFFFFF30];
	[tilespmem:s3+$0x20] =	vst v1;
	v9 =	vmul.f32 $5.000000000e-01, v9  }
0x2d4: {  	v11 =	vld [tilespmem:s4+$0xFFFFFF30];
	[tilespmem:s12+$0x20] =	vst v2;
	v15 =	vadd.f32 v7, v13;
	v7 =	vsub.f32 v13, v7;
	v3 =	vand.u32 $0x7FFFFFFF, v3  }
0x2d5: {  	v2 =	vmul.f32 $5.000000000e-01, v12;
	v1 =	vand.u32 $0x7FFFFFFF, v0;
	v13 =	vld [tilespmem:s15+$0xFFFFFFB0];
	[tilespmem:s11+$0x50] =	vst v10  }
0x2d6: {  	v0 =	vld [tilespmem:s4+$0xFFFFFFB0];
	v10 =	vmul.f32 $5.000000000e-01, v15;
	v7 =	vand.u32 $0x7FFFFFFF, v7;
	v12 =	vadd.f32 v5, v4;
	[tilespmem:s8+$0x50] =	vst v6  }
0x2d7: {  	[tilespmem:s9+$0x60] =	vst v9;
	v6 =	vld [tilespmem:s10+$0xFFFFFFE0]  }
0x2d8: {  	v4 =	vsub.f32 v4, v5;
	[tilespmem:s13+$0x20] =	vst v10;
	v9 =	vmul.f32 $5.000000000e-01, v12;
	v5 =	vld [tilespmem:s24+$0x60]  }
0x2d9: {  	v10 =	vadd.f32 v11, v14;
	v11 =	vsub.f32 v14, v11;
	[tilespmem:s28+$0x20] =	vst v7;
	v7 =	vld [tilespmem:s10+$0x60]  }
0x2da: {  	v4 =	vand.u32 $0x7FFFFFFF, v4;
	v12 =	vld [tilespmem:s15+$0x30];
	[tilespmem:s23+$0x30] =	vst v9  }
0x2db: {  	v9 =	vmul.f32 $5.000000000e-01, v10;
	v10 =	vadd.f32 v0, v13;
	v0 =	vsub.f32 v13, v0;
	v13 =	vld [tilespmem:s4+$0x30];
	[tilespmem:s29+$0x30] =	vst v4  }
0x2dc: {  	v4 =	vand.u32 $0x7FFFFFFF, v11;
	v11 =	vld [tilespmem:s15+$0xC0];
	[tilespmem:s21+$0x60] =	vst v3;
	v3 =	vadd.f32 v6, v8;
	v6 =	vsub.f32 v8, v6  }
0x2dd: {  	[tilespmem:s6+$0x30] =	vst v9;
	v8 =	vmul.f32 $5.000000000e-01, v10;
	v0 =	vand.u32 $0x7FFFFFFF, v0;
	v9 =	vld [tilespmem:s4+$0xC0]  }
0x2de: {  	[tilespmem:s22+$0x30] =	vst v4;
	v4 =	vld [tilespmem:s24+$0xFFFFFF70];
	v3 =	vmul.f32 $5.000000000e-01, v3;
	v10 =	vadd.f32 v7, v5;
	v5 =	vsub.f32 v5, v7  }
0x2df: {  	v6 =	vand.u32 $0x7FFFFFFF, v6;
	v7 =	vld [tilespmem:s15+$0xFFFFFF40];
	[tilespmem:s3+$0x30] =	vst v8  }
0x2e0: {  	v8 =	vld [tilespmem:s4+$0xFFFFFF40];
	[tilespmem:s12+$0x30] =	vst v0;
	v0 =	vadd.f32 v13, v12;
	v12 =	vsub.f32 v12, v13;
	v10 =	vmul.f32 $5.000000000e-01, v10  }
0x2e1: {  	v13 =	vld [tilespmem:s15+$0xFFFFFFC0];
	[tilespmem:s16+$0x60] =	vst v3;
	v3 =	vand.u32 $0x7FFFFFFF, v5  }
0x2e2: {  	v5 =	vld [tilespmem:s4+$0xFFFFFFC0];
	v0 =	vmul.f32 $5.000000000e-01, v0;
	v12 =	vand.u32 $0x7FFFFFFF, v12;
	v14 =	vadd.f32 v9, v11;
	[tilespmem:s20+$0x60] =	vst v6  }
0x2e3: {  	v15 =	vld [tilespmem:s10+$0xFFFFFF70];
	[tilespmem:s11+$0x60] =	vst v10  }
0x2e4: {  	v6 =	vsub.f32 v11, v9;
	[tilespmem:s13+$0x30] =	vst v0;
	v0 =	vmul.f32 $5.000000000e-01, v14;
	v9 =	vld [tilespmem:s24+$0xFFFFFFF0]  }
0x2e5: {  	v10 =	vadd.f32 v8, v7;
	v7 =	vsub.f32 v7, v8;
	[tilespmem:s28+$0x30] =	vst v12;
	v14 =	vld [tilespmem:s10+$0xFFFFFFF0]  }
0x2e6: {  	v8 =	vld [tilespmem:s15+$0x40];
	[tilespmem:s23+$0x40] =	vst v0;
	v0 =	vand.u32 $0x7FFFFFFF, v6  }
.Ltmp6:
0x2e7: {  	v10 =	vmul.f32 $5.000000000e-01, v10;
	v12 =	vadd.f32 v5, v13;
	v5 =	vsub.f32 v13, v5;
	v11 =	vld [tilespmem:s4+$0x40];
	[tilespmem:s29+$0x40] =	vst v0;
	(pc) =	sbr.rel @p1 .LBB2_6-.Ltmp6, $4  }
0x2e8: {  	v0 =	vand.u32 $0x7FFFFFFF, v7;
	v6 =	vld [tilespmem:s15+$0xD0];
	v7 =	vadd.f32 v15, v4;
	v13 =	vsub.f32 v4, v15;
	[tilespmem:s8+$0x60] =	vst v3  }
0x2e9: {  	[tilespmem:s6+$0x40] =	vst v10;
	v15 =	vmul.f32 $5.000000000e-01, v12;
	v12 =	vand.u32 $0x7FFFFFFF, v5;
	v10 =	vld [tilespmem:s4+$0xD0]  }
0x2ea: {  	[tilespmem:s22+$0x40] =	vst v0;
	v7 =	vmul.f32 $5.000000000e-01, v7;
	v5 =	vadd.f32 v14, v9;
	v4 =	vsub.f32 v9, v14;
	v0 =	vld [tilespmem:s24+$0x70];
	s24 =	smov.u32 s15  }
0x2eb: {  	s15 =	sadd.s32 $0x200, s15;
	v9 =	vand.u32 $0x7FFFFFFF, v13;
	v3 =	vld [tilespmem:s24+$0xFFFFFF50];
	[tilespmem:s3+$0x40] =	vst v15  }
0x2ec: {  	v13 =	vadd.f32 v11, v8;
	_ =	sdelay $0x1  }
0x2ed: {  	v57 =	vsub.f32 v8, v11;
	v58 =	vmul.f32 $5.000000000e-01, v13  }
0x2ee: {  	[tilespmem:s12+$0x40] =	vst v12;
	v56 =	vld [tilespmem:s5+$0xFFFFFF50]  }
0x2ef: {  	v59 =	vld [tilespmem:s24+$0xFFFFFFD0];
	v8 =	vand.u32 $0x7FFFFFFF, v57;
	[tilespmem:s13+$0x40] =	vst v58  }
0x2f0: {  	v14 =	vld [tilespmem:s5+$0xFFFFFFD0];
	[tilespmem:s28+$0x40] =	vst v8  }
0x2f1: {  	v15 =	vadd.f32 v10, v6;
	v11 =	vld [tilespmem:s24+$0x50]  }
0x2f2: {  	v60 =	vsub.f32 v6, v10;
	v63 =	vld [tilespmem:s5+$0x50]  }
0x2f3: {  	v61 =	vmul.f32 $5.000000000e-01, v15;
	v62 =	vadd.f32 v56, v3  }
0x2f4: {  	v6 =	vand.u32 $0x7FFFFFFF, v60  }
0x2f5: {  	v18 =	vsub.f32 v3, v56;
	[tilespmem:s23+$0x50] =	vst v61;
	v20 =	vadd.f32 v14, v59;
	v19 =	vmul.f32 $5.000000000e-01, v62  }
0x2f6: {  	v21 =	vsub.f32 v59, v14;
	[tilespmem:s29+$0x50] =	vst v6  }
0x2f7: {  	v3 =	vand.u32 $0x7FFFFFFF, v18;
	v6 =	vld [tilespmem:s24+$0xE0];
	v22 =	vmul.f32 $5.000000000e-01, v20;
	[tilespmem:s6+$0x50] =	vst v19;
	v26 =	vadd.f32 v63, v11  }
0x2f8: {  	v23 =	vld [tilespmem:s5+$0xE0];
	[tilespmem:s22+$0x50] =	vst v3  }
0x2f9: {  	v24 =	vand.u32 $0x7FFFFFFF, v21;
	[tilespmem:s3+$0x50] =	vst v22;
	v25 =	vld [tilespmem:s24+$0xFFFFFF60];
	v28 =	vsub.f32 v11, v63;
	v29 =	vmul.f32 $5.000000000e-01, v26  }
0x2fa: {  	v27 =	vld [tilespmem:s5+$0xFFFFFF60];
	[tilespmem:s12+$0x50] =	vst v24  }
0x2fb: {  	v30 =	vld [tilespmem:s24+$0xFFFFFFE0];
	v3 =	vand.u32 $0x7FFFFFFF, v28;
	[tilespmem:s13+$0x50] =	vst v29  }
0x2fc: {  	v31 =	vld [tilespmem:s5+$0xFFFFFFE0];
	[tilespmem:s28+$0x50] =	vst v3  }
0x2fd: {  	[tilespmem:s9+$0x70] =	vst v7;
	v32 =	vadd.f32 v23, v6;
	v35 =	vld [tilespmem:s24+$0x60]  }
0x2fe: {  	[tilespmem:s19+$0x70] =	vst v2;
	v6 =	vsub.f32 v6, v23;
	v36 =	vld [tilespmem:s5+$0x60]  }
0x2ff: {  	[tilespmem:s21+$0x70] =	vst v9;
	v33 =	vmul.f32 $5.000000000e-01, v32;
	v34 =	vadd.f32 v27, v25  }
0x300: {  	[tilespmem:s18+$0x70] =	vst v1;
	v6 =	vand.u32 $0x7FFFFFFF, v6  }
0x301: {  	v37 =	vsub.f32 v25, v27;
	[tilespmem:s23+$0x60] =	vst v33;
	v38 =	vadd.f32 v31, v30;
	v7 =	vmul.f32 $5.000000000e-01, v34  }
0x302: {  	v50 =	vld [tilespmem:s10+$0x70];
	v39 =	vsub.f32 v30, v31;
	[tilespmem:s29+$0x60] =	vst v6  }
0x303: {  	v3 =	vand.u32 $0x7FFFFFFF, v37;
	v6 =	vld [tilespmem:s24+$0xF0];
	v8 =	vmul.f32 $5.000000000e-01, v38;
	[tilespmem:s6+$0x60] =	vst v7;
	v43 =	vadd.f32 v36, v35  }
0x304: {  	v40 =	vld [tilespmem:s5+$0xF0];
	[tilespmem:s22+$0x60] =	vst v3  }
0x305: {  	v7 =	vand.u32 $0x7FFFFFFF, v39;
	[tilespmem:s3+$0x60] =	vst v8;
	v42 =	vld [tilespmem:s24+$0xFFFFFF70];
	v45 =	vsub.f32 v35, v36;
	v46 =	vmul.f32 $5.000000000e-01, v43  }
0x306: {  	[tilespmem:s12+$0x60] =	vst v7;
	v44 =	vld [tilespmem:s5+$0xFFFFFF70]  }
0x307: {  	v41 =	vmul.f32 $5.000000000e-01, v5;
	v57 =	vadd.f32 v50, v0;
	v47 =	vld [tilespmem:s24+$0xFFFFFFF0];
	v3 =	vand.u32 $0x7FFFFFFF, v45;
	[tilespmem:s13+$0x60] =	vst v46  }
0x308: {  	v4 =	vand.u32 $0x7FFFFFFF, v4;
	v48 =	vld [tilespmem:s5+$0xFFFFFFF0];
	[tilespmem:s28+$0x60] =	vst v3  }
0x309: {  	[tilespmem:s16+$0x70] =	vst v41;
	v58 =	vsub.f32 v0, v50;
	v1 =	vmul.f32 $5.000000000e-01, v57;
	v49 =	vadd.f32 v40, v6;
	v8 =	vld [tilespmem:s24+$0x70]  }
0x30a: {  	[tilespmem:s20+$0x70] =	vst v4;
	v6 =	vsub.f32 v6, v40;
	v54 =	vld [tilespmem:s5+$0x70]  }
0x30b: {  	v0 =	vand.u32 $0x7FFFFFFF, v58;
	[tilespmem:s11+$0x70] =	vst v1;
	v51 =	vmul.f32 $5.000000000e-01, v49;
	v52 =	vadd.f32 v44, v42  }
0x30c: {  	[tilespmem:s8+$0x70] =	vst v0;
	v53 =	vand.u32 $0x7FFFFFFF, v6  }
0x30d: {  	v55 =	vsub.f32 v42, v44;
	[tilespmem:s23+$0x70] =	vst v51;
	v56 =	vadd.f32 v48, v47;
	v3 =	vmul.f32 $5.000000000e-01, v52  }
0x30e: {  	v4 =	vsub.f32 v47, v48;
	[tilespmem:s29+$0x70] =	vst v53  }
0x30f: {  	v2 =	vand.u32 $0x7FFFFFFF, v55;
	v5 =	vmul.f32 $5.000000000e-01, v56;
	[tilespmem:s6+$0x70] =	vst v3;
	v60 =	vadd.f32 v54, v8  }
0x310: {  	[tilespmem:s22+$0x70] =	vst v2  }
0x311: {  	v59 =	vand.u32 $0x7FFFFFFF, v4;
	[tilespmem:s3+$0x70] =	vst v5;
	v61 =	vsub.f32 v8, v54;
	v62 =	vmul.f32 $5.000000000e-01, v60  }
0x312: {  	[tilespmem:s12+$0x70] =	vst v59  }
0x313: {  	v63 =	vand.u32 $0x7FFFFFFF, v61;
	[tilespmem:s13+$0x70] =	vst v62  }
0x314: {  	s1 =	simm.s32 $0x4;
	[tilespmem:s28+$0x70] =	vst v63  }
0x315: {  	_ =	swait.ge [sflag:s1], $0x2800  }
.Ltmp7:
0x316: {  	s0 =	rddreg [dreg:$0x11];
	[sflag:s1] =	ssyncset.done $0x0;
	(pc) =	sbr.rel .LBB2_8-.Ltmp7, $4  }
0x317: {  	s0 =	smul.u32 $0xF00, s0;
	[sflag:s1] =	ssyncadd.s32 $0xFFFFD800  }
0x318: {  	s1 =	rddreg [dreg:$0x3]  }
0x319: {  	s31 =	simm.s32 $0x0;
	s2 =	simm.s32 $0x11A00;
	s0 =	sadd.s32 s1, s0  }
0x31a: {  	[hbm4b:s0+s31] =	stream.linear.scatter [tilespmem:s2], [sflag:$0x6], $0x7800, $0x38;
	[tilespmem:$0x19200] =	vst v63  }
.LBB2_10:
0x31b: {  	_ =	sfence.sel $0x180000  }
0x31c: {  	[bflag:$0x0] =	sbarrier.arrive $0xFFFF  }
0x31d: {  	_ =	strace $0x90000047  }
0x31e: {  	s0 =	stileid.u32;
	[bflag:$0x2] =	sbarrier.arrive $0xFFFF  }
0x31f: {  	p0 =	sne.s32 s0, $0x0;
	s0 =	rddreg [dreg:$0x4]  }
0x320: {  	s0 =	sadd.s32 @!p0 $0x100000, s0  }
0x321: {  	[sflag:s0] =	ssyncadd.tile.s32 @!p0 $0x1;
	_ =	shalt  }
.Lfunc_end2:
_tile_overlayer_lowered:
.L_overlay_start_2:
0x322: {  	(tag) =	ssettag $0x2  }
0x323: {  	s0 =	rddreg [dreg:$0x0];
	s2 =	stileid.u32  }
0x324: {  	s1 =	rddreg [dreg:$0x1];
	p0 =	sne.s32 s2, $0x0  }
0x325: {  	s3 =	rddreg [dreg:$0x2];
	[bflag:$0x3] =	sbarrier.arrive $0xFFFF;
	s2 =	simm.s32 @!p0 $0x1C09  }
0x326: {  	[timem:s3], [sflag:s2] =	dma.local @!p0 [hbm:s0], s1  }
0x327: {  	s0 =	simm.s32 @!p0 $0x9  }
0x328: {  	_ =	swait.ge @!p0 [sflag:s0], s1  }
0x329: {  	s1 =	ssub.s32 @!p0 $0x0, s1;
	[sflag:s0] =	ssyncset.done @!p0 $0x0  }
0x32a: {  	[sflag:s0] =	ssyncadd.s32 @!p0 s1  }
0x32b: {  	[bflag:$0x3] =	sbarrier.arrive $0xFFFF  }
0x32c: {  	_ =	shalt  }

</sc_bundles>
